<compile_context>
chip_gen: v7x
topology: tpu7x:2x2x1
jax: 0.10.2.dev20260603
libtpu: 0.0.44.dev20260713+nightly
codegen_flags: <defaults>
</compile_context>

<pallas_src>
import functools

import jax
import jax.numpy as jnp
from jax import lax
from jax.experimental import pallas as pl
from jax.experimental.pallas import tpu as pltpu
from jax.experimental.pallas import tpu_sc as plsc

_B = 8
_M = 2048
_D = 1024
_TOTAL = 8192
_NW = 32
_VR = _TOTAL // _NW
_C = 32
_NCV = _VR // _C
_NBUF = 3
_ZC = 256


def _make_sc_kernel():
  mesh = plsc.VectorSubcoreMesh(core_axis_name="c", subcore_axis_name="s")

  @functools.partial(
      pl.kernel,
      mesh=mesh,
      out_type=(),
      scratch_types=[
          pltpu.VMEM((16,), jnp.int32),
          pltpu.VMEM((_NCV, _C), jnp.int32),
          pltpu.VMEM((_NBUF, _C, _D), jnp.float32),
          pltpu.SemaphoreType.DMA,
          pltpu.SemaphoreType.DMA,
      ],
  )
  def k(flat_hbm, cu_hbm, out_hbm, cu_v, idxv, bufs, gsem, ssem):
    wid = lax.axis_index("s") * 2 + lax.axis_index("c")
    pltpu.sync_copy(cu_hbm, cu_v.at[pl.ds(0, _B + 1)])

    iota = lax.iota(jnp.int32, 16)
    cu_vec = cu_v[pl.ds(0, 16)]
    cus = [cu_vec[i] for i in range(_B + 1)]
    zero = jnp.int32(0)

    vbase = wid * _VR

    def valid_idx(g, carry):
      iv = vbase + g * 16 + iota
      bm = jnp.where(iv >= cus[1], jnp.int32(_M), zero)
      cu_b = jnp.where(iv >= cus[1], cus[1] - cus[0], zero)
      for t in range(2, _B):
        bm = bm + jnp.where(iv >= cus[t], jnp.int32(_M), zero)
        cu_b = cu_b + jnp.where(iv >= cus[t], cus[t] - cus[t - 1], zero)
      grp = _C // 16
      idxv[g // grp, pl.ds((g % grp) * 16, 16)] = bm + iv - cu_b
      return carry

    lax.fori_loop(0, _VR // 16, valid_idx, zero)

    def gather(c, slot):
      pltpu.async_copy(
          flat_hbm.at[pl.ds(vbase + c * _C, _C)], bufs.at[slot], gsem)

    def wait_gather(c, slot):
      pltpu.make_async_copy(
          flat_hbm.at[pl.ds(vbase + c * _C, _C)], bufs.at[slot], gsem).wait()

    def scatter(c, slot):
      pltpu.async_copy(bufs.at[slot], out_hbm.at[idxv.at[c]], ssem)

    def wait_scatter(c, slot):
      pltpu.make_async_copy(
          bufs.at[slot], out_hbm.at[idxv.at[c]], ssem).wait()

    for c in range(_NBUF):
      gather(c, c)

    def pipe(c, slot):
      wait_gather(c, slot)
      scatter(c, slot)

      @pl.when(c + _NBUF < _NCV)
      def _():
        wait_scatter(c, slot)
        gather(c + _NBUF, slot)

      return jnp.where(slot == _NBUF - 1, 0, slot + 1)

    lax.fori_loop(0, _NCV, pipe, zero)

    def drain(c, carry):
      wait_scatter(c, jnp.mod(c, _NBUF))
      return carry

    lax.fori_loop(_NCV - _NBUF, _NCV, drain, zero)

  return k


def _tc_zero_body(cu_ref, out_ref, zc, sem):
  zc[...] = jnp.zeros((_ZC, _D), jnp.float32)
  for fire in (True, False):
    for b in range(_B):
      lenb = cu_ref[b + 1] - cu_ref[b]
      start = (lenb // 8) * 8
      length = _M - start
      big = length // _ZC
      end = (b + 1) * _M

      def zchunk(i, carry):
        cp = pltpu.make_async_copy(
            zc,
            out_ref.at[pl.ds(pl.multiple_of(end - (i + 1) * _ZC, 8), _ZC)],
            sem)
        if fire:
          cp.start()
        else:
          cp.wait()
        return carry

      lax.fori_loop(0, big, zchunk, jnp.int32(0))

      pos = end - big * _ZC
      rem = length - big * _ZC
      kk = _ZC // 2
      while kk >= 8:
        k = kk
        hit = (rem & k) != 0
        pos = jnp.where(hit, pos - k, pos)

        @pl.when(hit)
        def _(pos=pos, k=k):
          cp = pltpu.make_async_copy(
              zc.at[pl.ds(0, k)],
              out_ref.at[pl.ds(pl.multiple_of(pos, 8), k)], sem)
          if fire:
            cp.start()
          else:
            cp.wait()

        kk //= 2


_sc_valid = _make_sc_kernel()

_tc_zero = pl.pallas_call(
    _tc_zero_body,
    out_shape=jax.ShapeDtypeStruct((_B * _M, _D), jnp.float32),
    in_specs=[pl.BlockSpec(memory_space=pltpu.SMEM)],
    out_specs=pl.BlockSpec(memory_space=pl.ANY),
    scratch_shapes=[
        pltpu.VMEM((_ZC, _D), jnp.float32),
        pltpu.SemaphoreType.DMA,
    ],
)


def _tc_mask_body(cu_ref, mask_ref):
  m = lax.broadcasted_iota(jnp.int32, (_B, _M), 1)
  row = lax.broadcasted_iota(jnp.int32, (_B, _M), 0)
  acc = jnp.zeros((_B, _M), jnp.bool_)
  for b in range(_B):
    lenb = cu_ref[b + 1] - cu_ref[b]
    acc = jnp.logical_or(acc, jnp.logical_and(row == b, m >= lenb))
  mask_ref[...] = acc


_tc_mask = pl.pallas_call(
    _tc_mask_body,
    out_shape=jax.ShapeDtypeStruct((_B, _M), jnp.bool_),
    in_specs=[pl.BlockSpec(memory_space=pltpu.SMEM)],
)


@jax.jit
def kernel(flat, cu_seqlens):
  cu = cu_seqlens.astype(jnp.int32)
  init = _tc_zero(cu)
  ref = jax.new_ref(init)
  _sc_valid(flat, cu, ref)
  mask = _tc_mask(cu)
  return ref[...].reshape(_B, _M, _D), mask

# --- scband reference (transcript-rebuilt; emitter-appended) ---
"""Pipeline reference for scband-zero-padding-49151605736121 (READ-ONLY COPY).

The authoritative reference and input builder live on the scoring server;
editing this copy changes nothing except your own understanding.
"""

import jax, jax.numpy as jnp
import numpy as np

B = 8
M_MAX = 2048
D = 1024
TOTAL = 8192


def setup_inputs(seed: int = 0) -> dict:
    key = jax.random.key(seed)
    flat = jax.random.normal(key, (TOTAL, D), dtype=jnp.float32)
    # Deterministic ragged lengths summing to TOTAL, with max length == M_MAX
    lengths = np.array([2048, 1536, 1280, 1024, 896, 768, 512, 128], dtype=np.int32)
    assert int(lengths.sum()) == TOTAL and int(lengths.max()) == M_MAX
    cu_seqlens = jnp.asarray(np.concatenate([[0], np.cumsum(lengths)]).astype(np.int32))
    return {"flat": flat, "cu_seqlens": cu_seqlens}


def reference(flat, cu_seqlens):
    # ZeroPadding: pack a ragged batch (flat tokens + cu_seqlens) into a dense
    # padded tensor [B, M_max, d_model] plus a boolean key-padding mask [B, M_max]
    # (True marks padding positions). Padding rows are zeros (the buffer vector).
    b = cu_seqlens.shape[0] - 1
    d_model = flat.shape[1]
    lengths = cu_seqlens[1:] - cu_seqlens[:-1]
    m_max = M_MAX  # static pad target == max length in this batch

    tok = jnp.arange(flat.shape[0])
    # For each flat token, which sequence it belongs to and its position within it
    b_ids = jnp.searchsorted(cu_seqlens[1:], tok, side='right')
    pos = tok - cu_seqlens[b_ids]

    padded_memory = jnp.zeros((b, m_max, d_model), dtype=flat.dtype).at[b_ids, pos].set(flat)
    memory_key_padding_mask = jnp.arange(m_max)[None, :] >= lengths[:, None]
    return padded_memory, memory_key_padding_mask

if __name__ == "__main__":
    import jax
    _d = setup_inputs()
    print(jax.jit(kernel)(*tuple(_d.values())))

</pallas_src>

<mosaic_0001>
#map = affine_map<(d0, d1) -> (0, 0)>
#map1 = affine_map<(d0, d1) -> (0)>
module attributes {stable_mosaic.version = 14 : i64} {
  func.func @new_body(%arg0: i32, %arg1: i32, %arg2: memref<8192x1024xf32, #tpu.memory_space<hbm>>, %arg3: memref<9xi32, #tpu.memory_space<hbm>>, %arg4: memref<16384x1024xf32, #tpu.memory_space<hbm>>, %arg5: memref<16384x1024xf32, #tpu.memory_space<hbm>>, %arg6: memref<16xi32, #tpu.memory_space<vmem>>, %arg7: memref<8x32xi32, #tpu.memory_space<vmem>>, %arg8: memref<3x32x1024xf32, #tpu.memory_space<vmem>>, %arg9: memref<!tpu.dma_semaphore, #tpu.memory_space<semaphore_mem>>, %arg10: memref<!tpu.dma_semaphore, #tpu.memory_space<semaphore_mem>>) attributes {dimension_semantics = [#tpu.dimension_semantics<core_parallel>, #tpu.dimension_semantics<subcore_parallel>], iteration_bounds = array<i64: 2, 16>, scalar_prefetch = 0 : i64, scratch_operands = 5 : i64, tpu.core_type = #tpu.core_type<sc_vector_subcore>, window_params = [{transform_indices = #map}, {transform_indices = #map1}, {transform_indices = #map}, {transform_indices = #map}]} {
    %mul3A = arith.constant 2 : i32
    %mul3A_0 = arith.muli %arg1, %mul3A : i32
    %add3A = arith.addi %mul3A_0, %arg0 : i32
    "tpu.region"() ({
      %run_scoped3A = tpu.sem_alloc : memref<!tpu.dma_semaphore, #tpu.memory_space<semaphore_mem>>
      %dma_start3A_84 = arith.constant 0 : i32
      %dma_start3A_85 = tpu.memref_slice %arg6[%dma_start3A_84] : memref<16xi32, #tpu.memory_space<vmem>> -> memref<9xi32, #tpu.memory_space<vmem>>
      %dma_start3A_86 = arith.constant 0 : i32
      %dma_start3A_87 = tpu.memref_slice %arg6[%dma_start3A_86] : memref<16xi32, #tpu.memory_space<vmem>> -> memref<9xi32, #tpu.memory_space<vmem>>
      tpu.enqueue_dma source(%arg3 : memref<9xi32, #tpu.memory_space<hbm>>) target(%dma_start3A_87 : memref<9xi32, #tpu.memory_space<vmem>>) target_semaphore(%run_scoped3A : memref<!tpu.dma_semaphore, #tpu.memory_space<semaphore_mem>>)
      %dma_wait3A = arith.constant 0 : i32
      %dma_wait3A_88 = tpu.memref_slice %arg6[%dma_wait3A] : memref<16xi32, #tpu.memory_space<vmem>> -> memref<9xi32, #tpu.memory_space<vmem>>
      %dma_wait3A_89 = arith.constant 0 : i32
      %dma_wait3A_90 = tpu.memref_slice %arg6[%dma_wait3A_89] : memref<16xi32, #tpu.memory_space<vmem>> -> memref<9xi32, #tpu.memory_space<vmem>>
      tpu.wait_dma2 semaphore(%run_scoped3A : memref<!tpu.dma_semaphore, #tpu.memory_space<semaphore_mem>>) src(%arg3 : memref<9xi32, #tpu.memory_space<hbm>>) dst(%dma_wait3A_90 : memref<9xi32, #tpu.memory_space<vmem>>)
      tpu.yield
    }) : () -> ()
    %iota3A = tpu.iota {dimensions = array<i32: 0>} : vector<16xi32>
    %get3A = arith.constant 0 : index
    %get3A_1 = tpu.vector_load %arg6[%get3A] {strides = array<i32>} : memref<16xi32, #tpu.memory_space<vmem>>, vector<16xi32>,
    %get3A_2 = vector.shape_cast %get3A_1 : vector<16xi32> to vector<16xi32>
    %slice3A = vector.extract_strided_slice %get3A_2 {offsets = [0], sizes = [1], strides = [1]} : vector<16xi32> to vector<1xi32>
    %squeeze3A = vector.extract %slice3A[0] : i32 from vector<1xi32>
    %slice3A_3 = vector.extract_strided_slice %get3A_2 {offsets = [1], sizes = [1], strides = [1]} : vector<16xi32> to vector<1xi32>
    %squeeze3A_4 = vector.extract %slice3A_3[0] : i32 from vector<1xi32>
    %slice3A_5 = vector.extract_strided_slice %get3A_2 {offsets = [2], sizes = [1], strides = [1]} : vector<16xi32> to vector<1xi32>
    %squeeze3A_6 = vector.extract %slice3A_5[0] : i32 from vector<1xi32>
    %slice3A_7 = vector.extract_strided_slice %get3A_2 {offsets = [3], sizes = [1], strides = [1]} : vector<16xi32> to vector<1xi32>
    %squeeze3A_8 = vector.extract %slice3A_7[0] : i32 from vector<1xi32>
    %slice3A_9 = vector.extract_strided_slice %get3A_2 {offsets = [4], sizes = [1], strides = [1]} : vector<16xi32> to vector<1xi32>
    %squeeze3A_10 = vector.extract %slice3A_9[0] : i32 from vector<1xi32>
    %slice3A_11 = vector.extract_strided_slice %get3A_2 {offsets = [5], sizes = [1], strides = [1]} : vector<16xi32> to vector<1xi32>
    %squeeze3A_12 = vector.extract %slice3A_11[0] : i32 from vector<1xi32>
    %slice3A_13 = vector.extract_strided_slice %get3A_2 {offsets = [6], sizes = [1], strides = [1]} : vector<16xi32> to vector<1xi32>
    %squeeze3A_14 = vector.extract %slice3A_13[0] : i32 from vector<1xi32>
    %slice3A_15 = vector.extract_strided_slice %get3A_2 {offsets = [7], sizes = [1], strides = [1]} : vector<16xi32> to vector<1xi32>
    %squeeze3A_16 = vector.extract %slice3A_15[0] : i32 from vector<1xi32>
    %slice3A_17 = vector.extract_strided_slice %get3A_2 {offsets = [8], sizes = [1], strides = [1]} : vector<16xi32> to vector<1xi32>
    %squeeze3A_18 = vector.extract %slice3A_17[0] : i32 from vector<1xi32>
    %mul3A_19 = arith.constant 256 : i32
    %mul3A_20 = arith.muli %add3A, %mul3A_19 : i32
    %scan3A = arith.constant 0 : i32
    %scan3A_21 = arith.constant 0 : i32
    %scan3A_22 = arith.constant 0 : i32
    %scan3A_23 = arith.constant 16 : i32
    %scan3A_24 = arith.addi %scan3A_22, %scan3A_23 : i32
    %scan3A_25 = arith.constant 1 : i32
    scf.for %scan3A_84 = %scan3A_22 to %scan3A_24 step %scan3A_25  : i32 {
      %mul3A_85 = arith.constant 16 : i32
      %mul3A_86 = arith.muli %scan3A_84, %mul3A_85 : i32
      %add3A_87 = arith.addi %mul3A_20, %mul3A_86 : i32
      %add3A_88 = vector.broadcast %add3A_87 : i32 to vector<16xi32>
      %add3A_89 = arith.addi %add3A_88, %iota3A : vector<16xi32>
      %ge3A = vector.broadcast %squeeze3A_4 : i32 to vector<16xi32>
      %ge3A_90 = arith.cmpi sge, %add3A_89, %ge3A : vector<16xi32>
      %jit3A = arith.constant 2048 : i32
      %broadcast_in_dim3A = vector.broadcast %jit3A : i32 to vector<16xi32>
      %broadcast_in_dim3A_91 = vector.broadcast %scan3A_21 : i32 to vector<16xi32>
      %select_n3A = arith.select %ge3A_90, %broadcast_in_dim3A, %broadcast_in_dim3A_91 : vector<16xi1>, vector<16xi32>
      %ge3A_92 = vector.broadcast %squeeze3A_4 : i32 to vector<16xi32>
      %ge3A_93 = arith.cmpi sge, %add3A_89, %ge3A_92 : vector<16xi32>
      %sub3A = arith.subi %squeeze3A_4, %squeeze3A : i32
      %broadcast_in_dim3A_94 = vector.broadcast %sub3A : i32 to vector<16xi32>
      %broadcast_in_dim3A_95 = vector.broadcast %scan3A_21 : i32 to vector<16xi32>
      %select_n3A_96 = arith.select %ge3A_93, %broadcast_in_dim3A_94, %broadcast_in_dim3A_95 : vector<16xi1>, vector<16xi32>
      %ge3A_97 = vector.broadcast %squeeze3A_6 : i32 to vector<16xi32>
      %ge3A_98 = arith.cmpi sge, %add3A_89, %ge3A_97 : vector<16xi32>
      %jit3A_99 = arith.constant 2048 : i32
      %broadcast_in_dim3A_100 = vector.broadcast %jit3A_99 : i32 to vector<16xi32>
      %broadcast_in_dim3A_101 = vector.broadcast %scan3A_21 : i32 to vector<16xi32>
      %select_n3A_102 = arith.select %ge3A_98, %broadcast_in_dim3A_100, %broadcast_in_dim3A_101 : vector<16xi1>, vector<16xi32>
      %add3A_103 = arith.addi %select_n3A, %select_n3A_102 : vector<16xi32>
      %ge3A_104 = vector.broadcast %squeeze3A_6 : i32 to vector<16xi32>
      %ge3A_105 = arith.cmpi sge, %add3A_89, %ge3A_104 : vector<16xi32>
      %sub3A_106 = arith.subi %squeeze3A_6, %squeeze3A_4 : i32
      %broadcast_in_dim3A_107 = vector.broadcast %sub3A_106 : i32 to vector<16xi32>
      %broadcast_in_dim3A_108 = vector.broadcast %scan3A_21 : i32 to vector<16xi32>
      %select_n3A_109 = arith.select %ge3A_105, %broadcast_in_dim3A_107, %broadcast_in_dim3A_108 : vector<16xi1>, vector<16xi32>
      %add3A_110 = arith.addi %select_n3A_96, %select_n3A_109 : vector<16xi32>
      %ge3A_111 = vector.broadcast %squeeze3A_8 : i32 to vector<16xi32>
      %ge3A_112 = arith.cmpi sge, %add3A_89, %ge3A_111 : vector<16xi32>
      %jit3A_113 = arith.constant 2048 : i32
      %broadcast_in_dim3A_114 = vector.broadcast %jit3A_113 : i32 to vector<16xi32>
      %broadcast_in_dim3A_115 = vector.broadcast %scan3A_21 : i32 to vector<16xi32>
      %select_n3A_116 = arith.select %ge3A_112, %broadcast_in_dim3A_114, %broadcast_in_dim3A_115 : vector<16xi1>, vector<16xi32>
      %add3A_117 = arith.addi %add3A_103, %select_n3A_116 : vector<16xi32>
      %ge3A_118 = vector.broadcast %squeeze3A_8 : i32 to vector<16xi32>
      %ge3A_119 = arith.cmpi sge, %add3A_89, %ge3A_118 : vector<16xi32>
      %sub3A_120 = arith.subi %squeeze3A_8, %squeeze3A_6 : i32
      %broadcast_in_dim3A_121 = vector.broadcast %sub3A_120 : i32 to vector<16xi32>
      %broadcast_in_dim3A_122 = vector.broadcast %scan3A_21 : i32 to vector<16xi32>
      %select_n3A_123 = arith.select %ge3A_119, %broadcast_in_dim3A_121, %broadcast_in_dim3A_122 : vector<16xi1>, vector<16xi32>
      %add3A_124 = arith.addi %add3A_110, %select_n3A_123 : vector<16xi32>
      %ge3A_125 = vector.broadcast %squeeze3A_10 : i32 to vector<16xi32>
      %ge3A_126 = arith.cmpi sge, %add3A_89, %ge3A_125 : vector<16xi32>
      %jit3A_127 = arith.constant 2048 : i32
      %broadcast_in_dim3A_128 = vector.broadcast %jit3A_127 : i32 to vector<16xi32>
      %broadcast_in_dim3A_129 = vector.broadcast %scan3A_21 : i32 to vector<16xi32>
      %select_n3A_130 = arith.select %ge3A_126, %broadcast_in_dim3A_128, %broadcast_in_dim3A_129 : vector<16xi1>, vector<16xi32>
      %add3A_131 = arith.addi %add3A_117, %select_n3A_130 : vector<16xi32>
      %ge3A_132 = vector.broadcast %squeeze3A_10 : i32 to vector<16xi32>
      %ge3A_133 = arith.cmpi sge, %add3A_89, %ge3A_132 : vector<16xi32>
      %sub3A_134 = arith.subi %squeeze3A_10, %squeeze3A_8 : i32
      %broadcast_in_dim3A_135 = vector.broadcast %sub3A_134 : i32 to vector<16xi32>
      %broadcast_in_dim3A_136 = vector.broadcast %scan3A_21 : i32 to vector<16xi32>
      %select_n3A_137 = arith.select %ge3A_133, %broadcast_in_dim3A_135, %broadcast_in_dim3A_136 : vector<16xi1>, vector<16xi32>
      %add3A_138 = arith.addi %add3A_124, %select_n3A_137 : vector<16xi32>
      %ge3A_139 = vector.broadcast %squeeze3A_12 : i32 to vector<16xi32>
      %ge3A_140 = arith.cmpi sge, %add3A_89, %ge3A_139 : vector<16xi32>
      %jit3A_141 = arith.constant 2048 : i32
      %broadcast_in_dim3A_142 = vector.broadcast %jit3A_141 : i32 to vector<16xi32>
      %broadcast_in_dim3A_143 = vector.broadcast %scan3A_21 : i32 to vector<16xi32>
      %select_n3A_144 = arith.select %ge3A_140, %broadcast_in_dim3A_142, %broadcast_in_dim3A_143 : vector<16xi1>, vector<16xi32>
      %add3A_145 = arith.addi %add3A_131, %select_n3A_144 : vector<16xi32>
      %ge3A_146 = vector.broadcast %squeeze3A_12 : i32 to vector<16xi32>
      %ge3A_147 = arith.cmpi sge, %add3A_89, %ge3A_146 : vector<16xi32>
      %sub3A_148 = arith.subi %squeeze3A_12, %squeeze3A_10 : i32
      %broadcast_in_dim3A_149 = vector.broadcast %sub3A_148 : i32 to vector<16xi32>
      %broadcast_in_dim3A_150 = vector.broadcast %scan3A_21 : i32 to vector<16xi32>
      %select_n3A_151 = arith.select %ge3A_147, %broadcast_in_dim3A_149, %broadcast_in_dim3A_150 : vector<16xi1>, vector<16xi32>
      %add3A_152 = arith.addi %add3A_138, %select_n3A_151 : vector<16xi32>
      %ge3A_153 = vector.broadcast %squeeze3A_14 : i32 to vector<16xi32>
      %ge3A_154 = arith.cmpi sge, %add3A_89, %ge3A_153 : vector<16xi32>
      %jit3A_155 = arith.constant 2048 : i32
      %broadcast_in_dim3A_156 = vector.broadcast %jit3A_155 : i32 to vector<16xi32>
      %broadcast_in_dim3A_157 = vector.broadcast %scan3A_21 : i32 to vector<16xi32>
      %select_n3A_158 = arith.select %ge3A_154, %broadcast_in_dim3A_156, %broadcast_in_dim3A_157 : vector<16xi1>, vector<16xi32>
      %add3A_159 = arith.addi %add3A_145, %select_n3A_158 : vector<16xi32>
      %ge3A_160 = vector.broadcast %squeeze3A_14 : i32 to vector<16xi32>
      %ge3A_161 = arith.cmpi sge, %add3A_89, %ge3A_160 : vector<16xi32>
      %sub3A_162 = arith.subi %squeeze3A_14, %squeeze3A_12 : i32
      %broadcast_in_dim3A_163 = vector.broadcast %sub3A_162 : i32 to vector<16xi32>
      %broadcast_in_dim3A_164 = vector.broadcast %scan3A_21 : i32 to vector<16xi32>
      %select_n3A_165 = arith.select %ge3A_161, %broadcast_in_dim3A_163, %broadcast_in_dim3A_164 : vector<16xi1>, vector<16xi32>
      %add3A_166 = arith.addi %add3A_152, %select_n3A_165 : vector<16xi32>
      %ge3A_167 = vector.broadcast %squeeze3A_16 : i32 to vector<16xi32>
      %ge3A_168 = arith.cmpi sge, %add3A_89, %ge3A_167 : vector<16xi32>
      %jit3A_169 = arith.constant 2048 : i32
      %broadcast_in_dim3A_170 = vector.broadcast %jit3A_169 : i32 to vector<16xi32>
      %broadcast_in_dim3A_171 = vector.broadcast %scan3A_21 : i32 to vector<16xi32>
      %select_n3A_172 = arith.select %ge3A_168, %broadcast_in_dim3A_170, %broadcast_in_dim3A_171 : vector<16xi1>, vector<16xi32>
      %add3A_173 = arith.addi %add3A_159, %select_n3A_172 : vector<16xi32>
      %ge3A_174 = vector.broadcast %squeeze3A_16 : i32 to vector<16xi32>
      %ge3A_175 = arith.cmpi sge, %add3A_89, %ge3A_174 : vector<16xi32>
      %sub3A_176 = arith.subi %squeeze3A_16, %squeeze3A_14 : i32
      %broadcast_in_dim3A_177 = vector.broadcast %sub3A_176 : i32 to vector<16xi32>
      %broadcast_in_dim3A_178 = vector.broadcast %scan3A_21 : i32 to vector<16xi32>
      %select_n3A_179 = arith.select %ge3A_175, %broadcast_in_dim3A_177, %broadcast_in_dim3A_178 : vector<16xi1>, vector<16xi32>
      %add3A_180 = arith.addi %add3A_166, %select_n3A_179 : vector<16xi32>
      %add3A_181 = arith.addi %add3A_173, %add3A_89 : vector<16xi32>
      %sub3A_182 = arith.subi %add3A_181, %add3A_180 : vector<16xi32>
      %jit3A_183 = arith.constant 2 : i32
      %div3A = arith.divsi %scan3A_84, %jit3A_183 : i32
      %sign3A = arith.constant 0 : i32
      %sign3A_184 = arith.cmpi sgt, %scan3A_84, %sign3A : i32
      %sign3A_185 = arith.extui %sign3A_184 : i1 to i32
      %sign3A_186 = arith.constant 0 : i32
      %sign3A_187 = arith.cmpi slt, %scan3A_84, %sign3A_186 : i32
      %sign3A_188 = arith.extui %sign3A_187 : i1 to i32
      %sign3A_189 = arith.subi %sign3A_185, %sign3A_188 : i32
      %sign3A_190 = arith.constant 0 : i32
      %sign3A_191 = arith.cmpi sgt, %jit3A_183, %sign3A_190 : i32
      %sign3A_192 = arith.extui %sign3A_191 : i1 to i32
      %sign3A_193 = arith.constant 0 : i32
      %sign3A_194 = arith.cmpi slt, %jit3A_183, %sign3A_193 : i32
      %sign3A_195 = arith.extui %sign3A_194 : i1 to i32
      %sign3A_196 = arith.subi %sign3A_192, %sign3A_195 : i32
      %ne3A = arith.cmpi ne, %sign3A_189, %sign3A_196 : i32
      %rem3A = arith.remsi %scan3A_84, %jit3A_183 : i32
      %ne3A_197 = arith.constant 0 : i32
      %ne3A_198 = arith.cmpi ne, %rem3A, %ne3A_197 : i32
      %and3A = arith.andi %ne3A, %ne3A_198 : i1
      %sub3A_199 = arith.constant 1 : i32
      %sub3A_200 = arith.subi %div3A, %sub3A_199 : i32
      %select_n3A_201 = arith.select %and3A, %sub3A_200, %div3A : i32
      %jit3A_202 = arith.constant 2 : i32
      %eq3A = arith.constant 0 : i32
      %eq3A_203 = arith.cmpi eq, %jit3A_202, %eq3A : i32
      %jit3A_204 = arith.constant 1 : i32
      %select_n3A_205 = arith.select %eq3A_203, %jit3A_204, %jit3A_202 : i32
      %rem3A_206 = arith.remsi %scan3A_84, %select_n3A_205 : i32
      %ne3A_207 = arith.constant 0 : i32
      %ne3A_208 = arith.cmpi ne, %rem3A_206, %ne3A_207 : i32
      %lt3A = arith.constant 0 : i32
      %lt3A_209 = arith.cmpi slt, %rem3A_206, %lt3A : i32
      %lt3A_210 = arith.constant 0 : i32
      %lt3A_211 = arith.cmpi slt, %select_n3A_205, %lt3A_210 : i32
      %ne3A_212 = arith.xori %lt3A_209, %lt3A_211 : i1
      %and3A_213 = arith.andi %ne3A_212, %ne3A_208 : i1
      %add3A_214 = arith.addi %rem3A_206, %select_n3A_205 : i32
      %select_n3A_215 = arith.select %and3A_213, %add3A_214, %rem3A_206 : i32
      %mul3A_216 = arith.constant 16 : i32
      %mul3A_217 = arith.muli %select_n3A_215, %mul3A_216 : i32
      %swap3A = arith.index_cast %select_n3A_201 : i32 to index
      %swap3A_218 = arith.index_cast %mul3A_217 : i32 to index
      %swap3A_219 = tpu.vector_load %arg7[%swap3A, %swap3A_218] {strides = array<i32>} : memref<8x32xi32, #tpu.memory_space<vmem>>, vector<1x16xi32>,
      %swap3A_220 = vector.shape_cast %swap3A_219 : vector<1x16xi32> to vector<16xi32>
      %swap3A_221 = vector.shape_cast %sub3A_182 : vector<16xi32> to vector<1x16xi32>
      tpu.vector_store %arg7[%swap3A, %swap3A_218], %swap3A_221 {strides = array<i32>} : memref<8x32xi32, #tpu.memory_space<vmem>>, vector<1x16xi32>,
    }
    %scan3A_26 = arith.constant 16 : i32
    %add3A_27 = arith.constant 0 : i32
    %add3A_28 = arith.addi %mul3A_20, %add3A_27 : i32
    %dma_start3A = arith.constant 0 : i32
    %dma_start3A_29 = arith.constant 0 : i32
    %dma_start3A_30 = arith.constant 0 : i32
    %dma_start3A_31 = tpu.memref_slice %arg8[%dma_start3A, %dma_start3A_29, %dma_start3A_30] : memref<3x32x1024xf32, #tpu.memory_space<vmem>> -> memref<1x32x1024xf32, #tpu.memory_space<vmem>>
    %dma_start3A_32 = tpu.memref_squeeze %dma_start3A_31 : memref<1x32x1024xf32, #tpu.memory_space<vmem>> -> memref<32x1024xf32, #tpu.memory_space<vmem>>
    %dma_start3A_33 = arith.constant 0 : i32
    %dma_start3A_34 = tpu.memref_slice %arg2[%add3A_28, %dma_start3A_33] : memref<8192x1024xf32, #tpu.memory_space<hbm>> -> memref<32x1024xf32, #tpu.memory_space<hbm>>
    %dma_start3A_35 = arith.constant 0 : i32
    %dma_start3A_36 = arith.constant 0 : i32
    %dma_start3A_37 = tpu.memref_slice %arg8[%dma_start3A, %dma_start3A_35, %dma_start3A_36] : memref<3x32x1024xf32, #tpu.memory_space<vmem>> -> memref<1x32x1024xf32, #tpu.memory_space<vmem>>
    %dma_start3A_38 = tpu.memref_squeeze %dma_start3A_37 : memref<1x32x1024xf32, #tpu.memory_space<vmem>> -> memref<32x1024xf32, #tpu.memory_space<vmem>>
    %dma_start3A_39 = arith.constant 0 : i32
    %dma_start3A_40 = tpu.memref_slice %arg2[%add3A_28, %dma_start3A_39] : memref<8192x1024xf32, #tpu.memory_space<hbm>> -> memref<32x1024xf32, #tpu.memory_space<hbm>>
    tpu.enqueue_dma source(%dma_start3A_40 : memref<32x1024xf32, #tpu.memory_space<hbm>>) target(%dma_start3A_38 : memref<32x1024xf32, #tpu.memory_space<vmem>>) target_semaphore(%arg9 : memref<!tpu.dma_semaphore, #tpu.memory_space<semaphore_mem>>)
    %add3A_41 = arith.constant 32 : i32
    %add3A_42 = arith.addi %mul3A_20, %add3A_41 : i32
    %dma_start3A_43 = arith.constant 1 : i32
    %dma_start3A_44 = arith.constant 0 : i32
    %dma_start3A_45 = arith.constant 0 : i32
    %dma_start3A_46 = tpu.memref_slice %arg8[%dma_start3A_43, %dma_start3A_44, %dma_start3A_45] : memref<3x32x1024xf32, #tpu.memory_space<vmem>> -> memref<1x32x1024xf32, #tpu.memory_space<vmem>>
    %dma_start3A_47 = tpu.memref_squeeze %dma_start3A_46 : memref<1x32x1024xf32, #tpu.memory_space<vmem>> -> memref<32x1024xf32, #tpu.memory_space<vmem>>
    %dma_start3A_48 = arith.constant 0 : i32
    %dma_start3A_49 = tpu.memref_slice %arg2[%add3A_42, %dma_start3A_48] : memref<8192x1024xf32, #tpu.memory_space<hbm>> -> memref<32x1024xf32, #tpu.memory_space<hbm>>
    %dma_start3A_50 = arith.constant 0 : i32
    %dma_start3A_51 = arith.constant 0 : i32
    %dma_start3A_52 = tpu.memref_slice %arg8[%dma_start3A_43, %dma_start3A_50, %dma_start3A_51] : memref<3x32x1024xf32, #tpu.memory_space<vmem>> -> memref<1x32x1024xf32, #tpu.memory_space<vmem>>
    %dma_start3A_53 = tpu.memref_squeeze %dma_start3A_52 : memref<1x32x1024xf32, #tpu.memory_space<vmem>> -> memref<32x1024xf32, #tpu.memory_space<vmem>>
    %dma_start3A_54 = arith.constant 0 : i32
    %dma_start3A_55 = tpu.memref_slice %arg2[%add3A_42, %dma_start3A_54] : memref<8192x1024xf32, #tpu.memory_space<hbm>> -> memref<32x1024xf32, #tpu.memory_space<hbm>>
    tpu.enqueue_dma source(%dma_start3A_55 : memref<32x1024xf32, #tpu.memory_space<hbm>>) target(%dma_start3A_53 : memref<32x1024xf32, #tpu.memory_space<vmem>>) target_semaphore(%arg9 : memref<!tpu.dma_semaphore, #tpu.memory_space<semaphore_mem>>)
    %add3A_56 = arith.constant 64 : i32
    %add3A_57 = arith.addi %mul3A_20, %add3A_56 : i32
    %dma_start3A_58 = arith.constant 2 : i32
    %dma_start3A_59 = arith.constant 0 : i32
    %dma_start3A_60 = arith.constant 0 : i32
    %dma_start3A_61 = tpu.memref_slice %arg8[%dma_start3A_58, %dma_start3A_59, %dma_start3A_60] : memref<3x32x1024xf32, #tpu.memory_space<vmem>> -> memref<1x32x1024xf32, #tpu.memory_space<vmem>>
    %dma_start3A_62 = tpu.memref_squeeze %dma_start3A_61 : memref<1x32x1024xf32, #tpu.memory_space<vmem>> -> memref<32x1024xf32, #tpu.memory_space<vmem>>
    %dma_start3A_63 = arith.constant 0 : i32
    %dma_start3A_64 = tpu.memref_slice %arg2[%add3A_57, %dma_start3A_63] : memref<8192x1024xf32, #tpu.memory_space<hbm>> -> memref<32x1024xf32, #tpu.memory_space<hbm>>
    %dma_start3A_65 = arith.constant 0 : i32
    %dma_start3A_66 = arith.constant 0 : i32
    %dma_start3A_67 = tpu.memref_slice %arg8[%dma_start3A_58, %dma_start3A_65, %dma_start3A_66] : memref<3x32x1024xf32, #tpu.memory_space<vmem>> -> memref<1x32x1024xf32, #tpu.memory_space<vmem>>
    %dma_start3A_68 = tpu.memref_squeeze %dma_start3A_67 : memref<1x32x1024xf32, #tpu.memory_space<vmem>> -> memref<32x1024xf32, #tpu.memory_space<vmem>>
    %dma_start3A_69 = arith.constant 0 : i32
    %dma_start3A_70 = tpu.memref_slice %arg2[%add3A_57, %dma_start3A_69] : memref<8192x1024xf32, #tpu.memory_space<hbm>> -> memref<32x1024xf32, #tpu.memory_space<hbm>>
    tpu.enqueue_dma source(%dma_start3A_70 : memref<32x1024xf32, #tpu.memory_space<hbm>>) target(%dma_start3A_68 : memref<32x1024xf32, #tpu.memory_space<vmem>>) target_semaphore(%arg9 : memref<!tpu.dma_semaphore, #tpu.memory_space<semaphore_mem>>)
    %scan3A_71 = arith.constant 0 : i32
    %scan3A_72 = arith.constant 0 : i32
    %scan3A_73 = arith.constant 8 : i32
    %scan3A_74 = arith.addi %scan3A_72, %scan3A_73 : i32
    %scan3A_75 = arith.constant 1 : i32
    %scan3A_76 = scf.for %scan3A_84 = %scan3A_72 to %scan3A_74 step %scan3A_75 iter_args(%scan3A_85 = %scan3A_71) -> (i32)  : i32 {
      %mul3A_86 = arith.constant 32 : i32
      %mul3A_87 = arith.muli %scan3A_84, %mul3A_86 : i32
      %add3A_88 = arith.addi %mul3A_20, %mul3A_87 : i32
      %dma_wait3A = arith.constant 0 : i32
      %dma_wait3A_89 = arith.constant 0 : i32
      %dma_wait3A_90 = tpu.memref_slice %arg8[%scan3A_85, %dma_wait3A, %dma_wait3A_89] : memref<3x32x1024xf32, #tpu.memory_space<vmem>> -> memref<1x32x1024xf32, #tpu.memory_space<vmem>>
      %dma_wait3A_91 = tpu.memref_squeeze %dma_wait3A_90 : memref<1x32x1024xf32, #tpu.memory_space<vmem>> -> memref<32x1024xf32, #tpu.memory_space<vmem>>
      %dma_wait3A_92 = arith.constant 0 : i32
      %dma_wait3A_93 = tpu.memref_slice %arg2[%add3A_88, %dma_wait3A_92] : memref<8192x1024xf32, #tpu.memory_space<hbm>> -> memref<32x1024xf32, #tpu.memory_space<hbm>>
      %dma_wait3A_94 = arith.constant 0 : i32
      %dma_wait3A_95 = arith.constant 0 : i32
      %dma_wait3A_96 = tpu.memref_slice %arg8[%scan3A_85, %dma_wait3A_94, %dma_wait3A_95] : memref<3x32x1024xf32, #tpu.memory_space<vmem>> -> memref<1x32x1024xf32, #tpu.memory_space<vmem>>
      %dma_wait3A_97 = tpu.memref_squeeze %dma_wait3A_96 : memref<1x32x1024xf32, #tpu.memory_space<vmem>> -> memref<32x1024xf32, #tpu.memory_space<vmem>>
      %dma_wait3A_98 = arith.constant 0 : i32
      %dma_wait3A_99 = tpu.memref_slice %arg2[%add3A_88, %dma_wait3A_98] : memref<8192x1024xf32, #tpu.memory_space<hbm>> -> memref<32x1024xf32, #tpu.memory_space<hbm>>
      tpu.wait_dma2 semaphore(%arg9 : memref<!tpu.dma_semaphore, #tpu.memory_space<semaphore_mem>>) src(%dma_wait3A_99 : memref<32x1024xf32, #tpu.memory_space<hbm>>) dst(%dma_wait3A_97 : memref<32x1024xf32, #tpu.memory_space<vmem>>)
      %dma_start3A_100 = arith.constant 0 : i32
      %dma_start3A_101 = arith.constant 0 : i32
      %dma_start3A_102 = tpu.memref_slice %arg8[%scan3A_85, %dma_start3A_100, %dma_start3A_101] : memref<3x32x1024xf32, #tpu.memory_space<vmem>> -> memref<1x32x1024xf32, #tpu.memory_space<vmem>>
      %dma_start3A_103 = tpu.memref_squeeze %dma_start3A_102 : memref<1x32x1024xf32, #tpu.memory_space<vmem>> -> memref<32x1024xf32, #tpu.memory_space<vmem>>
      %dma_start3A_104 = arith.constant 0 : i32
      %dma_start3A_105 = tpu.memref_slice %arg7[%scan3A_84, %dma_start3A_104] : memref<8x32xi32, #tpu.memory_space<vmem>> -> memref<1x32xi32, #tpu.memory_space<vmem>>
      %dma_start3A_106 = tpu.memref_squeeze %dma_start3A_105 : memref<1x32xi32, #tpu.memory_space<vmem>> -> memref<32xi32, #tpu.memory_space<vmem>>
      %dma_start3A_107 = arith.constant 0 : i32
      %dma_start3A_108 = arith.constant 0 : i32
      %dma_start3A_109 = tpu.memref_slice %arg4[%dma_start3A_107, %dma_start3A_108] : memref<16384x1024xf32, #tpu.memory_space<hbm>> -> memref<16384x1024xf32, #tpu.memory_space<hbm>>
      tpu.enqueue_indirect_dma source(%dma_start3A_103 : memref<32x1024xf32, #tpu.memory_space<vmem>>) target(%dma_start3A_109 : memref<16384x1024xf32, #tpu.memory_space<hbm>>) offsets(%dma_start3A_106 : memref<32xi32, #tpu.memory_space<vmem>>) semaphore(%arg10 : memref<!tpu.dma_semaphore, #tpu.memory_space<semaphore_mem>>)
      %add3A_110 = arith.constant 3 : i32
      %add3A_111 = arith.addi %scan3A_84, %add3A_110 : i32
      %lt3A = arith.constant 8 : i32
      %lt3A_112 = arith.cmpi slt, %add3A_111, %lt3A : i32
      %convert_element_type3A = arith.extui %lt3A_112 : i1 to i32
      %cond3A = arith.constant 0 : i32
      %cond3A_113 = arith.cmpi ne, %convert_element_type3A, %cond3A : i32
      scf.if %cond3A_113 {
        %dma_wait3A_117 = arith.constant 0 : i32
        %dma_wait3A_118 = arith.constant 0 : i32
        %dma_wait3A_119 = tpu.memref_slice %arg8[%scan3A_85, %dma_wait3A_117, %dma_wait3A_118] : memref<3x32x1024xf32, #tpu.memory_space<vmem>> -> memref<1x32x1024xf32, #tpu.memory_space<vmem>>
        %dma_wait3A_120 = tpu.memref_squeeze %dma_wait3A_119 : memref<1x32x1024xf32, #tpu.memory_space<vmem>> -> memref<32x1024xf32, #tpu.memory_space<vmem>>
        %dma_wait3A_121 = arith.constant 0 : i32
        %dma_wait3A_122 = tpu.memref_slice %arg7[%scan3A_84, %dma_wait3A_121] : memref<8x32xi32, #tpu.memory_space<vmem>> -> memref<1x32xi32, #tpu.memory_space<vmem>>
        %dma_wait3A_123 = tpu.memref_squeeze %dma_wait3A_122 : memref<1x32xi32, #tpu.memory_space<vmem>> -> memref<32xi32, #tpu.memory_space<vmem>>
        %dma_wait3A_124 = arith.constant 0 : i32
        %dma_wait3A_125 = arith.constant 0 : i32
        %dma_wait3A_126 = tpu.memref_slice %arg4[%dma_wait3A_124, %dma_wait3A_125] : memref<16384x1024xf32, #tpu.memory_space<hbm>> -> memref<16384x1024xf32, #tpu.memory_space<hbm>>
        tpu.wait_indirect_dma semaphore(%arg10 : memref<!tpu.dma_semaphore, #tpu.memory_space<semaphore_mem>>) src(%dma_wait3A_120 : memref<32x1024xf32, #tpu.memory_space<vmem>>) dst(%dma_wait3A_126 : memref<16384x1024xf32, #tpu.memory_space<hbm>>)
        %add3A_127 = arith.constant 3 : i32
        %add3A_128 = arith.addi %scan3A_84, %add3A_127 : i32
        %mul3A_129 = arith.constant 32 : i32
        %mul3A_130 = arith.muli %add3A_128, %mul3A_129 : i32
        %add3A_131 = arith.addi %mul3A_20, %mul3A_130 : i32
        %dma_start3A_132 = arith.constant 0 : i32
        %dma_start3A_133 = arith.constant 0 : i32
        %dma_start3A_134 = tpu.memref_slice %arg8[%scan3A_85, %dma_start3A_132, %dma_start3A_133] : memref<3x32x1024xf32, #tpu.memory_space<vmem>> -> memref<1x32x1024xf32, #tpu.memory_space<vmem>>
        %dma_start3A_135 = tpu.memref_squeeze %dma_start3A_134 : memref<1x32x1024xf32, #tpu.memory_space<vmem>> -> memref<32x1024xf32, #tpu.memory_space<vmem>>
        %dma_start3A_136 = arith.constant 0 : i32
        %dma_start3A_137 = tpu.memref_slice %arg2[%add3A_131, %dma_start3A_136] : memref<8192x1024xf32, #tpu.memory_space<hbm>> -> memref<32x1024xf32, #tpu.memory_space<hbm>>
        %dma_start3A_138 = arith.constant 0 : i32
        %dma_start3A_139 = arith.constant 0 : i32
        %dma_start3A_140 = tpu.memref_slice %arg8[%scan3A_85, %dma_start3A_138, %dma_start3A_139] : memref<3x32x1024xf32, #tpu.memory_space<vmem>> -> memref<1x32x1024xf32, #tpu.memory_space<vmem>>
        %dma_start3A_141 = tpu.memref_squeeze %dma_start3A_140 : memref<1x32x1024xf32, #tpu.memory_space<vmem>> -> memref<32x1024xf32, #tpu.memory_space<vmem>>
        %dma_start3A_142 = arith.constant 0 : i32
        %dma_start3A_143 = tpu.memref_slice %arg2[%add3A_131, %dma_start3A_142] : memref<8192x1024xf32, #tpu.memory_space<hbm>> -> memref<32x1024xf32, #tpu.memory_space<hbm>>
        tpu.enqueue_dma source(%dma_start3A_143 : memref<32x1024xf32, #tpu.memory_space<hbm>>) target(%dma_start3A_141 : memref<32x1024xf32, #tpu.memory_space<vmem>>) target_semaphore(%arg9 : memref<!tpu.dma_semaphore, #tpu.memory_space<semaphore_mem>>)
      } else {
      }
      %eq3A = arith.constant 2 : i32
      %eq3A_114 = arith.cmpi eq, %scan3A_85, %eq3A : i32
      %add3A_115 = arith.constant 1 : i32
      %add3A_116 = arith.addi %scan3A_85, %add3A_115 : i32
      %jit3A = arith.constant 0 : i32
      %select_n3A = arith.select %eq3A_114, %jit3A, %add3A_116 : i32
      scf.yield %select_n3A : i32
    }
    %scan3A_77 = arith.constant 8 : i32
    %scan3A_78 = arith.constant 0 : i32
    %scan3A_79 = arith.constant 5 : i32
    %scan3A_80 = arith.constant 3 : i32
    %scan3A_81 = arith.addi %scan3A_79, %scan3A_80 : i32
    %scan3A_82 = arith.constant 1 : i32
    scf.for %scan3A_84 = %scan3A_79 to %scan3A_81 step %scan3A_82  : i32 {
      %jit3A = arith.constant 3 : i32
      %eq3A = arith.constant 0 : i32
      %eq3A_85 = arith.cmpi eq, %jit3A, %eq3A : i32
      %jit3A_86 = arith.constant 1 : i32
      %select_n3A = arith.select %eq3A_85, %jit3A_86, %jit3A : i32
      %rem3A = arith.remsi %scan3A_84, %select_n3A : i32
      %ne3A = arith.constant 0 : i32
      %ne3A_87 = arith.cmpi ne, %rem3A, %ne3A : i32
      %lt3A = arith.constant 0 : i32
      %lt3A_88 = arith.cmpi slt, %rem3A, %lt3A : i32
      %lt3A_89 = arith.constant 0 : i32
      %lt3A_90 = arith.cmpi slt, %select_n3A, %lt3A_89 : i32
      %ne3A_91 = arith.xori %lt3A_88, %lt3A_90 : i1
      %and3A = arith.andi %ne3A_91, %ne3A_87 : i1
      %add3A_92 = arith.addi %rem3A, %select_n3A : i32
      %select_n3A_93 = arith.select %and3A, %add3A_92, %rem3A : i32
      %dma_wait3A = arith.constant 0 : i32
      %dma_wait3A_94 = arith.constant 0 : i32
      %dma_wait3A_95 = tpu.memref_slice %arg8[%select_n3A_93, %dma_wait3A, %dma_wait3A_94] : memref<3x32x1024xf32, #tpu.memory_space<vmem>> -> memref<1x32x1024xf32, #tpu.memory_space<vmem>>
      %dma_wait3A_96 = tpu.memref_squeeze %dma_wait3A_95 : memref<1x32x1024xf32, #tpu.memory_space<vmem>> -> memref<32x1024xf32, #tpu.memory_space<vmem>>
      %dma_wait3A_97 = arith.constant 0 : i32
      %dma_wait3A_98 = tpu.memref_slice %arg7[%scan3A_84, %dma_wait3A_97] : memref<8x32xi32, #tpu.memory_space<vmem>> -> memref<1x32xi32, #tpu.memory_space<vmem>>
      %dma_wait3A_99 = tpu.memref_squeeze %dma_wait3A_98 : memref<1x32xi32, #tpu.memory_space<vmem>> -> memref<32xi32, #tpu.memory_space<vmem>>
      %dma_wait3A_100 = arith.constant 0 : i32
      %dma_wait3A_101 = arith.constant 0 : i32
      %dma_wait3A_102 = tpu.memref_slice %arg4[%dma_wait3A_100, %dma_wait3A_101] : memref<16384x1024xf32, #tpu.memory_space<hbm>> -> memref<16384x1024xf32, #tpu.memory_space<hbm>>
      tpu.wait_indirect_dma semaphore(%arg10 : memref<!tpu.dma_semaphore, #tpu.memory_space<semaphore_mem>>) src(%dma_wait3A_96 : memref<32x1024xf32, #tpu.memory_space<vmem>>) dst(%dma_wait3A_102 : memref<16384x1024xf32, #tpu.memory_space<hbm>>)
    }
    %scan3A_83 = arith.constant 3 : i32
    return
  }
}

module attributes {stable_mosaic.version = 14 : i64} {
  func.func @_tc_zero_body(%arg0: memref<9xi32, #tpu.memory_space<smem>>, %arg1: memref<16384x1024xf32, #tpu.memory_space<any>>, %arg2: memref<256x1024xf32, #tpu.memory_space<vmem>>, %arg3: memref<!tpu.dma_semaphore, #tpu.memory_space<semaphore_mem>>) attributes {dimension_semantics = [], scalar_prefetch = 0 : i64, scratch_operands = 2 : i64, tpu.core_type = #tpu.core_type<tc>} {
    %broadcast_in_dim3A = arith.constant 0.000000e+00 : f32
    %broadcast_in_dim3A_0 = vector.broadcast %broadcast_in_dim3A : f32 to vector<256x1024xf32>
    %swap3A = arith.constant 0 : index
    %swap3A_1 = arith.constant 0 : index
    %swap3A_2 = vector.load %arg2[%swap3A, %swap3A_1] : memref<256x1024xf32, #tpu.memory_space<vmem>>, vector<256x1024xf32>
    tpu.vector_store %arg2[%swap3A, %swap3A_1], %broadcast_in_dim3A_0 {strides = array<i32>} : memref<256x1024xf32, #tpu.memory_space<vmem>>, vector<256x1024xf32>,
    %get3A = arith.constant 1 : index
    %get3A_3 = memref.load %arg0[%get3A] : memref<9xi32, #tpu.memory_space<smem>>
    %get3A_4 = arith.constant 0 : index
    %get3A_5 = memref.load %arg0[%get3A_4] : memref<9xi32, #tpu.memory_space<smem>>
    %sub3A = arith.subi %get3A_3, %get3A_5 : i32
    %jit3A = arith.constant 8 : i32
    %div3A = arith.divsi %sub3A, %jit3A : i32
    %sign3A = arith.constant 0 : i32
    %sign3A_6 = arith.cmpi sgt, %sub3A, %sign3A : i32
    %sign3A_7 = arith.extui %sign3A_6 : i1 to i32
    %sign3A_8 = arith.constant 0 : i32
    %sign3A_9 = arith.cmpi slt, %sub3A, %sign3A_8 : i32
    %sign3A_10 = arith.extui %sign3A_9 : i1 to i32
    %sign3A_11 = arith.subi %sign3A_7, %sign3A_10 : i32
    %sign3A_12 = arith.constant 0 : i32
    %sign3A_13 = arith.cmpi sgt, %jit3A, %sign3A_12 : i32
    %sign3A_14 = arith.extui %sign3A_13 : i1 to i32
    %sign3A_15 = arith.constant 0 : i32
    %sign3A_16 = arith.cmpi slt, %jit3A, %sign3A_15 : i32
    %sign3A_17 = arith.extui %sign3A_16 : i1 to i32
    %sign3A_18 = arith.subi %sign3A_14, %sign3A_17 : i32
    %ne3A = arith.cmpi ne, %sign3A_11, %sign3A_18 : i32
    %rem3A = arith.remsi %sub3A, %jit3A : i32
    %ne3A_19 = arith.constant 0 : i32
    %ne3A_20 = arith.cmpi ne, %rem3A, %ne3A_19 : i32
    %and3A = arith.andi %ne3A, %ne3A_20 : i1
    %sub3A_21 = arith.constant 1 : i32
    %sub3A_22 = arith.subi %div3A, %sub3A_21 : i32
    %select_n3A = arith.select %and3A, %sub3A_22, %div3A : i32
    %mul3A = arith.constant 8 : i32
    %mul3A_23 = arith.muli %select_n3A, %mul3A : i32
    %sub3A_24 = arith.constant 2048 : i32
    %sub3A_25 = arith.subi %sub3A_24, %mul3A_23 : i32
    %jit3A_26 = arith.constant 256 : i32
    %div3A_27 = arith.divsi %sub3A_25, %jit3A_26 : i32
    %sign3A_28 = arith.constant 0 : i32
    %sign3A_29 = arith.cmpi sgt, %sub3A_25, %sign3A_28 : i32
    %sign3A_30 = arith.extui %sign3A_29 : i1 to i32
    %sign3A_31 = arith.constant 0 : i32
    %sign3A_32 = arith.cmpi slt, %sub3A_25, %sign3A_31 : i32
    %sign3A_33 = arith.extui %sign3A_32 : i1 to i32
    %sign3A_34 = arith.subi %sign3A_30, %sign3A_33 : i32
    %sign3A_35 = arith.constant 0 : i32
    %sign3A_36 = arith.cmpi sgt, %jit3A_26, %sign3A_35 : i32
    %sign3A_37 = arith.extui %sign3A_36 : i1 to i32
    %sign3A_38 = arith.constant 0 : i32
    %sign3A_39 = arith.cmpi slt, %jit3A_26, %sign3A_38 : i32
    %sign3A_40 = arith.extui %sign3A_39 : i1 to i32
    %sign3A_41 = arith.subi %sign3A_37, %sign3A_40 : i32
    %ne3A_42 = arith.cmpi ne, %sign3A_34, %sign3A_41 : i32
    %rem3A_43 = arith.remsi %sub3A_25, %jit3A_26 : i32
    %ne3A_44 = arith.constant 0 : i32
    %ne3A_45 = arith.cmpi ne, %rem3A_43, %ne3A_44 : i32
    %and3A_46 = arith.andi %ne3A_42, %ne3A_45 : i1
    %sub3A_47 = arith.constant 1 : i32
    %sub3A_48 = arith.subi %div3A_27, %sub3A_47 : i32
    %select_n3A_49 = arith.select %and3A_46, %sub3A_48, %div3A_27 : i32
    %while3A = arith.constant 0 : i32
    %while3A_50 = arith.constant 0 : i32
    %while3A_51 = arith.subi %select_n3A_49, %while3A_50 : i32
    %while3A_52 = arith.addi %while3A_50, %while3A_51 : i32
    %while3A_53 = arith.constant 1 : i32
    %while3A_54 = arith.divsi %while3A_51, %while3A_53 : i32
    %while3A_55 = arith.muli %while3A_54, %while3A_53 : i32
    %while3A_56 = arith.addi %while3A_50, %while3A_55 : i32
    %while3A_57 = arith.constant 1 : i32
    scf.for %while3A_1974 = %while3A_50 to %while3A_56 step %while3A_57  : i32 {
      %add3A = arith.constant 1 : i32
      %add3A_1975 = arith.addi %while3A_1974, %add3A : i32
      %mul3A_1976 = arith.constant 256 : i32
      %mul3A_1977 = arith.muli %add3A_1975, %mul3A_1976 : i32
      %sub3A_1978 = arith.constant 2048 : i32
      %sub3A_1979 = arith.subi %sub3A_1978, %mul3A_1977 : i32
      %multiple_of3A = tpu.assume_multiple %sub3A_1979, 8 : i32
      %dma_start3A = arith.constant 0 : i32
      %dma_start3A_1980 = tpu.memref_slice %arg1[%multiple_of3A, %dma_start3A] : memref<16384x1024xf32, #tpu.memory_space<any>> -> memref<256x1024xf32, #tpu.memory_space<any>>
      tpu.enqueue_dma source(%arg2 : memref<256x1024xf32, #tpu.memory_space<vmem>>) target(%dma_start3A_1980 : memref<256x1024xf32, #tpu.memory_space<any>>) target_semaphore(%arg3 : memref<!tpu.dma_semaphore, #tpu.memory_space<semaphore_mem>>)
    }
    %while3A_58 = arith.constant 1 : i32
    scf.for %while3A_1974 = %while3A_56 to %while3A_52 step %while3A_58  : i32 {
      %add3A = arith.constant 1 : i32
      %add3A_1975 = arith.addi %while3A_1974, %add3A : i32
      %mul3A_1976 = arith.constant 256 : i32
      %mul3A_1977 = arith.muli %add3A_1975, %mul3A_1976 : i32
      %sub3A_1978 = arith.constant 2048 : i32
      %sub3A_1979 = arith.subi %sub3A_1978, %mul3A_1977 : i32
      %multiple_of3A = tpu.assume_multiple %sub3A_1979, 8 : i32
      %dma_start3A = arith.constant 0 : i32
      %dma_start3A_1980 = tpu.memref_slice %arg1[%multiple_of3A, %dma_start3A] : memref<16384x1024xf32, #tpu.memory_space<any>> -> memref<256x1024xf32, #tpu.memory_space<any>>
      tpu.enqueue_dma source(%arg2 : memref<256x1024xf32, #tpu.memory_space<vmem>>) target(%dma_start3A_1980 : memref<256x1024xf32, #tpu.memory_space<any>>) target_semaphore(%arg3 : memref<!tpu.dma_semaphore, #tpu.memory_space<semaphore_mem>>)
    }
    %mul3A_59 = arith.constant 256 : i32
    %mul3A_60 = arith.muli %select_n3A_49, %mul3A_59 : i32
    %sub3A_61 = arith.constant 2048 : i32
    %sub3A_62 = arith.subi %sub3A_61, %mul3A_60 : i32
    %mul3A_63 = arith.constant 256 : i32
    %mul3A_64 = arith.muli %select_n3A_49, %mul3A_63 : i32
    %sub3A_65 = arith.subi %sub3A_25, %mul3A_64 : i32
    %and3A_66 = arith.constant 128 : i32
    %and3A_67 = arith.andi %sub3A_65, %and3A_66 : i32
    %ne3A_68 = arith.constant 0 : i32
    %ne3A_69 = arith.cmpi ne, %and3A_67, %ne3A_68 : i32
    %sub3A_70 = arith.constant 128 : i32
    %sub3A_71 = arith.subi %sub3A_62, %sub3A_70 : i32
    %select_n3A_72 = arith.select %ne3A_69, %sub3A_71, %sub3A_62 : i32
    %convert_element_type3A = arith.extui %ne3A_69 : i1 to i32
    %cond3A = arith.constant 0 : i32
    %cond3A_73 = arith.cmpi ne, %convert_element_type3A, %cond3A : i32
    scf.if %cond3A_73 {
      %multiple_of3A = tpu.assume_multiple %select_n3A_72, 8 : i32
      %dma_start3A = arith.constant 0 : i32
      %dma_start3A_1974 = tpu.memref_slice %arg1[%multiple_of3A, %dma_start3A] : memref<16384x1024xf32, #tpu.memory_space<any>> -> memref<128x1024xf32, #tpu.memory_space<any>>
      %dma_start3A_1975 = arith.constant 0 : i32
      %dma_start3A_1976 = arith.constant 0 : i32
      %dma_start3A_1977 = tpu.memref_slice %arg2[%dma_start3A_1975, %dma_start3A_1976] : memref<256x1024xf32, #tpu.memory_space<vmem>> -> memref<128x1024xf32, #tpu.memory_space<vmem>>
      tpu.enqueue_dma source(%dma_start3A_1977 : memref<128x1024xf32, #tpu.memory_space<vmem>>) target(%dma_start3A_1974 : memref<128x1024xf32, #tpu.memory_space<any>>) target_semaphore(%arg3 : memref<!tpu.dma_semaphore, #tpu.memory_space<semaphore_mem>>)
    } else {
    }
    %and3A_74 = arith.constant 64 : i32
    %and3A_75 = arith.andi %sub3A_65, %and3A_74 : i32
    %ne3A_76 = arith.constant 0 : i32
    %ne3A_77 = arith.cmpi ne, %and3A_75, %ne3A_76 : i32
    %sub3A_78 = arith.constant 64 : i32
    %sub3A_79 = arith.subi %select_n3A_72, %sub3A_78 : i32
    %select_n3A_80 = arith.select %ne3A_77, %sub3A_79, %select_n3A_72 : i32
    %convert_element_type3A_81 = arith.extui %ne3A_77 : i1 to i32
    %cond3A_82 = arith.constant 0 : i32
    %cond3A_83 = arith.cmpi ne, %convert_element_type3A_81, %cond3A_82 : i32
    scf.if %cond3A_83 {
      %multiple_of3A = tpu.assume_multiple %select_n3A_80, 8 : i32
      %dma_start3A = arith.constant 0 : i32
      %dma_start3A_1974 = tpu.memref_slice %arg1[%multiple_of3A, %dma_start3A] : memref<16384x1024xf32, #tpu.memory_space<any>> -> memref<64x1024xf32, #tpu.memory_space<any>>
      %dma_start3A_1975 = arith.constant 0 : i32
      %dma_start3A_1976 = arith.constant 0 : i32
      %dma_start3A_1977 = tpu.memref_slice %arg2[%dma_start3A_1975, %dma_start3A_1976] : memref<256x1024xf32, #tpu.memory_space<vmem>> -> memref<64x1024xf32, #tpu.memory_space<vmem>>
      tpu.enqueue_dma source(%dma_start3A_1977 : memref<64x1024xf32, #tpu.memory_space<vmem>>) target(%dma_start3A_1974 : memref<64x1024xf32, #tpu.memory_space<any>>) target_semaphore(%arg3 : memref<!tpu.dma_semaphore, #tpu.memory_space<semaphore_mem>>)
    } else {
    }
    %and3A_84 = arith.constant 32 : i32
    %and3A_85 = arith.andi %sub3A_65, %and3A_84 : i32
    %ne3A_86 = arith.constant 0 : i32
    %ne3A_87 = arith.cmpi ne, %and3A_85, %ne3A_86 : i32
    %sub3A_88 = arith.constant 32 : i32
    %sub3A_89 = arith.subi %select_n3A_80, %sub3A_88 : i32
    %select_n3A_90 = arith.select %ne3A_87, %sub3A_89, %select_n3A_80 : i32
    %convert_element_type3A_91 = arith.extui %ne3A_87 : i1 to i32
    %cond3A_92 = arith.constant 0 : i32
    %cond3A_93 = arith.cmpi ne, %convert_element_type3A_91, %cond3A_92 : i32
    scf.if %cond3A_93 {
      %multiple_of3A = tpu.assume_multiple %select_n3A_90, 8 : i32
      %dma_start3A = arith.constant 0 : i32
      %dma_start3A_1974 = tpu.memref_slice %arg1[%multiple_of3A, %dma_start3A] : memref<16384x1024xf32, #tpu.memory_space<any>> -> memref<32x1024xf32, #tpu.memory_space<any>>
      %dma_start3A_1975 = arith.constant 0 : i32
      %dma_start3A_1976 = arith.constant 0 : i32
      %dma_start3A_1977 = tpu.memref_slice %arg2[%dma_start3A_1975, %dma_start3A_1976] : memref<256x1024xf32, #tpu.memory_space<vmem>> -> memref<32x1024xf32, #tpu.memory_space<vmem>>
      tpu.enqueue_dma source(%dma_start3A_1977 : memref<32x1024xf32, #tpu.memory_space<vmem>>) target(%dma_start3A_1974 : memref<32x1024xf32, #tpu.memory_space<any>>) target_semaphore(%arg3 : memref<!tpu.dma_semaphore, #tpu.memory_space<semaphore_mem>>)
    } else {
    }
    %and3A_94 = arith.constant 16 : i32
    %and3A_95 = arith.andi %sub3A_65, %and3A_94 : i32
    %ne3A_96 = arith.constant 0 : i32
    %ne3A_97 = arith.cmpi ne, %and3A_95, %ne3A_96 : i32
    %sub3A_98 = arith.constant 16 : i32
    %sub3A_99 = arith.subi %select_n3A_90, %sub3A_98 : i32
    %select_n3A_100 = arith.select %ne3A_97, %sub3A_99, %select_n3A_90 : i32
    %convert_element_type3A_101 = arith.extui %ne3A_97 : i1 to i32
    %cond3A_102 = arith.constant 0 : i32
    %cond3A_103 = arith.cmpi ne, %convert_element_type3A_101, %cond3A_102 : i32
    scf.if %cond3A_103 {
      %multiple_of3A = tpu.assume_multiple %select_n3A_100, 8 : i32
      %dma_start3A = arith.constant 0 : i32
      %dma_start3A_1974 = tpu.memref_slice %arg1[%multiple_of3A, %dma_start3A] : memref<16384x1024xf32, #tpu.memory_space<any>> -> memref<16x1024xf32, #tpu.memory_space<any>>
      %dma_start3A_1975 = arith.constant 0 : i32
      %dma_start3A_1976 = arith.constant 0 : i32
      %dma_start3A_1977 = tpu.memref_slice %arg2[%dma_start3A_1975, %dma_start3A_1976] : memref<256x1024xf32, #tpu.memory_space<vmem>> -> memref<16x1024xf32, #tpu.memory_space<vmem>>
      tpu.enqueue_dma source(%dma_start3A_1977 : memref<16x1024xf32, #tpu.memory_space<vmem>>) target(%dma_start3A_1974 : memref<16x1024xf32, #tpu.memory_space<any>>) target_semaphore(%arg3 : memref<!tpu.dma_semaphore, #tpu.memory_space<semaphore_mem>>)
    } else {
    }
    %and3A_104 = arith.constant 8 : i32
    %and3A_105 = arith.andi %sub3A_65, %and3A_104 : i32
    %ne3A_106 = arith.constant 0 : i32
    %ne3A_107 = arith.cmpi ne, %and3A_105, %ne3A_106 : i32
    %sub3A_108 = arith.constant 8 : i32
    %sub3A_109 = arith.subi %select_n3A_100, %sub3A_108 : i32
    %select_n3A_110 = arith.select %ne3A_107, %sub3A_109, %select_n3A_100 : i32
    %convert_element_type3A_111 = arith.extui %ne3A_107 : i1 to i32
    %cond3A_112 = arith.constant 0 : i32
    %cond3A_113 = arith.cmpi ne, %convert_element_type3A_111, %cond3A_112 : i32
    scf.if %cond3A_113 {
      %multiple_of3A = tpu.assume_multiple %select_n3A_110, 8 : i32
      %dma_start3A = arith.constant 0 : i32
      %dma_start3A_1974 = tpu.memref_slice %arg1[%multiple_of3A, %dma_start3A] : memref<16384x1024xf32, #tpu.memory_space<any>> -> memref<8x1024xf32, #tpu.memory_space<any>>
      %dma_start3A_1975 = arith.constant 0 : i32
      %dma_start3A_1976 = arith.constant 0 : i32
      %dma_start3A_1977 = tpu.memref_slice %arg2[%dma_start3A_1975, %dma_start3A_1976] : memref<256x1024xf32, #tpu.memory_space<vmem>> -> memref<8x1024xf32, #tpu.memory_space<vmem>>
      tpu.enqueue_dma source(%dma_start3A_1977 : memref<8x1024xf32, #tpu.memory_space<vmem>>) target(%dma_start3A_1974 : memref<8x1024xf32, #tpu.memory_space<any>>) target_semaphore(%arg3 : memref<!tpu.dma_semaphore, #tpu.memory_space<semaphore_mem>>)
    } else {
    }
    %get3A_114 = arith.constant 2 : index
    %get3A_115 = memref.load %arg0[%get3A_114] : memref<9xi32, #tpu.memory_space<smem>>
    %get3A_116 = arith.constant 1 : index
    %get3A_117 = memref.load %arg0[%get3A_116] : memref<9xi32, #tpu.memory_space<smem>>
    %sub3A_118 = arith.subi %get3A_115, %get3A_117 : i32
    %jit3A_119 = arith.constant 8 : i32
    %div3A_120 = arith.divsi %sub3A_118, %jit3A_119 : i32
    %sign3A_121 = arith.constant 0 : i32
    %sign3A_122 = arith.cmpi sgt, %sub3A_118, %sign3A_121 : i32
    %sign3A_123 = arith.extui %sign3A_122 : i1 to i32
    %sign3A_124 = arith.constant 0 : i32
    %sign3A_125 = arith.cmpi slt, %sub3A_118, %sign3A_124 : i32
    %sign3A_126 = arith.extui %sign3A_125 : i1 to i32
    %sign3A_127 = arith.subi %sign3A_123, %sign3A_126 : i32
    %sign3A_128 = arith.constant 0 : i32
    %sign3A_129 = arith.cmpi sgt, %jit3A_119, %sign3A_128 : i32
    %sign3A_130 = arith.extui %sign3A_129 : i1 to i32
    %sign3A_131 = arith.constant 0 : i32
    %sign3A_132 = arith.cmpi slt, %jit3A_119, %sign3A_131 : i32
    %sign3A_133 = arith.extui %sign3A_132 : i1 to i32
    %sign3A_134 = arith.subi %sign3A_130, %sign3A_133 : i32
    %ne3A_135 = arith.cmpi ne, %sign3A_127, %sign3A_134 : i32
    %rem3A_136 = arith.remsi %sub3A_118, %jit3A_119 : i32
    %ne3A_137 = arith.constant 0 : i32
    %ne3A_138 = arith.cmpi ne, %rem3A_136, %ne3A_137 : i32
    %and3A_139 = arith.andi %ne3A_135, %ne3A_138 : i1
    %sub3A_140 = arith.constant 1 : i32
    %sub3A_141 = arith.subi %div3A_120, %sub3A_140 : i32
    %select_n3A_142 = arith.select %and3A_139, %sub3A_141, %div3A_120 : i32
    %mul3A_143 = arith.constant 8 : i32
    %mul3A_144 = arith.muli %select_n3A_142, %mul3A_143 : i32
    %sub3A_145 = arith.constant 2048 : i32
    %sub3A_146 = arith.subi %sub3A_145, %mul3A_144 : i32
    %jit3A_147 = arith.constant 256 : i32
    %div3A_148 = arith.divsi %sub3A_146, %jit3A_147 : i32
    %sign3A_149 = arith.constant 0 : i32
    %sign3A_150 = arith.cmpi sgt, %sub3A_146, %sign3A_149 : i32
    %sign3A_151 = arith.extui %sign3A_150 : i1 to i32
    %sign3A_152 = arith.constant 0 : i32
    %sign3A_153 = arith.cmpi slt, %sub3A_146, %sign3A_152 : i32
    %sign3A_154 = arith.extui %sign3A_153 : i1 to i32
    %sign3A_155 = arith.subi %sign3A_151, %sign3A_154 : i32
    %sign3A_156 = arith.constant 0 : i32
    %sign3A_157 = arith.cmpi sgt, %jit3A_147, %sign3A_156 : i32
    %sign3A_158 = arith.extui %sign3A_157 : i1 to i32
    %sign3A_159 = arith.constant 0 : i32
    %sign3A_160 = arith.cmpi slt, %jit3A_147, %sign3A_159 : i32
    %sign3A_161 = arith.extui %sign3A_160 : i1 to i32
    %sign3A_162 = arith.subi %sign3A_158, %sign3A_161 : i32
    %ne3A_163 = arith.cmpi ne, %sign3A_155, %sign3A_162 : i32
    %rem3A_164 = arith.remsi %sub3A_146, %jit3A_147 : i32
    %ne3A_165 = arith.constant 0 : i32
    %ne3A_166 = arith.cmpi ne, %rem3A_164, %ne3A_165 : i32
    %and3A_167 = arith.andi %ne3A_163, %ne3A_166 : i1
    %sub3A_168 = arith.constant 1 : i32
    %sub3A_169 = arith.subi %div3A_148, %sub3A_168 : i32
    %select_n3A_170 = arith.select %and3A_167, %sub3A_169, %div3A_148 : i32
    %while3A_171 = arith.constant 0 : i32
    %while3A_172 = arith.constant 0 : i32
    %while3A_173 = arith.subi %select_n3A_170, %while3A_172 : i32
    %while3A_174 = arith.addi %while3A_172, %while3A_173 : i32
    %while3A_175 = arith.constant 1 : i32
    %while3A_176 = arith.divsi %while3A_173, %while3A_175 : i32
    %while3A_177 = arith.muli %while3A_176, %while3A_175 : i32
    %while3A_178 = arith.addi %while3A_172, %while3A_177 : i32
    %while3A_179 = arith.constant 1 : i32
    scf.for %while3A_1974 = %while3A_172 to %while3A_178 step %while3A_179  : i32 {
      %add3A = arith.constant 1 : i32
      %add3A_1975 = arith.addi %while3A_1974, %add3A : i32
      %mul3A_1976 = arith.constant 256 : i32
      %mul3A_1977 = arith.muli %add3A_1975, %mul3A_1976 : i32
      %sub3A_1978 = arith.constant 4096 : i32
      %sub3A_1979 = arith.subi %sub3A_1978, %mul3A_1977 : i32
      %multiple_of3A = tpu.assume_multiple %sub3A_1979, 8 : i32
      %dma_start3A = arith.constant 0 : i32
      %dma_start3A_1980 = tpu.memref_slice %arg1[%multiple_of3A, %dma_start3A] : memref<16384x1024xf32, #tpu.memory_space<any>> -> memref<256x1024xf32, #tpu.memory_space<any>>
      tpu.enqueue_dma source(%arg2 : memref<256x1024xf32, #tpu.memory_space<vmem>>) target(%dma_start3A_1980 : memref<256x1024xf32, #tpu.memory_space<any>>) target_semaphore(%arg3 : memref<!tpu.dma_semaphore, #tpu.memory_space<semaphore_mem>>)
    }
    %while3A_180 = arith.constant 1 : i32
    scf.for %while3A_1974 = %while3A_178 to %while3A_174 step %while3A_180  : i32 {
      %add3A = arith.constant 1 : i32
      %add3A_1975 = arith.addi %while3A_1974, %add3A : i32
      %mul3A_1976 = arith.constant 256 : i32
      %mul3A_1977 = arith.muli %add3A_1975, %mul3A_1976 : i32
      %sub3A_1978 = arith.constant 4096 : i32
      %sub3A_1979 = arith.subi %sub3A_1978, %mul3A_1977 : i32
      %multiple_of3A = tpu.assume_multiple %sub3A_1979, 8 : i32
      %dma_start3A = arith.constant 0 : i32
      %dma_start3A_1980 = tpu.memref_slice %arg1[%multiple_of3A, %dma_start3A] : memref<16384x1024xf32, #tpu.memory_space<any>> -> memref<256x1024xf32, #tpu.memory_space<any>>
      tpu.enqueue_dma source(%arg2 : memref<256x1024xf32, #tpu.memory_space<vmem>>) target(%dma_start3A_1980 : memref<256x1024xf32, #tpu.memory_space<any>>) target_semaphore(%arg3 : memref<!tpu.dma_semaphore, #tpu.memory_space<semaphore_mem>>)
    }
    %mul3A_181 = arith.constant 256 : i32
    %mul3A_182 = arith.muli %select_n3A_170, %mul3A_181 : i32
    %sub3A_183 = arith.constant 4096 : i32
    %sub3A_184 = arith.subi %sub3A_183, %mul3A_182 : i32
    %mul3A_185 = arith.constant 256 : i32
    %mul3A_186 = arith.muli %select_n3A_170, %mul3A_185 : i32
    %sub3A_187 = arith.subi %sub3A_146, %mul3A_186 : i32
    %and3A_188 = arith.constant 128 : i32
    %and3A_189 = arith.andi %sub3A_187, %and3A_188 : i32
    %ne3A_190 = arith.constant 0 : i32
    %ne3A_191 = arith.cmpi ne, %and3A_189, %ne3A_190 : i32
    %sub3A_192 = arith.constant 128 : i32
    %sub3A_193 = arith.subi %sub3A_184, %sub3A_192 : i32
    %select_n3A_194 = arith.select %ne3A_191, %sub3A_193, %sub3A_184 : i32
    %convert_element_type3A_195 = arith.extui %ne3A_191 : i1 to i32
    %cond3A_196 = arith.constant 0 : i32
    %cond3A_197 = arith.cmpi ne, %convert_element_type3A_195, %cond3A_196 : i32
    scf.if %cond3A_197 {
      %multiple_of3A = tpu.assume_multiple %select_n3A_194, 8 : i32
      %dma_start3A = arith.constant 0 : i32
      %dma_start3A_1974 = tpu.memref_slice %arg1[%multiple_of3A, %dma_start3A] : memref<16384x1024xf32, #tpu.memory_space<any>> -> memref<128x1024xf32, #tpu.memory_space<any>>
      %dma_start3A_1975 = arith.constant 0 : i32
      %dma_start3A_1976 = arith.constant 0 : i32
      %dma_start3A_1977 = tpu.memref_slice %arg2[%dma_start3A_1975, %dma_start3A_1976] : memref<256x1024xf32, #tpu.memory_space<vmem>> -> memref<128x1024xf32, #tpu.memory_space<vmem>>
      tpu.enqueue_dma source(%dma_start3A_1977 : memref<128x1024xf32, #tpu.memory_space<vmem>>) target(%dma_start3A_1974 : memref<128x1024xf32, #tpu.memory_space<any>>) target_semaphore(%arg3 : memref<!tpu.dma_semaphore, #tpu.memory_space<semaphore_mem>>)
    } else {
    }
    %and3A_198 = arith.constant 64 : i32
    %and3A_199 = arith.andi %sub3A_187, %and3A_198 : i32
    %ne3A_200 = arith.constant 0 : i32
    %ne3A_201 = arith.cmpi ne, %and3A_199, %ne3A_200 : i32
    %sub3A_202 = arith.constant 64 : i32
    %sub3A_203 = arith.subi %select_n3A_194, %sub3A_202 : i32
    %select_n3A_204 = arith.select %ne3A_201, %sub3A_203, %select_n3A_194 : i32
    %convert_element_type3A_205 = arith.extui %ne3A_201 : i1 to i32
    %cond3A_206 = arith.constant 0 : i32
    %cond3A_207 = arith.cmpi ne, %convert_element_type3A_205, %cond3A_206 : i32
    scf.if %cond3A_207 {
      %multiple_of3A = tpu.assume_multiple %select_n3A_204, 8 : i32
      %dma_start3A = arith.constant 0 : i32
      %dma_start3A_1974 = tpu.memref_slice %arg1[%multiple_of3A, %dma_start3A] : memref<16384x1024xf32, #tpu.memory_space<any>> -> memref<64x1024xf32, #tpu.memory_space<any>>
      %dma_start3A_1975 = arith.constant 0 : i32
      %dma_start3A_1976 = arith.constant 0 : i32
      %dma_start3A_1977 = tpu.memref_slice %arg2[%dma_start3A_1975, %dma_start3A_1976] : memref<256x1024xf32, #tpu.memory_space<vmem>> -> memref<64x1024xf32, #tpu.memory_space<vmem>>
      tpu.enqueue_dma source(%dma_start3A_1977 : memref<64x1024xf32, #tpu.memory_space<vmem>>) target(%dma_start3A_1974 : memref<64x1024xf32, #tpu.memory_space<any>>) target_semaphore(%arg3 : memref<!tpu.dma_semaphore, #tpu.memory_space<semaphore_mem>>)
    } else {
    }
    %and3A_208 = arith.constant 32 : i32
    %and3A_209 = arith.andi %sub3A_187, %and3A_208 : i32
    %ne3A_210 = arith.constant 0 : i32
    %ne3A_211 = arith.cmpi ne, %and3A_209, %ne3A_210 : i32
    %sub3A_212 = arith.constant 32 : i32
    %sub3A_213 = arith.subi %select_n3A_204, %sub3A_212 : i32
    %select_n3A_214 = arith.select %ne3A_211, %sub3A_213, %select_n3A_204 : i32
    %convert_element_type3A_215 = arith.extui %ne3A_211 : i1 to i32
    %cond3A_216 = arith.constant 0 : i32
    %cond3A_217 = arith.cmpi ne, %convert_element_type3A_215, %cond3A_216 : i32
    scf.if %cond3A_217 {
      %multiple_of3A = tpu.assume_multiple %select_n3A_214, 8 : i32
      %dma_start3A = arith.constant 0 : i32
      %dma_start3A_1974 = tpu.memref_slice %arg1[%multiple_of3A, %dma_start3A] : memref<16384x1024xf32, #tpu.memory_space<any>> -> memref<32x1024xf32, #tpu.memory_space<any>>
      %dma_start3A_1975 = arith.constant 0 : i32
      %dma_start3A_1976 = arith.constant 0 : i32
      %dma_start3A_1977 = tpu.memref_slice %arg2[%dma_start3A_1975, %dma_start3A_1976] : memref<256x1024xf32, #tpu.memory_space<vmem>> -> memref<32x1024xf32, #tpu.memory_space<vmem>>
      tpu.enqueue_dma source(%dma_start3A_1977 : memref<32x1024xf32, #tpu.memory_space<vmem>>) target(%dma_start3A_1974 : memref<32x1024xf32, #tpu.memory_space<any>>) target_semaphore(%arg3 : memref<!tpu.dma_semaphore, #tpu.memory_space<semaphore_mem>>)
    } else {
    }
    %and3A_218 = arith.constant 16 : i32
    %and3A_219 = arith.andi %sub3A_187, %and3A_218 : i32
    %ne3A_220 = arith.constant 0 : i32
    %ne3A_221 = arith.cmpi ne, %and3A_219, %ne3A_220 : i32
    %sub3A_222 = arith.constant 16 : i32
    %sub3A_223 = arith.subi %select_n3A_214, %sub3A_222 : i32
    %select_n3A_224 = arith.select %ne3A_221, %sub3A_223, %select_n3A_214 : i32
    %convert_element_type3A_225 = arith.extui %ne3A_221 : i1 to i32
    %cond3A_226 = arith.constant 0 : i32
    %cond3A_227 = arith.cmpi ne, %convert_element_type3A_225, %cond3A_226 : i32
    scf.if %cond3A_227 {
      %multiple_of3A = tpu.assume_multiple %select_n3A_224, 8 : i32
      %dma_start3A = arith.constant 0 : i32
      %dma_start3A_1974 = tpu.memref_slice %arg1[%multiple_of3A, %dma_start3A] : memref<16384x1024xf32, #tpu.memory_space<any>> -> memref<16x1024xf32, #tpu.memory_space<any>>
      %dma_start3A_1975 = arith.constant 0 : i32
      %dma_start3A_1976 = arith.constant 0 : i32
      %dma_start3A_1977 = tpu.memref_slice %arg2[%dma_start3A_1975, %dma_start3A_1976] : memref<256x1024xf32, #tpu.memory_space<vmem>> -> memref<16x1024xf32, #tpu.memory_space<vmem>>
      tpu.enqueue_dma source(%dma_start3A_1977 : memref<16x1024xf32, #tpu.memory_space<vmem>>) target(%dma_start3A_1974 : memref<16x1024xf32, #tpu.memory_space<any>>) target_semaphore(%arg3 : memref<!tpu.dma_semaphore, #tpu.memory_space<semaphore_mem>>)
    } else {
    }
    %and3A_228 = arith.constant 8 : i32
    %and3A_229 = arith.andi %sub3A_187, %and3A_228 : i32
    %ne3A_230 = arith.constant 0 : i32
    %ne3A_231 = arith.cmpi ne, %and3A_229, %ne3A_230 : i32
    %sub3A_232 = arith.constant 8 : i32
    %sub3A_233 = arith.subi %select_n3A_224, %sub3A_232 : i32
    %select_n3A_234 = arith.select %ne3A_231, %sub3A_233, %select_n3A_224 : i32
    %convert_element_type3A_235 = arith.extui %ne3A_231 : i1 to i32
    %cond3A_236 = arith.constant 0 : i32
    %cond3A_237 = arith.cmpi ne, %convert_element_type3A_235, %cond3A_236 : i32
    scf.if %cond3A_237 {
      %multiple_of3A = tpu.assume_multiple %select_n3A_234, 8 : i32
      %dma_start3A = arith.constant 0 : i32
      %dma_start3A_1974 = tpu.memref_slice %arg1[%multiple_of3A, %dma_start3A] : memref<16384x1024xf32, #tpu.memory_space<any>> -> memref<8x1024xf32, #tpu.memory_space<any>>
      %dma_start3A_1975 = arith.constant 0 : i32
      %dma_start3A_1976 = arith.constant 0 : i32
      %dma_start3A_1977 = tpu.memref_slice %arg2[%dma_start3A_1975, %dma_start3A_1976] : memref<256x1024xf32, #tpu.memory_space<vmem>> -> memref<8x1024xf32, #tpu.memory_space<vmem>>
      tpu.enqueue_dma source(%dma_start3A_1977 : memref<8x1024xf32, #tpu.memory_space<vmem>>) target(%dma_start3A_1974 : memref<8x1024xf32, #tpu.memory_space<any>>) target_semaphore(%arg3 : memref<!tpu.dma_semaphore, #tpu.memory_space<semaphore_mem>>)
    } else {
    }
    %get3A_238 = arith.constant 3 : index
    %get3A_239 = memref.load %arg0[%get3A_238] : memref<9xi32, #tpu.memory_space<smem>>
    %get3A_240 = arith.constant 2 : index
    %get3A_241 = memref.load %arg0[%get3A_240] : memref<9xi32, #tpu.memory_space<smem>>
    %sub3A_242 = arith.subi %get3A_239, %get3A_241 : i32
    %jit3A_243 = arith.constant 8 : i32
    %div3A_244 = arith.divsi %sub3A_242, %jit3A_243 : i32
    %sign3A_245 = arith.constant 0 : i32
    %sign3A_246 = arith.cmpi sgt, %sub3A_242, %sign3A_245 : i32
    %sign3A_247 = arith.extui %sign3A_246 : i1 to i32
    %sign3A_248 = arith.constant 0 : i32
    %sign3A_249 = arith.cmpi slt, %sub3A_242, %sign3A_248 : i32
    %sign3A_250 = arith.extui %sign3A_249 : i1 to i32
    %sign3A_251 = arith.subi %sign3A_247, %sign3A_250 : i32
    %sign3A_252 = arith.constant 0 : i32
    %sign3A_253 = arith.cmpi sgt, %jit3A_243, %sign3A_252 : i32
    %sign3A_254 = arith.extui %sign3A_253 : i1 to i32
    %sign3A_255 = arith.constant 0 : i32
    %sign3A_256 = arith.cmpi slt, %jit3A_243, %sign3A_255 : i32
    %sign3A_257 = arith.extui %sign3A_256 : i1 to i32
    %sign3A_258 = arith.subi %sign3A_254, %sign3A_257 : i32
    %ne3A_259 = arith.cmpi ne, %sign3A_251, %sign3A_258 : i32
    %rem3A_260 = arith.remsi %sub3A_242, %jit3A_243 : i32
    %ne3A_261 = arith.constant 0 : i32
    %ne3A_262 = arith.cmpi ne, %rem3A_260, %ne3A_261 : i32
    %and3A_263 = arith.andi %ne3A_259, %ne3A_262 : i1
    %sub3A_264 = arith.constant 1 : i32
    %sub3A_265 = arith.subi %div3A_244, %sub3A_264 : i32
    %select_n3A_266 = arith.select %and3A_263, %sub3A_265, %div3A_244 : i32
    %mul3A_267 = arith.constant 8 : i32
    %mul3A_268 = arith.muli %select_n3A_266, %mul3A_267 : i32
    %sub3A_269 = arith.constant 2048 : i32
    %sub3A_270 = arith.subi %sub3A_269, %mul3A_268 : i32
    %jit3A_271 = arith.constant 256 : i32
    %div3A_272 = arith.divsi %sub3A_270, %jit3A_271 : i32
    %sign3A_273 = arith.constant 0 : i32
    %sign3A_274 = arith.cmpi sgt, %sub3A_270, %sign3A_273 : i32
    %sign3A_275 = arith.extui %sign3A_274 : i1 to i32
    %sign3A_276 = arith.constant 0 : i32
    %sign3A_277 = arith.cmpi slt, %sub3A_270, %sign3A_276 : i32
    %sign3A_278 = arith.extui %sign3A_277 : i1 to i32
    %sign3A_279 = arith.subi %sign3A_275, %sign3A_278 : i32
    %sign3A_280 = arith.constant 0 : i32
    %sign3A_281 = arith.cmpi sgt, %jit3A_271, %sign3A_280 : i32
    %sign3A_282 = arith.extui %sign3A_281 : i1 to i32
    %sign3A_283 = arith.constant 0 : i32
    %sign3A_284 = arith.cmpi slt, %jit3A_271, %sign3A_283 : i32
    %sign3A_285 = arith.extui %sign3A_284 : i1 to i32
    %sign3A_286 = arith.subi %sign3A_282, %sign3A_285 : i32
    %ne3A_287 = arith.cmpi ne, %sign3A_279, %sign3A_286 : i32
    %rem3A_288 = arith.remsi %sub3A_270, %jit3A_271 : i32
    %ne3A_289 = arith.constant 0 : i32
    %ne3A_290 = arith.cmpi ne, %rem3A_288, %ne3A_289 : i32
    %and3A_291 = arith.andi %ne3A_287, %ne3A_290 : i1
    %sub3A_292 = arith.constant 1 : i32
    %sub3A_293 = arith.subi %div3A_272, %sub3A_292 : i32
    %select_n3A_294 = arith.select %and3A_291, %sub3A_293, %div3A_272 : i32
    %while3A_295 = arith.constant 0 : i32
    %while3A_296 = arith.constant 0 : i32
    %while3A_297 = arith.subi %select_n3A_294, %while3A_296 : i32
    %while3A_298 = arith.addi %while3A_296, %while3A_297 : i32
    %while3A_299 = arith.constant 1 : i32
    %while3A_300 = arith.divsi %while3A_297, %while3A_299 : i32
    %while3A_301 = arith.muli %while3A_300, %while3A_299 : i32
    %while3A_302 = arith.addi %while3A_296, %while3A_301 : i32
    %while3A_303 = arith.constant 1 : i32
    scf.for %while3A_1974 = %while3A_296 to %while3A_302 step %while3A_303  : i32 {
      %add3A = arith.constant 1 : i32
      %add3A_1975 = arith.addi %while3A_1974, %add3A : i32
      %mul3A_1976 = arith.constant 256 : i32
      %mul3A_1977 = arith.muli %add3A_1975, %mul3A_1976 : i32
      %sub3A_1978 = arith.constant 6144 : i32
      %sub3A_1979 = arith.subi %sub3A_1978, %mul3A_1977 : i32
      %multiple_of3A = tpu.assume_multiple %sub3A_1979, 8 : i32
      %dma_start3A = arith.constant 0 : i32
      %dma_start3A_1980 = tpu.memref_slice %arg1[%multiple_of3A, %dma_start3A] : memref<16384x1024xf32, #tpu.memory_space<any>> -> memref<256x1024xf32, #tpu.memory_space<any>>
      tpu.enqueue_dma source(%arg2 : memref<256x1024xf32, #tpu.memory_space<vmem>>) target(%dma_start3A_1980 : memref<256x1024xf32, #tpu.memory_space<any>>) target_semaphore(%arg3 : memref<!tpu.dma_semaphore, #tpu.memory_space<semaphore_mem>>)
    }
    %while3A_304 = arith.constant 1 : i32
    scf.for %while3A_1974 = %while3A_302 to %while3A_298 step %while3A_304  : i32 {
      %add3A = arith.constant 1 : i32
      %add3A_1975 = arith.addi %while3A_1974, %add3A : i32
      %mul3A_1976 = arith.constant 256 : i32
      %mul3A_1977 = arith.muli %add3A_1975, %mul3A_1976 : i32
      %sub3A_1978 = arith.constant 6144 : i32
      %sub3A_1979 = arith.subi %sub3A_1978, %mul3A_1977 : i32
      %multiple_of3A = tpu.assume_multiple %sub3A_1979, 8 : i32
      %dma_start3A = arith.constant 0 : i32
      %dma_start3A_1980 = tpu.memref_slice %arg1[%multiple_of3A, %dma_start3A] : memref<16384x1024xf32, #tpu.memory_space<any>> -> memref<256x1024xf32, #tpu.memory_space<any>>
      tpu.enqueue_dma source(%arg2 : memref<256x1024xf32, #tpu.memory_space<vmem>>) target(%dma_start3A_1980 : memref<256x1024xf32, #tpu.memory_space<any>>) target_semaphore(%arg3 : memref<!tpu.dma_semaphore, #tpu.memory_space<semaphore_mem>>)
    }
    %mul3A_305 = arith.constant 256 : i32
    %mul3A_306 = arith.muli %select_n3A_294, %mul3A_305 : i32
    %sub3A_307 = arith.constant 6144 : i32
    %sub3A_308 = arith.subi %sub3A_307, %mul3A_306 : i32
    %mul3A_309 = arith.constant 256 : i32
    %mul3A_310 = arith.muli %select_n3A_294, %mul3A_309 : i32
    %sub3A_311 = arith.subi %sub3A_270, %mul3A_310 : i32
    %and3A_312 = arith.constant 128 : i32
    %and3A_313 = arith.andi %sub3A_311, %and3A_312 : i32
    %ne3A_314 = arith.constant 0 : i32
    %ne3A_315 = arith.cmpi ne, %and3A_313, %ne3A_314 : i32
    %sub3A_316 = arith.constant 128 : i32
    %sub3A_317 = arith.subi %sub3A_308, %sub3A_316 : i32
    %select_n3A_318 = arith.select %ne3A_315, %sub3A_317, %sub3A_308 : i32
    %convert_element_type3A_319 = arith.extui %ne3A_315 : i1 to i32
    %cond3A_320 = arith.constant 0 : i32
    %cond3A_321 = arith.cmpi ne, %convert_element_type3A_319, %cond3A_320 : i32
    scf.if %cond3A_321 {
      %multiple_of3A = tpu.assume_multiple %select_n3A_318, 8 : i32
      %dma_start3A = arith.constant 0 : i32
      %dma_start3A_1974 = tpu.memref_slice %arg1[%multiple_of3A, %dma_start3A] : memref<16384x1024xf32, #tpu.memory_space<any>> -> memref<128x1024xf32, #tpu.memory_space<any>>
      %dma_start3A_1975 = arith.constant 0 : i32
      %dma_start3A_1976 = arith.constant 0 : i32
      %dma_start3A_1977 = tpu.memref_slice %arg2[%dma_start3A_1975, %dma_start3A_1976] : memref<256x1024xf32, #tpu.memory_space<vmem>> -> memref<128x1024xf32, #tpu.memory_space<vmem>>
      tpu.enqueue_dma source(%dma_start3A_1977 : memref<128x1024xf32, #tpu.memory_space<vmem>>) target(%dma_start3A_1974 : memref<128x1024xf32, #tpu.memory_space<any>>) target_semaphore(%arg3 : memref<!tpu.dma_semaphore, #tpu.memory_space<semaphore_mem>>)
    } else {
    }
    %and3A_322 = arith.constant 64 : i32
    %and3A_323 = arith.andi %sub3A_311, %and3A_322 : i32
    %ne3A_324 = arith.constant 0 : i32
    %ne3A_325 = arith.cmpi ne, %and3A_323, %ne3A_324 : i32
    %sub3A_326 = arith.constant 64 : i32
    %sub3A_327 = arith.subi %select_n3A_318, %sub3A_326 : i32
    %select_n3A_328 = arith.select %ne3A_325, %sub3A_327, %select_n3A_318 : i32
    %convert_element_type3A_329 = arith.extui %ne3A_325 : i1 to i32
    %cond3A_330 = arith.constant 0 : i32
    %cond3A_331 = arith.cmpi ne, %convert_element_type3A_329, %cond3A_330 : i32
    scf.if %cond3A_331 {
      %multiple_of3A = tpu.assume_multiple %select_n3A_328, 8 : i32
      %dma_start3A = arith.constant 0 : i32
      %dma_start3A_1974 = tpu.memref_slice %arg1[%multiple_of3A, %dma_start3A] : memref<16384x1024xf32, #tpu.memory_space<any>> -> memref<64x1024xf32, #tpu.memory_space<any>>
      %dma_start3A_1975 = arith.constant 0 : i32
      %dma_start3A_1976 = arith.constant 0 : i32
      %dma_start3A_1977 = tpu.memref_slice %arg2[%dma_start3A_1975, %dma_start3A_1976] : memref<256x1024xf32, #tpu.memory_space<vmem>> -> memref<64x1024xf32, #tpu.memory_space<vmem>>
      tpu.enqueue_dma source(%dma_start3A_1977 : memref<64x1024xf32, #tpu.memory_space<vmem>>) target(%dma_start3A_1974 : memref<64x1024xf32, #tpu.memory_space<any>>) target_semaphore(%arg3 : memref<!tpu.dma_semaphore, #tpu.memory_space<semaphore_mem>>)
    } else {
    }
    %and3A_332 = arith.constant 32 : i32
    %and3A_333 = arith.andi %sub3A_311, %and3A_332 : i32
    %ne3A_334 = arith.constant 0 : i32
    %ne3A_335 = arith.cmpi ne, %and3A_333, %ne3A_334 : i32
    %sub3A_336 = arith.constant 32 : i32
    %sub3A_337 = arith.subi %select_n3A_328, %sub3A_336 : i32
    %select_n3A_338 = arith.select %ne3A_335, %sub3A_337, %select_n3A_328 : i32
    %convert_element_type3A_339 = arith.extui %ne3A_335 : i1 to i32
    %cond3A_340 = arith.constant 0 : i32
    %cond3A_341 = arith.cmpi ne, %convert_element_type3A_339, %cond3A_340 : i32
    scf.if %cond3A_341 {
      %multiple_of3A = tpu.assume_multiple %select_n3A_338, 8 : i32
      %dma_start3A = arith.constant 0 : i32
      %dma_start3A_1974 = tpu.memref_slice %arg1[%multiple_of3A, %dma_start3A] : memref<16384x1024xf32, #tpu.memory_space<any>> -> memref<32x1024xf32, #tpu.memory_space<any>>
      %dma_start3A_1975 = arith.constant 0 : i32
      %dma_start3A_1976 = arith.constant 0 : i32
      %dma_start3A_1977 = tpu.memref_slice %arg2[%dma_start3A_1975, %dma_start3A_1976] : memref<256x1024xf32, #tpu.memory_space<vmem>> -> memref<32x1024xf32, #tpu.memory_space<vmem>>
      tpu.enqueue_dma source(%dma_start3A_1977 : memref<32x1024xf32, #tpu.memory_space<vmem>>) target(%dma_start3A_1974 : memref<32x1024xf32, #tpu.memory_space<any>>) target_semaphore(%arg3 : memref<!tpu.dma_semaphore, #tpu.memory_space<semaphore_mem>>)
    } else {
    }
    %and3A_342 = arith.constant 16 : i32
    %and3A_343 = arith.andi %sub3A_311, %and3A_342 : i32
    %ne3A_344 = arith.constant 0 : i32
    %ne3A_345 = arith.cmpi ne, %and3A_343, %ne3A_344 : i32
    %sub3A_346 = arith.constant 16 : i32
    %sub3A_347 = arith.subi %select_n3A_338, %sub3A_346 : i32
    %select_n3A_348 = arith.select %ne3A_345, %sub3A_347, %select_n3A_338 : i32
    %convert_element_type3A_349 = arith.extui %ne3A_345 : i1 to i32
    %cond3A_350 = arith.constant 0 : i32
    %cond3A_351 = arith.cmpi ne, %convert_element_type3A_349, %cond3A_350 : i32
    scf.if %cond3A_351 {
      %multiple_of3A = tpu.assume_multiple %select_n3A_348, 8 : i32
      %dma_start3A = arith.constant 0 : i32
      %dma_start3A_1974 = tpu.memref_slice %arg1[%multiple_of3A, %dma_start3A] : memref<16384x1024xf32, #tpu.memory_space<any>> -> memref<16x1024xf32, #tpu.memory_space<any>>
      %dma_start3A_1975 = arith.constant 0 : i32
      %dma_start3A_1976 = arith.constant 0 : i32
      %dma_start3A_1977 = tpu.memref_slice %arg2[%dma_start3A_1975, %dma_start3A_1976] : memref<256x1024xf32, #tpu.memory_space<vmem>> -> memref<16x1024xf32, #tpu.memory_space<vmem>>
      tpu.enqueue_dma source(%dma_start3A_1977 : memref<16x1024xf32, #tpu.memory_space<vmem>>) target(%dma_start3A_1974 : memref<16x1024xf32, #tpu.memory_space<any>>) target_semaphore(%arg3 : memref<!tpu.dma_semaphore, #tpu.memory_space<semaphore_mem>>)
    } else {
    }
    %and3A_352 = arith.constant 8 : i32
    %and3A_353 = arith.andi %sub3A_311, %and3A_352 : i32
    %ne3A_354 = arith.constant 0 : i32
    %ne3A_355 = arith.cmpi ne, %and3A_353, %ne3A_354 : i32
    %sub3A_356 = arith.constant 8 : i32
    %sub3A_357 = arith.subi %select_n3A_348, %sub3A_356 : i32
    %select_n3A_358 = arith.select %ne3A_355, %sub3A_357, %select_n3A_348 : i32
    %convert_element_type3A_359 = arith.extui %ne3A_355 : i1 to i32
    %cond3A_360 = arith.constant 0 : i32
    %cond3A_361 = arith.cmpi ne, %convert_element_type3A_359, %cond3A_360 : i32
    scf.if %cond3A_361 {
      %multiple_of3A = tpu.assume_multiple %select_n3A_358, 8 : i32
      %dma_start3A = arith.constant 0 : i32
      %dma_start3A_1974 = tpu.memref_slice %arg1[%multiple_of3A, %dma_start3A] : memref<16384x1024xf32, #tpu.memory_space<any>> -> memref<8x1024xf32, #tpu.memory_space<any>>
      %dma_start3A_1975 = arith.constant 0 : i32
      %dma_start3A_1976 = arith.constant 0 : i32
      %dma_start3A_1977 = tpu.memref_slice %arg2[%dma_start3A_1975, %dma_start3A_1976] : memref<256x1024xf32, #tpu.memory_space<vmem>> -> memref<8x1024xf32, #tpu.memory_space<vmem>>
      tpu.enqueue_dma source(%dma_start3A_1977 : memref<8x1024xf32, #tpu.memory_space<vmem>>) target(%dma_start3A_1974 : memref<8x1024xf32, #tpu.memory_space<any>>) target_semaphore(%arg3 : memref<!tpu.dma_semaphore, #tpu.memory_space<semaphore_mem>>)
    } else {
    }
    %get3A_362 = arith.constant 4 : index
    %get3A_363 = memref.load %arg0[%get3A_362] : memref<9xi32, #tpu.memory_space<smem>>
    %get3A_364 = arith.constant 3 : index
    %get3A_365 = memref.load %arg0[%get3A_364] : memref<9xi32, #tpu.memory_space<smem>>
    %sub3A_366 = arith.subi %get3A_363, %get3A_365 : i32
    %jit3A_367 = arith.constant 8 : i32
    %div3A_368 = arith.divsi %sub3A_366, %jit3A_367 : i32
    %sign3A_369 = arith.constant 0 : i32
    %sign3A_370 = arith.cmpi sgt, %sub3A_366, %sign3A_369 : i32
    %sign3A_371 = arith.extui %sign3A_370 : i1 to i32
    %sign3A_372 = arith.constant 0 : i32
    %sign3A_373 = arith.cmpi slt, %sub3A_366, %sign3A_372 : i32
    %sign3A_374 = arith.extui %sign3A_373 : i1 to i32
    %sign3A_375 = arith.subi %sign3A_371, %sign3A_374 : i32
    %sign3A_376 = arith.constant 0 : i32
    %sign3A_377 = arith.cmpi sgt, %jit3A_367, %sign3A_376 : i32
    %sign3A_378 = arith.extui %sign3A_377 : i1 to i32
    %sign3A_379 = arith.constant 0 : i32
    %sign3A_380 = arith.cmpi slt, %jit3A_367, %sign3A_379 : i32
    %sign3A_381 = arith.extui %sign3A_380 : i1 to i32
    %sign3A_382 = arith.subi %sign3A_378, %sign3A_381 : i32
    %ne3A_383 = arith.cmpi ne, %sign3A_375, %sign3A_382 : i32
    %rem3A_384 = arith.remsi %sub3A_366, %jit3A_367 : i32
    %ne3A_385 = arith.constant 0 : i32
    %ne3A_386 = arith.cmpi ne, %rem3A_384, %ne3A_385 : i32
    %and3A_387 = arith.andi %ne3A_383, %ne3A_386 : i1
    %sub3A_388 = arith.constant 1 : i32
    %sub3A_389 = arith.subi %div3A_368, %sub3A_388 : i32
    %select_n3A_390 = arith.select %and3A_387, %sub3A_389, %div3A_368 : i32
    %mul3A_391 = arith.constant 8 : i32
    %mul3A_392 = arith.muli %select_n3A_390, %mul3A_391 : i32
    %sub3A_393 = arith.constant 2048 : i32
    %sub3A_394 = arith.subi %sub3A_393, %mul3A_392 : i32
    %jit3A_395 = arith.constant 256 : i32
    %div3A_396 = arith.divsi %sub3A_394, %jit3A_395 : i32
    %sign3A_397 = arith.constant 0 : i32
    %sign3A_398 = arith.cmpi sgt, %sub3A_394, %sign3A_397 : i32
    %sign3A_399 = arith.extui %sign3A_398 : i1 to i32
    %sign3A_400 = arith.constant 0 : i32
    %sign3A_401 = arith.cmpi slt, %sub3A_394, %sign3A_400 : i32
    %sign3A_402 = arith.extui %sign3A_401 : i1 to i32
    %sign3A_403 = arith.subi %sign3A_399, %sign3A_402 : i32
    %sign3A_404 = arith.constant 0 : i32
    %sign3A_405 = arith.cmpi sgt, %jit3A_395, %sign3A_404 : i32
    %sign3A_406 = arith.extui %sign3A_405 : i1 to i32
    %sign3A_407 = arith.constant 0 : i32
    %sign3A_408 = arith.cmpi slt, %jit3A_395, %sign3A_407 : i32
    %sign3A_409 = arith.extui %sign3A_408 : i1 to i32
    %sign3A_410 = arith.subi %sign3A_406, %sign3A_409 : i32
    %ne3A_411 = arith.cmpi ne, %sign3A_403, %sign3A_410 : i32
    %rem3A_412 = arith.remsi %sub3A_394, %jit3A_395 : i32
    %ne3A_413 = arith.constant 0 : i32
    %ne3A_414 = arith.cmpi ne, %rem3A_412, %ne3A_413 : i32
    %and3A_415 = arith.andi %ne3A_411, %ne3A_414 : i1
    %sub3A_416 = arith.constant 1 : i32
    %sub3A_417 = arith.subi %div3A_396, %sub3A_416 : i32
    %select_n3A_418 = arith.select %and3A_415, %sub3A_417, %div3A_396 : i32
    %while3A_419 = arith.constant 0 : i32
    %while3A_420 = arith.constant 0 : i32
    %while3A_421 = arith.subi %select_n3A_418, %while3A_420 : i32
    %while3A_422 = arith.addi %while3A_420, %while3A_421 : i32
    %while3A_423 = arith.constant 1 : i32
    %while3A_424 = arith.divsi %while3A_421, %while3A_423 : i32
    %while3A_425 = arith.muli %while3A_424, %while3A_423 : i32
    %while3A_426 = arith.addi %while3A_420, %while3A_425 : i32
    %while3A_427 = arith.constant 1 : i32
    scf.for %while3A_1974 = %while3A_420 to %while3A_426 step %while3A_427  : i32 {
      %add3A = arith.constant 1 : i32
      %add3A_1975 = arith.addi %while3A_1974, %add3A : i32
      %mul3A_1976 = arith.constant 256 : i32
      %mul3A_1977 = arith.muli %add3A_1975, %mul3A_1976 : i32
      %sub3A_1978 = arith.constant 8192 : i32
      %sub3A_1979 = arith.subi %sub3A_1978, %mul3A_1977 : i32
      %multiple_of3A = tpu.assume_multiple %sub3A_1979, 8 : i32
      %dma_start3A = arith.constant 0 : i32
      %dma_start3A_1980 = tpu.memref_slice %arg1[%multiple_of3A, %dma_start3A] : memref<16384x1024xf32, #tpu.memory_space<any>> -> memref<256x1024xf32, #tpu.memory_space<any>>
      tpu.enqueue_dma source(%arg2 : memref<256x1024xf32, #tpu.memory_space<vmem>>) target(%dma_start3A_1980 : memref<256x1024xf32, #tpu.memory_space<any>>) target_semaphore(%arg3 : memref<!tpu.dma_semaphore, #tpu.memory_space<semaphore_mem>>)
    }
    %while3A_428 = arith.constant 1 : i32
    scf.for %while3A_1974 = %while3A_426 to %while3A_422 step %while3A_428  : i32 {
      %add3A = arith.constant 1 : i32
      %add3A_1975 = arith.addi %while3A_1974, %add3A : i32
      %mul3A_1976 = arith.constant 256 : i32
      %mul3A_1977 = arith.muli %add3A_1975, %mul3A_1976 : i32
      %sub3A_1978 = arith.constant 8192 : i32
      %sub3A_1979 = arith.subi %sub3A_1978, %mul3A_1977 : i32
      %multiple_of3A = tpu.assume_multiple %sub3A_1979, 8 : i32
      %dma_start3A = arith.constant 0 : i32
      %dma_start3A_1980 = tpu.memref_slice %arg1[%multiple_of3A, %dma_start3A] : memref<16384x1024xf32, #tpu.memory_space<any>> -> memref<256x1024xf32, #tpu.memory_space<any>>
      tpu.enqueue_dma source(%arg2 : memref<256x1024xf32, #tpu.memory_space<vmem>>) target(%dma_start3A_1980 : memref<256x1024xf32, #tpu.memory_space<any>>) target_semaphore(%arg3 : memref<!tpu.dma_semaphore, #tpu.memory_space<semaphore_mem>>)
    }
    %mul3A_429 = arith.constant 256 : i32
    %mul3A_430 = arith.muli %select_n3A_418, %mul3A_429 : i32
    %sub3A_431 = arith.constant 8192 : i32
    %sub3A_432 = arith.subi %sub3A_431, %mul3A_430 : i32
    %mul3A_433 = arith.constant 256 : i32
    %mul3A_434 = arith.muli %select_n3A_418, %mul3A_433 : i32
    %sub3A_435 = arith.subi %sub3A_394, %mul3A_434 : i32
    %and3A_436 = arith.constant 128 : i32
    %and3A_437 = arith.andi %sub3A_435, %and3A_436 : i32
    %ne3A_438 = arith.constant 0 : i32
    %ne3A_439 = arith.cmpi ne, %and3A_437, %ne3A_438 : i32
    %sub3A_440 = arith.constant 128 : i32
    %sub3A_441 = arith.subi %sub3A_432, %sub3A_440 : i32
    %select_n3A_442 = arith.select %ne3A_439, %sub3A_441, %sub3A_432 : i32
    %convert_element_type3A_443 = arith.extui %ne3A_439 : i1 to i32
    %cond3A_444 = arith.constant 0 : i32
    %cond3A_445 = arith.cmpi ne, %convert_element_type3A_443, %cond3A_444 : i32
    scf.if %cond3A_445 {
      %multiple_of3A = tpu.assume_multiple %select_n3A_442, 8 : i32
      %dma_start3A = arith.constant 0 : i32
      %dma_start3A_1974 = tpu.memref_slice %arg1[%multiple_of3A, %dma_start3A] : memref<16384x1024xf32, #tpu.memory_space<any>> -> memref<128x1024xf32, #tpu.memory_space<any>>
      %dma_start3A_1975 = arith.constant 0 : i32
      %dma_start3A_1976 = arith.constant 0 : i32
      %dma_start3A_1977 = tpu.memref_slice %arg2[%dma_start3A_1975, %dma_start3A_1976] : memref<256x1024xf32, #tpu.memory_space<vmem>> -> memref<128x1024xf32, #tpu.memory_space<vmem>>
      tpu.enqueue_dma source(%dma_start3A_1977 : memref<128x1024xf32, #tpu.memory_space<vmem>>) target(%dma_start3A_1974 : memref<128x1024xf32, #tpu.memory_space<any>>) target_semaphore(%arg3 : memref<!tpu.dma_semaphore, #tpu.memory_space<semaphore_mem>>)
    } else {
    }
    %and3A_446 = arith.constant 64 : i32
    %and3A_447 = arith.andi %sub3A_435, %and3A_446 : i32
    %ne3A_448 = arith.constant 0 : i32
    %ne3A_449 = arith.cmpi ne, %and3A_447, %ne3A_448 : i32
    %sub3A_450 = arith.constant 64 : i32
    %sub3A_451 = arith.subi %select_n3A_442, %sub3A_450 : i32
    %select_n3A_452 = arith.select %ne3A_449, %sub3A_451, %select_n3A_442 : i32
    %convert_element_type3A_453 = arith.extui %ne3A_449 : i1 to i32
    %cond3A_454 = arith.constant 0 : i32
    %cond3A_455 = arith.cmpi ne, %convert_element_type3A_453, %cond3A_454 : i32
    scf.if %cond3A_455 {
      %multiple_of3A = tpu.assume_multiple %select_n3A_452, 8 : i32
      %dma_start3A = arith.constant 0 : i32
      %dma_start3A_1974 = tpu.memref_slice %arg1[%multiple_of3A, %dma_start3A] : memref<16384x1024xf32, #tpu.memory_space<any>> -> memref<64x1024xf32, #tpu.memory_space<any>>
      %dma_start3A_1975 = arith.constant 0 : i32
      %dma_start3A_1976 = arith.constant 0 : i32
      %dma_start3A_1977 = tpu.memref_slice %arg2[%dma_start3A_1975, %dma_start3A_1976] : memref<256x1024xf32, #tpu.memory_space<vmem>> -> memref<64x1024xf32, #tpu.memory_space<vmem>>
      tpu.enqueue_dma source(%dma_start3A_1977 : memref<64x1024xf32, #tpu.memory_space<vmem>>) target(%dma_start3A_1974 : memref<64x1024xf32, #tpu.memory_space<any>>) target_semaphore(%arg3 : memref<!tpu.dma_semaphore, #tpu.memory_space<semaphore_mem>>)
    } else {
    }
    %and3A_456 = arith.constant 32 : i32
    %and3A_457 = arith.andi %sub3A_435, %and3A_456 : i32
    %ne3A_458 = arith.constant 0 : i32
    %ne3A_459 = arith.cmpi ne, %and3A_457, %ne3A_458 : i32
    %sub3A_460 = arith.constant 32 : i32
    %sub3A_461 = arith.subi %select_n3A_452, %sub3A_460 : i32
    %select_n3A_462 = arith.select %ne3A_459, %sub3A_461, %select_n3A_452 : i32
    %convert_element_type3A_463 = arith.extui %ne3A_459 : i1 to i32
    %cond3A_464 = arith.constant 0 : i32
    %cond3A_465 = arith.cmpi ne, %convert_element_type3A_463, %cond3A_464 : i32
    scf.if %cond3A_465 {
      %multiple_of3A = tpu.assume_multiple %select_n3A_462, 8 : i32
      %dma_start3A = arith.constant 0 : i32
      %dma_start3A_1974 = tpu.memref_slice %arg1[%multiple_of3A, %dma_start3A] : memref<16384x1024xf32, #tpu.memory_space<any>> -> memref<32x1024xf32, #tpu.memory_space<any>>
      %dma_start3A_1975 = arith.constant 0 : i32
      %dma_start3A_1976 = arith.constant 0 : i32
      %dma_start3A_1977 = tpu.memref_slice %arg2[%dma_start3A_1975, %dma_start3A_1976] : memref<256x1024xf32, #tpu.memory_space<vmem>> -> memref<32x1024xf32, #tpu.memory_space<vmem>>
      tpu.enqueue_dma source(%dma_start3A_1977 : memref<32x1024xf32, #tpu.memory_space<vmem>>) target(%dma_start3A_1974 : memref<32x1024xf32, #tpu.memory_space<any>>) target_semaphore(%arg3 : memref<!tpu.dma_semaphore, #tpu.memory_space<semaphore_mem>>)
    } else {
    }
    %and3A_466 = arith.constant 16 : i32
    %and3A_467 = arith.andi %sub3A_435, %and3A_466 : i32
    %ne3A_468 = arith.constant 0 : i32
    %ne3A_469 = arith.cmpi ne, %and3A_467, %ne3A_468 : i32
    %sub3A_470 = arith.constant 16 : i32
    %sub3A_471 = arith.subi %select_n3A_462, %sub3A_470 : i32
    %select_n3A_472 = arith.select %ne3A_469, %sub3A_471, %select_n3A_462 : i32
    %convert_element_type3A_473 = arith.extui %ne3A_469 : i1 to i32
    %cond3A_474 = arith.constant 0 : i32
    %cond3A_475 = arith.cmpi ne, %convert_element_type3A_473, %cond3A_474 : i32
    scf.if %cond3A_475 {
      %multiple_of3A = tpu.assume_multiple %select_n3A_472, 8 : i32
      %dma_start3A = arith.constant 0 : i32
      %dma_start3A_1974 = tpu.memref_slice %arg1[%multiple_of3A, %dma_start3A] : memref<16384x1024xf32, #tpu.memory_space<any>> -> memref<16x1024xf32, #tpu.memory_space<any>>
      %dma_start3A_1975 = arith.constant 0 : i32
      %dma_start3A_1976 = arith.constant 0 : i32
      %dma_start3A_1977 = tpu.memref_slice %arg2[%dma_start3A_1975, %dma_start3A_1976] : memref<256x1024xf32, #tpu.memory_space<vmem>> -> memref<16x1024xf32, #tpu.memory_space<vmem>>
      tpu.enqueue_dma source(%dma_start3A_1977 : memref<16x1024xf32, #tpu.memory_space<vmem>>) target(%dma_start3A_1974 : memref<16x1024xf32, #tpu.memory_space<any>>) target_semaphore(%arg3 : memref<!tpu.dma_semaphore, #tpu.memory_space<semaphore_mem>>)
    } else {
    }
    %and3A_476 = arith.constant 8 : i32
    %and3A_477 = arith.andi %sub3A_435, %and3A_476 : i32
    %ne3A_478 = arith.constant 0 : i32
    %ne3A_479 = arith.cmpi ne, %and3A_477, %ne3A_478 : i32
    %sub3A_480 = arith.constant 8 : i32
    %sub3A_481 = arith.subi %select_n3A_472, %sub3A_480 : i32
    %select_n3A_482 = arith.select %ne3A_479, %sub3A_481, %select_n3A_472 : i32
    %convert_element_type3A_483 = arith.extui %ne3A_479 : i1 to i32
    %cond3A_484 = arith.constant 0 : i32
    %cond3A_485 = arith.cmpi ne, %convert_element_type3A_483, %cond3A_484 : i32
    scf.if %cond3A_485 {
      %multiple_of3A = tpu.assume_multiple %select_n3A_482, 8 : i32
      %dma_start3A = arith.constant 0 : i32
      %dma_start3A_1974 = tpu.memref_slice %arg1[%multiple_of3A, %dma_start3A] : memref<16384x1024xf32, #tpu.memory_space<any>> -> memref<8x1024xf32, #tpu.memory_space<any>>
      %dma_start3A_1975 = arith.constant 0 : i32
      %dma_start3A_1976 = arith.constant 0 : i32
      %dma_start3A_1977 = tpu.memref_slice %arg2[%dma_start3A_1975, %dma_start3A_1976] : memref<256x1024xf32, #tpu.memory_space<vmem>> -> memref<8x1024xf32, #tpu.memory_space<vmem>>
      tpu.enqueue_dma source(%dma_start3A_1977 : memref<8x1024xf32, #tpu.memory_space<vmem>>) target(%dma_start3A_1974 : memref<8x1024xf32, #tpu.memory_space<any>>) target_semaphore(%arg3 : memref<!tpu.dma_semaphore, #tpu.memory_space<semaphore_mem>>)
    } else {
    }
    %get3A_486 = arith.constant 5 : index
    %get3A_487 = memref.load %arg0[%get3A_486] : memref<9xi32, #tpu.memory_space<smem>>
    %get3A_488 = arith.constant 4 : index
    %get3A_489 = memref.load %arg0[%get3A_488] : memref<9xi32, #tpu.memory_space<smem>>
    %sub3A_490 = arith.subi %get3A_487, %get3A_489 : i32
    %jit3A_491 = arith.constant 8 : i32
    %div3A_492 = arith.divsi %sub3A_490, %jit3A_491 : i32
    %sign3A_493 = arith.constant 0 : i32
    %sign3A_494 = arith.cmpi sgt, %sub3A_490, %sign3A_493 : i32
    %sign3A_495 = arith.extui %sign3A_494 : i1 to i32
    %sign3A_496 = arith.constant 0 : i32
    %sign3A_497 = arith.cmpi slt, %sub3A_490, %sign3A_496 : i32
    %sign3A_498 = arith.extui %sign3A_497 : i1 to i32
    %sign3A_499 = arith.subi %sign3A_495, %sign3A_498 : i32
    %sign3A_500 = arith.constant 0 : i32
    %sign3A_501 = arith.cmpi sgt, %jit3A_491, %sign3A_500 : i32
    %sign3A_502 = arith.extui %sign3A_501 : i1 to i32
    %sign3A_503 = arith.constant 0 : i32
    %sign3A_504 = arith.cmpi slt, %jit3A_491, %sign3A_503 : i32
    %sign3A_505 = arith.extui %sign3A_504 : i1 to i32
    %sign3A_506 = arith.subi %sign3A_502, %sign3A_505 : i32
    %ne3A_507 = arith.cmpi ne, %sign3A_499, %sign3A_506 : i32
    %rem3A_508 = arith.remsi %sub3A_490, %jit3A_491 : i32
    %ne3A_509 = arith.constant 0 : i32
    %ne3A_510 = arith.cmpi ne, %rem3A_508, %ne3A_509 : i32
    %and3A_511 = arith.andi %ne3A_507, %ne3A_510 : i1
    %sub3A_512 = arith.constant 1 : i32
    %sub3A_513 = arith.subi %div3A_492, %sub3A_512 : i32
    %select_n3A_514 = arith.select %and3A_511, %sub3A_513, %div3A_492 : i32
    %mul3A_515 = arith.constant 8 : i32
    %mul3A_516 = arith.muli %select_n3A_514, %mul3A_515 : i32
    %sub3A_517 = arith.constant 2048 : i32
    %sub3A_518 = arith.subi %sub3A_517, %mul3A_516 : i32
    %jit3A_519 = arith.constant 256 : i32
    %div3A_520 = arith.divsi %sub3A_518, %jit3A_519 : i32
    %sign3A_521 = arith.constant 0 : i32
    %sign3A_522 = arith.cmpi sgt, %sub3A_518, %sign3A_521 : i32
    %sign3A_523 = arith.extui %sign3A_522 : i1 to i32
    %sign3A_524 = arith.constant 0 : i32
    %sign3A_525 = arith.cmpi slt, %sub3A_518, %sign3A_524 : i32
    %sign3A_526 = arith.extui %sign3A_525 : i1 to i32
    %sign3A_527 = arith.subi %sign3A_523, %sign3A_526 : i32
    %sign3A_528 = arith.constant 0 : i32
    %sign3A_529 = arith.cmpi sgt, %jit3A_519, %sign3A_528 : i32
    %sign3A_530 = arith.extui %sign3A_529 : i1 to i32
    %sign3A_531 = arith.constant 0 : i32
    %sign3A_532 = arith.cmpi slt, %jit3A_519, %sign3A_531 : i32
    %sign3A_533 = arith.extui %sign3A_532 : i1 to i32
    %sign3A_534 = arith.subi %sign3A_530, %sign3A_533 : i32
    %ne3A_535 = arith.cmpi ne, %sign3A_527, %sign3A_534 : i32
    %rem3A_536 = arith.remsi %sub3A_518, %jit3A_519 : i32
    %ne3A_537 = arith.constant 0 : i32
    %ne3A_538 = arith.cmpi ne, %rem3A_536, %ne3A_537 : i32
    %and3A_539 = arith.andi %ne3A_535, %ne3A_538 : i1
    %sub3A_540 = arith.constant 1 : i32
    %sub3A_541 = arith.subi %div3A_520, %sub3A_540 : i32
    %select_n3A_542 = arith.select %and3A_539, %sub3A_541, %div3A_520 : i32
    %while3A_543 = arith.constant 0 : i32
    %while3A_544 = arith.constant 0 : i32
    %while3A_545 = arith.subi %select_n3A_542, %while3A_544 : i32
    %while3A_546 = arith.addi %while3A_544, %while3A_545 : i32
    %while3A_547 = arith.constant 1 : i32
    %while3A_548 = arith.divsi %while3A_545, %while3A_547 : i32
    %while3A_549 = arith.muli %while3A_548, %while3A_547 : i32
    %while3A_550 = arith.addi %while3A_544, %while3A_549 : i32
    %while3A_551 = arith.constant 1 : i32
    scf.for %while3A_1974 = %while3A_544 to %while3A_550 step %while3A_551  : i32 {
      %add3A = arith.constant 1 : i32
      %add3A_1975 = arith.addi %while3A_1974, %add3A : i32
      %mul3A_1976 = arith.constant 256 : i32
      %mul3A_1977 = arith.muli %add3A_1975, %mul3A_1976 : i32
      %sub3A_1978 = arith.constant 10240 : i32
      %sub3A_1979 = arith.subi %sub3A_1978, %mul3A_1977 : i32
      %multiple_of3A = tpu.assume_multiple %sub3A_1979, 8 : i32
      %dma_start3A = arith.constant 0 : i32
      %dma_start3A_1980 = tpu.memref_slice %arg1[%multiple_of3A, %dma_start3A] : memref<16384x1024xf32, #tpu.memory_space<any>> -> memref<256x1024xf32, #tpu.memory_space<any>>
      tpu.enqueue_dma source(%arg2 : memref<256x1024xf32, #tpu.memory_space<vmem>>) target(%dma_start3A_1980 : memref<256x1024xf32, #tpu.memory_space<any>>) target_semaphore(%arg3 : memref<!tpu.dma_semaphore, #tpu.memory_space<semaphore_mem>>)
    }
    %while3A_552 = arith.constant 1 : i32
    scf.for %while3A_1974 = %while3A_550 to %while3A_546 step %while3A_552  : i32 {
      %add3A = arith.constant 1 : i32
      %add3A_1975 = arith.addi %while3A_1974, %add3A : i32
      %mul3A_1976 = arith.constant 256 : i32
      %mul3A_1977 = arith.muli %add3A_1975, %mul3A_1976 : i32
      %sub3A_1978 = arith.constant 10240 : i32
      %sub3A_1979 = arith.subi %sub3A_1978, %mul3A_1977 : i32
      %multiple_of3A = tpu.assume_multiple %sub3A_1979, 8 : i32
      %dma_start3A = arith.constant 0 : i32
      %dma_start3A_1980 = tpu.memref_slice %arg1[%multiple_of3A, %dma_start3A] : memref<16384x1024xf32, #tpu.memory_space<any>> -> memref<256x1024xf32, #tpu.memory_space<any>>
      tpu.enqueue_dma source(%arg2 : memref<256x1024xf32, #tpu.memory_space<vmem>>) target(%dma_start3A_1980 : memref<256x1024xf32, #tpu.memory_space<any>>) target_semaphore(%arg3 : memref<!tpu.dma_semaphore, #tpu.memory_space<semaphore_mem>>)
    }
    %mul3A_553 = arith.constant 256 : i32
    %mul3A_554 = arith.muli %select_n3A_542, %mul3A_553 : i32
    %sub3A_555 = arith.constant 10240 : i32
    %sub3A_556 = arith.subi %sub3A_555, %mul3A_554 : i32
    %mul3A_557 = arith.constant 256 : i32
    %mul3A_558 = arith.muli %select_n3A_542, %mul3A_557 : i32
    %sub3A_559 = arith.subi %sub3A_518, %mul3A_558 : i32
    %and3A_560 = arith.constant 128 : i32
    %and3A_561 = arith.andi %sub3A_559, %and3A_560 : i32
    %ne3A_562 = arith.constant 0 : i32
    %ne3A_563 = arith.cmpi ne, %and3A_561, %ne3A_562 : i32
    %sub3A_564 = arith.constant 128 : i32
    %sub3A_565 = arith.subi %sub3A_556, %sub3A_564 : i32
    %select_n3A_566 = arith.select %ne3A_563, %sub3A_565, %sub3A_556 : i32
    %convert_element_type3A_567 = arith.extui %ne3A_563 : i1 to i32
    %cond3A_568 = arith.constant 0 : i32
    %cond3A_569 = arith.cmpi ne, %convert_element_type3A_567, %cond3A_568 : i32
    scf.if %cond3A_569 {
      %multiple_of3A = tpu.assume_multiple %select_n3A_566, 8 : i32
      %dma_start3A = arith.constant 0 : i32
      %dma_start3A_1974 = tpu.memref_slice %arg1[%multiple_of3A, %dma_start3A] : memref<16384x1024xf32, #tpu.memory_space<any>> -> memref<128x1024xf32, #tpu.memory_space<any>>
      %dma_start3A_1975 = arith.constant 0 : i32
      %dma_start3A_1976 = arith.constant 0 : i32
      %dma_start3A_1977 = tpu.memref_slice %arg2[%dma_start3A_1975, %dma_start3A_1976] : memref<256x1024xf32, #tpu.memory_space<vmem>> -> memref<128x1024xf32, #tpu.memory_space<vmem>>
      tpu.enqueue_dma source(%dma_start3A_1977 : memref<128x1024xf32, #tpu.memory_space<vmem>>) target(%dma_start3A_1974 : memref<128x1024xf32, #tpu.memory_space<any>>) target_semaphore(%arg3 : memref<!tpu.dma_semaphore, #tpu.memory_space<semaphore_mem>>)
    } else {
    }
    %and3A_570 = arith.constant 64 : i32
    %and3A_571 = arith.andi %sub3A_559, %and3A_570 : i32
    %ne3A_572 = arith.constant 0 : i32
    %ne3A_573 = arith.cmpi ne, %and3A_571, %ne3A_572 : i32
    %sub3A_574 = arith.constant 64 : i32
    %sub3A_575 = arith.subi %select_n3A_566, %sub3A_574 : i32
    %select_n3A_576 = arith.select %ne3A_573, %sub3A_575, %select_n3A_566 : i32
    %convert_element_type3A_577 = arith.extui %ne3A_573 : i1 to i32
    %cond3A_578 = arith.constant 0 : i32
    %cond3A_579 = arith.cmpi ne, %convert_element_type3A_577, %cond3A_578 : i32
    scf.if %cond3A_579 {
      %multiple_of3A = tpu.assume_multiple %select_n3A_576, 8 : i32
      %dma_start3A = arith.constant 0 : i32
      %dma_start3A_1974 = tpu.memref_slice %arg1[%multiple_of3A, %dma_start3A] : memref<16384x1024xf32, #tpu.memory_space<any>> -> memref<64x1024xf32, #tpu.memory_space<any>>
      %dma_start3A_1975 = arith.constant 0 : i32
      %dma_start3A_1976 = arith.constant 0 : i32
      %dma_start3A_1977 = tpu.memref_slice %arg2[%dma_start3A_1975, %dma_start3A_1976] : memref<256x1024xf32, #tpu.memory_space<vmem>> -> memref<64x1024xf32, #tpu.memory_space<vmem>>
      tpu.enqueue_dma source(%dma_start3A_1977 : memref<64x1024xf32, #tpu.memory_space<vmem>>) target(%dma_start3A_1974 : memref<64x1024xf32, #tpu.memory_space<any>>) target_semaphore(%arg3 : memref<!tpu.dma_semaphore, #tpu.memory_space<semaphore_mem>>)
    } else {
    }
    %and3A_580 = arith.constant 32 : i32
    %and3A_581 = arith.andi %sub3A_559, %and3A_580 : i32
    %ne3A_582 = arith.constant 0 : i32
    %ne3A_583 = arith.cmpi ne, %and3A_581, %ne3A_582 : i32
    %sub3A_584 = arith.constant 32 : i32
    %sub3A_585 = arith.subi %select_n3A_576, %sub3A_584 : i32
    %select_n3A_586 = arith.select %ne3A_583, %sub3A_585, %select_n3A_576 : i32
    %convert_element_type3A_587 = arith.extui %ne3A_583 : i1 to i32
    %cond3A_588 = arith.constant 0 : i32
    %cond3A_589 = arith.cmpi ne, %convert_element_type3A_587, %cond3A_588 : i32
    scf.if %cond3A_589 {
      %multiple_of3A = tpu.assume_multiple %select_n3A_586, 8 : i32
      %dma_start3A = arith.constant 0 : i32
      %dma_start3A_1974 = tpu.memref_slice %arg1[%multiple_of3A, %dma_start3A] : memref<16384x1024xf32, #tpu.memory_space<any>> -> memref<32x1024xf32, #tpu.memory_space<any>>
      %dma_start3A_1975 = arith.constant 0 : i32
      %dma_start3A_1976 = arith.constant 0 : i32
      %dma_start3A_1977 = tpu.memref_slice %arg2[%dma_start3A_1975, %dma_start3A_1976] : memref<256x1024xf32, #tpu.memory_space<vmem>> -> memref<32x1024xf32, #tpu.memory_space<vmem>>
      tpu.enqueue_dma source(%dma_start3A_1977 : memref<32x1024xf32, #tpu.memory_space<vmem>>) target(%dma_start3A_1974 : memref<32x1024xf32, #tpu.memory_space<any>>) target_semaphore(%arg3 : memref<!tpu.dma_semaphore, #tpu.memory_space<semaphore_mem>>)
    } else {
    }
    %and3A_590 = arith.constant 16 : i32
    %and3A_591 = arith.andi %sub3A_559, %and3A_590 : i32
    %ne3A_592 = arith.constant 0 : i32
    %ne3A_593 = arith.cmpi ne, %and3A_591, %ne3A_592 : i32
    %sub3A_594 = arith.constant 16 : i32
    %sub3A_595 = arith.subi %select_n3A_586, %sub3A_594 : i32
    %select_n3A_596 = arith.select %ne3A_593, %sub3A_595, %select_n3A_586 : i32
    %convert_element_type3A_597 = arith.extui %ne3A_593 : i1 to i32
    %cond3A_598 = arith.constant 0 : i32
    %cond3A_599 = arith.cmpi ne, %convert_element_type3A_597, %cond3A_598 : i32
    scf.if %cond3A_599 {
      %multiple_of3A = tpu.assume_multiple %select_n3A_596, 8 : i32
      %dma_start3A = arith.constant 0 : i32
      %dma_start3A_1974 = tpu.memref_slice %arg1[%multiple_of3A, %dma_start3A] : memref<16384x1024xf32, #tpu.memory_space<any>> -> memref<16x1024xf32, #tpu.memory_space<any>>
      %dma_start3A_1975 = arith.constant 0 : i32
      %dma_start3A_1976 = arith.constant 0 : i32
      %dma_start3A_1977 = tpu.memref_slice %arg2[%dma_start3A_1975, %dma_start3A_1976] : memref<256x1024xf32, #tpu.memory_space<vmem>> -> memref<16x1024xf32, #tpu.memory_space<vmem>>
      tpu.enqueue_dma source(%dma_start3A_1977 : memref<16x1024xf32, #tpu.memory_space<vmem>>) target(%dma_start3A_1974 : memref<16x1024xf32, #tpu.memory_space<any>>) target_semaphore(%arg3 : memref<!tpu.dma_semaphore, #tpu.memory_space<semaphore_mem>>)
    } else {
    }
    %and3A_600 = arith.constant 8 : i32
    %and3A_601 = arith.andi %sub3A_559, %and3A_600 : i32
    %ne3A_602 = arith.constant 0 : i32
    %ne3A_603 = arith.cmpi ne, %and3A_601, %ne3A_602 : i32
    %sub3A_604 = arith.constant 8 : i32
    %sub3A_605 = arith.subi %select_n3A_596, %sub3A_604 : i32
    %select_n3A_606 = arith.select %ne3A_603, %sub3A_605, %select_n3A_596 : i32
    %convert_element_type3A_607 = arith.extui %ne3A_603 : i1 to i32
    %cond3A_608 = arith.constant 0 : i32
    %cond3A_609 = arith.cmpi ne, %convert_element_type3A_607, %cond3A_608 : i32
    scf.if %cond3A_609 {
      %multiple_of3A = tpu.assume_multiple %select_n3A_606, 8 : i32
      %dma_start3A = arith.constant 0 : i32
      %dma_start3A_1974 = tpu.memref_slice %arg1[%multiple_of3A, %dma_start3A] : memref<16384x1024xf32, #tpu.memory_space<any>> -> memref<8x1024xf32, #tpu.memory_space<any>>
      %dma_start3A_1975 = arith.constant 0 : i32
      %dma_start3A_1976 = arith.constant 0 : i32
      %dma_start3A_1977 = tpu.memref_slice %arg2[%dma_start3A_1975, %dma_start3A_1976] : memref<256x1024xf32, #tpu.memory_space<vmem>> -> memref<8x1024xf32, #tpu.memory_space<vmem>>
      tpu.enqueue_dma source(%dma_start3A_1977 : memref<8x1024xf32, #tpu.memory_space<vmem>>) target(%dma_start3A_1974 : memref<8x1024xf32, #tpu.memory_space<any>>) target_semaphore(%arg3 : memref<!tpu.dma_semaphore, #tpu.memory_space<semaphore_mem>>)
    } else {
    }
    %get3A_610 = arith.constant 6 : index
    %get3A_611 = memref.load %arg0[%get3A_610] : memref<9xi32, #tpu.memory_space<smem>>
    %get3A_612 = arith.constant 5 : index
    %get3A_613 = memref.load %arg0[%get3A_612] : memref<9xi32, #tpu.memory_space<smem>>
    %sub3A_614 = arith.subi %get3A_611, %get3A_613 : i32
    %jit3A_615 = arith.constant 8 : i32
    %div3A_616 = arith.divsi %sub3A_614, %jit3A_615 : i32
    %sign3A_617 = arith.constant 0 : i32
    %sign3A_618 = arith.cmpi sgt, %sub3A_614, %sign3A_617 : i32
    %sign3A_619 = arith.extui %sign3A_618 : i1 to i32
    %sign3A_620 = arith.constant 0 : i32
    %sign3A_621 = arith.cmpi slt, %sub3A_614, %sign3A_620 : i32
    %sign3A_622 = arith.extui %sign3A_621 : i1 to i32
    %sign3A_623 = arith.subi %sign3A_619, %sign3A_622 : i32
    %sign3A_624 = arith.constant 0 : i32
    %sign3A_625 = arith.cmpi sgt, %jit3A_615, %sign3A_624 : i32
    %sign3A_626 = arith.extui %sign3A_625 : i1 to i32
    %sign3A_627 = arith.constant 0 : i32
    %sign3A_628 = arith.cmpi slt, %jit3A_615, %sign3A_627 : i32
    %sign3A_629 = arith.extui %sign3A_628 : i1 to i32
    %sign3A_630 = arith.subi %sign3A_626, %sign3A_629 : i32
    %ne3A_631 = arith.cmpi ne, %sign3A_623, %sign3A_630 : i32
    %rem3A_632 = arith.remsi %sub3A_614, %jit3A_615 : i32
    %ne3A_633 = arith.constant 0 : i32
    %ne3A_634 = arith.cmpi ne, %rem3A_632, %ne3A_633 : i32
    %and3A_635 = arith.andi %ne3A_631, %ne3A_634 : i1
    %sub3A_636 = arith.constant 1 : i32
    %sub3A_637 = arith.subi %div3A_616, %sub3A_636 : i32
    %select_n3A_638 = arith.select %and3A_635, %sub3A_637, %div3A_616 : i32
    %mul3A_639 = arith.constant 8 : i32
    %mul3A_640 = arith.muli %select_n3A_638, %mul3A_639 : i32
    %sub3A_641 = arith.constant 2048 : i32
    %sub3A_642 = arith.subi %sub3A_641, %mul3A_640 : i32
    %jit3A_643 = arith.constant 256 : i32
    %div3A_644 = arith.divsi %sub3A_642, %jit3A_643 : i32
    %sign3A_645 = arith.constant 0 : i32
    %sign3A_646 = arith.cmpi sgt, %sub3A_642, %sign3A_645 : i32
    %sign3A_647 = arith.extui %sign3A_646 : i1 to i32
    %sign3A_648 = arith.constant 0 : i32
    %sign3A_649 = arith.cmpi slt, %sub3A_642, %sign3A_648 : i32
    %sign3A_650 = arith.extui %sign3A_649 : i1 to i32
    %sign3A_651 = arith.subi %sign3A_647, %sign3A_650 : i32
    %sign3A_652 = arith.constant 0 : i32
    %sign3A_653 = arith.cmpi sgt, %jit3A_643, %sign3A_652 : i32
    %sign3A_654 = arith.extui %sign3A_653 : i1 to i32
    %sign3A_655 = arith.constant 0 : i32
    %sign3A_656 = arith.cmpi slt, %jit3A_643, %sign3A_655 : i32
    %sign3A_657 = arith.extui %sign3A_656 : i1 to i32
    %sign3A_658 = arith.subi %sign3A_654, %sign3A_657 : i32
    %ne3A_659 = arith.cmpi ne, %sign3A_651, %sign3A_658 : i32
    %rem3A_660 = arith.remsi %sub3A_642, %jit3A_643 : i32
    %ne3A_661 = arith.constant 0 : i32
    %ne3A_662 = arith.cmpi ne, %rem3A_660, %ne3A_661 : i32
    %and3A_663 = arith.andi %ne3A_659, %ne3A_662 : i1
    %sub3A_664 = arith.constant 1 : i32
    %sub3A_665 = arith.subi %div3A_644, %sub3A_664 : i32
    %select_n3A_666 = arith.select %and3A_663, %sub3A_665, %div3A_644 : i32
    %while3A_667 = arith.constant 0 : i32
    %while3A_668 = arith.constant 0 : i32
    %while3A_669 = arith.subi %select_n3A_666, %while3A_668 : i32
    %while3A_670 = arith.addi %while3A_668, %while3A_669 : i32
    %while3A_671 = arith.constant 1 : i32
    %while3A_672 = arith.divsi %while3A_669, %while3A_671 : i32
    %while3A_673 = arith.muli %while3A_672, %while3A_671 : i32
    %while3A_674 = arith.addi %while3A_668, %while3A_673 : i32
    %while3A_675 = arith.constant 1 : i32
    scf.for %while3A_1974 = %while3A_668 to %while3A_674 step %while3A_675  : i32 {
      %add3A = arith.constant 1 : i32
      %add3A_1975 = arith.addi %while3A_1974, %add3A : i32
      %mul3A_1976 = arith.constant 256 : i32
      %mul3A_1977 = arith.muli %add3A_1975, %mul3A_1976 : i32
      %sub3A_1978 = arith.constant 12288 : i32
      %sub3A_1979 = arith.subi %sub3A_1978, %mul3A_1977 : i32
      %multiple_of3A = tpu.assume_multiple %sub3A_1979, 8 : i32
      %dma_start3A = arith.constant 0 : i32
      %dma_start3A_1980 = tpu.memref_slice %arg1[%multiple_of3A, %dma_start3A] : memref<16384x1024xf32, #tpu.memory_space<any>> -> memref<256x1024xf32, #tpu.memory_space<any>>
      tpu.enqueue_dma source(%arg2 : memref<256x1024xf32, #tpu.memory_space<vmem>>) target(%dma_start3A_1980 : memref<256x1024xf32, #tpu.memory_space<any>>) target_semaphore(%arg3 : memref<!tpu.dma_semaphore, #tpu.memory_space<semaphore_mem>>)
    }
    %while3A_676 = arith.constant 1 : i32
    scf.for %while3A_1974 = %while3A_674 to %while3A_670 step %while3A_676  : i32 {
      %add3A = arith.constant 1 : i32
      %add3A_1975 = arith.addi %while3A_1974, %add3A : i32
      %mul3A_1976 = arith.constant 256 : i32
      %mul3A_1977 = arith.muli %add3A_1975, %mul3A_1976 : i32
      %sub3A_1978 = arith.constant 12288 : i32
      %sub3A_1979 = arith.subi %sub3A_1978, %mul3A_1977 : i32
      %multiple_of3A = tpu.assume_multiple %sub3A_1979, 8 : i32
      %dma_start3A = arith.constant 0 : i32
      %dma_start3A_1980 = tpu.memref_slice %arg1[%multiple_of3A, %dma_start3A] : memref<16384x1024xf32, #tpu.memory_space<any>> -> memref<256x1024xf32, #tpu.memory_space<any>>
      tpu.enqueue_dma source(%arg2 : memref<256x1024xf32, #tpu.memory_space<vmem>>) target(%dma_start3A_1980 : memref<256x1024xf32, #tpu.memory_space<any>>) target_semaphore(%arg3 : memref<!tpu.dma_semaphore, #tpu.memory_space<semaphore_mem>>)
    }
    %mul3A_677 = arith.constant 256 : i32
    %mul3A_678 = arith.muli %select_n3A_666, %mul3A_677 : i32
    %sub3A_679 = arith.constant 12288 : i32
    %sub3A_680 = arith.subi %sub3A_679, %mul3A_678 : i32
    %mul3A_681 = arith.constant 256 : i32
    %mul3A_682 = arith.muli %select_n3A_666, %mul3A_681 : i32
    %sub3A_683 = arith.subi %sub3A_642, %mul3A_682 : i32
    %and3A_684 = arith.constant 128 : i32
    %and3A_685 = arith.andi %sub3A_683, %and3A_684 : i32
    %ne3A_686 = arith.constant 0 : i32
    %ne3A_687 = arith.cmpi ne, %and3A_685, %ne3A_686 : i32
    %sub3A_688 = arith.constant 128 : i32
    %sub3A_689 = arith.subi %sub3A_680, %sub3A_688 : i32
    %select_n3A_690 = arith.select %ne3A_687, %sub3A_689, %sub3A_680 : i32
    %convert_element_type3A_691 = arith.extui %ne3A_687 : i1 to i32
    %cond3A_692 = arith.constant 0 : i32
    %cond3A_693 = arith.cmpi ne, %convert_element_type3A_691, %cond3A_692 : i32
    scf.if %cond3A_693 {
      %multiple_of3A = tpu.assume_multiple %select_n3A_690, 8 : i32
      %dma_start3A = arith.constant 0 : i32
      %dma_start3A_1974 = tpu.memref_slice %arg1[%multiple_of3A, %dma_start3A] : memref<16384x1024xf32, #tpu.memory_space<any>> -> memref<128x1024xf32, #tpu.memory_space<any>>
      %dma_start3A_1975 = arith.constant 0 : i32
      %dma_start3A_1976 = arith.constant 0 : i32
      %dma_start3A_1977 = tpu.memref_slice %arg2[%dma_start3A_1975, %dma_start3A_1976] : memref<256x1024xf32, #tpu.memory_space<vmem>> -> memref<128x1024xf32, #tpu.memory_space<vmem>>
      tpu.enqueue_dma source(%dma_start3A_1977 : memref<128x1024xf32, #tpu.memory_space<vmem>>) target(%dma_start3A_1974 : memref<128x1024xf32, #tpu.memory_space<any>>) target_semaphore(%arg3 : memref<!tpu.dma_semaphore, #tpu.memory_space<semaphore_mem>>)
    } else {
    }
    %and3A_694 = arith.constant 64 : i32
    %and3A_695 = arith.andi %sub3A_683, %and3A_694 : i32
    %ne3A_696 = arith.constant 0 : i32
    %ne3A_697 = arith.cmpi ne, %and3A_695, %ne3A_696 : i32
    %sub3A_698 = arith.constant 64 : i32
    %sub3A_699 = arith.subi %select_n3A_690, %sub3A_698 : i32
    %select_n3A_700 = arith.select %ne3A_697, %sub3A_699, %select_n3A_690 : i32
    %convert_element_type3A_701 = arith.extui %ne3A_697 : i1 to i32
    %cond3A_702 = arith.constant 0 : i32
    %cond3A_703 = arith.cmpi ne, %convert_element_type3A_701, %cond3A_702 : i32
    scf.if %cond3A_703 {
      %multiple_of3A = tpu.assume_multiple %select_n3A_700, 8 : i32
      %dma_start3A = arith.constant 0 : i32
      %dma_start3A_1974 = tpu.memref_slice %arg1[%multiple_of3A, %dma_start3A] : memref<16384x1024xf32, #tpu.memory_space<any>> -> memref<64x1024xf32, #tpu.memory_space<any>>
      %dma_start3A_1975 = arith.constant 0 : i32
      %dma_start3A_1976 = arith.constant 0 : i32
      %dma_start3A_1977 = tpu.memref_slice %arg2[%dma_start3A_1975, %dma_start3A_1976] : memref<256x1024xf32, #tpu.memory_space<vmem>> -> memref<64x1024xf32, #tpu.memory_space<vmem>>
      tpu.enqueue_dma source(%dma_start3A_1977 : memref<64x1024xf32, #tpu.memory_space<vmem>>) target(%dma_start3A_1974 : memref<64x1024xf32, #tpu.memory_space<any>>) target_semaphore(%arg3 : memref<!tpu.dma_semaphore, #tpu.memory_space<semaphore_mem>>)
    } else {
    }
    %and3A_704 = arith.constant 32 : i32
    %and3A_705 = arith.andi %sub3A_683, %and3A_704 : i32
    %ne3A_706 = arith.constant 0 : i32
    %ne3A_707 = arith.cmpi ne, %and3A_705, %ne3A_706 : i32
    %sub3A_708 = arith.constant 32 : i32
    %sub3A_709 = arith.subi %select_n3A_700, %sub3A_708 : i32
    %select_n3A_710 = arith.select %ne3A_707, %sub3A_709, %select_n3A_700 : i32
    %convert_element_type3A_711 = arith.extui %ne3A_707 : i1 to i32
    %cond3A_712 = arith.constant 0 : i32
    %cond3A_713 = arith.cmpi ne, %convert_element_type3A_711, %cond3A_712 : i32
    scf.if %cond3A_713 {
      %multiple_of3A = tpu.assume_multiple %select_n3A_710, 8 : i32
      %dma_start3A = arith.constant 0 : i32
      %dma_start3A_1974 = tpu.memref_slice %arg1[%multiple_of3A, %dma_start3A] : memref<16384x1024xf32, #tpu.memory_space<any>> -> memref<32x1024xf32, #tpu.memory_space<any>>
      %dma_start3A_1975 = arith.constant 0 : i32
      %dma_start3A_1976 = arith.constant 0 : i32
      %dma_start3A_1977 = tpu.memref_slice %arg2[%dma_start3A_1975, %dma_start3A_1976] : memref<256x1024xf32, #tpu.memory_space<vmem>> -> memref<32x1024xf32, #tpu.memory_space<vmem>>
      tpu.enqueue_dma source(%dma_start3A_1977 : memref<32x1024xf32, #tpu.memory_space<vmem>>) target(%dma_start3A_1974 : memref<32x1024xf32, #tpu.memory_space<any>>) target_semaphore(%arg3 : memref<!tpu.dma_semaphore, #tpu.memory_space<semaphore_mem>>)
    } else {
    }
    %and3A_714 = arith.constant 16 : i32
    %and3A_715 = arith.andi %sub3A_683, %and3A_714 : i32
    %ne3A_716 = arith.constant 0 : i32
    %ne3A_717 = arith.cmpi ne, %and3A_715, %ne3A_716 : i32
    %sub3A_718 = arith.constant 16 : i32
    %sub3A_719 = arith.subi %select_n3A_710, %sub3A_718 : i32
    %select_n3A_720 = arith.select %ne3A_717, %sub3A_719, %select_n3A_710 : i32
    %convert_element_type3A_721 = arith.extui %ne3A_717 : i1 to i32
    %cond3A_722 = arith.constant 0 : i32
    %cond3A_723 = arith.cmpi ne, %convert_element_type3A_721, %cond3A_722 : i32
    scf.if %cond3A_723 {
      %multiple_of3A = tpu.assume_multiple %select_n3A_720, 8 : i32
      %dma_start3A = arith.constant 0 : i32
      %dma_start3A_1974 = tpu.memref_slice %arg1[%multiple_of3A, %dma_start3A] : memref<16384x1024xf32, #tpu.memory_space<any>> -> memref<16x1024xf32, #tpu.memory_space<any>>
      %dma_start3A_1975 = arith.constant 0 : i32
      %dma_start3A_1976 = arith.constant 0 : i32
      %dma_start3A_1977 = tpu.memref_slice %arg2[%dma_start3A_1975, %dma_start3A_1976] : memref<256x1024xf32, #tpu.memory_space<vmem>> -> memref<16x1024xf32, #tpu.memory_space<vmem>>
      tpu.enqueue_dma source(%dma_start3A_1977 : memref<16x1024xf32, #tpu.memory_space<vmem>>) target(%dma_start3A_1974 : memref<16x1024xf32, #tpu.memory_space<any>>) target_semaphore(%arg3 : memref<!tpu.dma_semaphore, #tpu.memory_space<semaphore_mem>>)
    } else {
    }
    %and3A_724 = arith.constant 8 : i32
    %and3A_725 = arith.andi %sub3A_683, %and3A_724 : i32
    %ne3A_726 = arith.constant 0 : i32
    %ne3A_727 = arith.cmpi ne, %and3A_725, %ne3A_726 : i32
    %sub3A_728 = arith.constant 8 : i32
    %sub3A_729 = arith.subi %select_n3A_720, %sub3A_728 : i32
    %select_n3A_730 = arith.select %ne3A_727, %sub3A_729, %select_n3A_720 : i32
    %convert_element_type3A_731 = arith.extui %ne3A_727 : i1 to i32
    %cond3A_732 = arith.constant 0 : i32
    %cond3A_733 = arith.cmpi ne, %convert_element_type3A_731, %cond3A_732 : i32
    scf.if %cond3A_733 {
      %multiple_of3A = tpu.assume_multiple %select_n3A_730, 8 : i32
      %dma_start3A = arith.constant 0 : i32
      %dma_start3A_1974 = tpu.memref_slice %arg1[%multiple_of3A, %dma_start3A] : memref<16384x1024xf32, #tpu.memory_space<any>> -> memref<8x1024xf32, #tpu.memory_space<any>>
      %dma_start3A_1975 = arith.constant 0 : i32
      %dma_start3A_1976 = arith.constant 0 : i32
      %dma_start3A_1977 = tpu.memref_slice %arg2[%dma_start3A_1975, %dma_start3A_1976] : memref<256x1024xf32, #tpu.memory_space<vmem>> -> memref<8x1024xf32, #tpu.memory_space<vmem>>
      tpu.enqueue_dma source(%dma_start3A_1977 : memref<8x1024xf32, #tpu.memory_space<vmem>>) target(%dma_start3A_1974 : memref<8x1024xf32, #tpu.memory_space<any>>) target_semaphore(%arg3 : memref<!tpu.dma_semaphore, #tpu.memory_space<semaphore_mem>>)
    } else {
    }
    %get3A_734 = arith.constant 7 : index
    %get3A_735 = memref.load %arg0[%get3A_734] : memref<9xi32, #tpu.memory_space<smem>>
    %get3A_736 = arith.constant 6 : index
    %get3A_737 = memref.load %arg0[%get3A_736] : memref<9xi32, #tpu.memory_space<smem>>
    %sub3A_738 = arith.subi %get3A_735, %get3A_737 : i32
    %jit3A_739 = arith.constant 8 : i32
    %div3A_740 = arith.divsi %sub3A_738, %jit3A_739 : i32
    %sign3A_741 = arith.constant 0 : i32
    %sign3A_742 = arith.cmpi sgt, %sub3A_738, %sign3A_741 : i32
    %sign3A_743 = arith.extui %sign3A_742 : i1 to i32
    %sign3A_744 = arith.constant 0 : i32
    %sign3A_745 = arith.cmpi slt, %sub3A_738, %sign3A_744 : i32
    %sign3A_746 = arith.extui %sign3A_745 : i1 to i32
    %sign3A_747 = arith.subi %sign3A_743, %sign3A_746 : i32
    %sign3A_748 = arith.constant 0 : i32
    %sign3A_749 = arith.cmpi sgt, %jit3A_739, %sign3A_748 : i32
    %sign3A_750 = arith.extui %sign3A_749 : i1 to i32
    %sign3A_751 = arith.constant 0 : i32
    %sign3A_752 = arith.cmpi slt, %jit3A_739, %sign3A_751 : i32
    %sign3A_753 = arith.extui %sign3A_752 : i1 to i32
    %sign3A_754 = arith.subi %sign3A_750, %sign3A_753 : i32
    %ne3A_755 = arith.cmpi ne, %sign3A_747, %sign3A_754 : i32
    %rem3A_756 = arith.remsi %sub3A_738, %jit3A_739 : i32
    %ne3A_757 = arith.constant 0 : i32
    %ne3A_758 = arith.cmpi ne, %rem3A_756, %ne3A_757 : i32
    %and3A_759 = arith.andi %ne3A_755, %ne3A_758 : i1
    %sub3A_760 = arith.constant 1 : i32
    %sub3A_761 = arith.subi %div3A_740, %sub3A_760 : i32
    %select_n3A_762 = arith.select %and3A_759, %sub3A_761, %div3A_740 : i32
    %mul3A_763 = arith.constant 8 : i32
    %mul3A_764 = arith.muli %select_n3A_762, %mul3A_763 : i32
    %sub3A_765 = arith.constant 2048 : i32
    %sub3A_766 = arith.subi %sub3A_765, %mul3A_764 : i32
    %jit3A_767 = arith.constant 256 : i32
    %div3A_768 = arith.divsi %sub3A_766, %jit3A_767 : i32
    %sign3A_769 = arith.constant 0 : i32
    %sign3A_770 = arith.cmpi sgt, %sub3A_766, %sign3A_769 : i32
    %sign3A_771 = arith.extui %sign3A_770 : i1 to i32
    %sign3A_772 = arith.constant 0 : i32
    %sign3A_773 = arith.cmpi slt, %sub3A_766, %sign3A_772 : i32
    %sign3A_774 = arith.extui %sign3A_773 : i1 to i32
    %sign3A_775 = arith.subi %sign3A_771, %sign3A_774 : i32
    %sign3A_776 = arith.constant 0 : i32
    %sign3A_777 = arith.cmpi sgt, %jit3A_767, %sign3A_776 : i32
    %sign3A_778 = arith.extui %sign3A_777 : i1 to i32
    %sign3A_779 = arith.constant 0 : i32
    %sign3A_780 = arith.cmpi slt, %jit3A_767, %sign3A_779 : i32
    %sign3A_781 = arith.extui %sign3A_780 : i1 to i32
    %sign3A_782 = arith.subi %sign3A_778, %sign3A_781 : i32
    %ne3A_783 = arith.cmpi ne, %sign3A_775, %sign3A_782 : i32
    %rem3A_784 = arith.remsi %sub3A_766, %jit3A_767 : i32
    %ne3A_785 = arith.constant 0 : i32
    %ne3A_786 = arith.cmpi ne, %rem3A_784, %ne3A_785 : i32
    %and3A_787 = arith.andi %ne3A_783, %ne3A_786 : i1
    %sub3A_788 = arith.constant 1 : i32
    %sub3A_789 = arith.subi %div3A_768, %sub3A_788 : i32
    %select_n3A_790 = arith.select %and3A_787, %sub3A_789, %div3A_768 : i32
    %while3A_791 = arith.constant 0 : i32
    %while3A_792 = arith.constant 0 : i32
    %while3A_793 = arith.subi %select_n3A_790, %while3A_792 : i32
    %while3A_794 = arith.addi %while3A_792, %while3A_793 : i32
    %while3A_795 = arith.constant 1 : i32
    %while3A_796 = arith.divsi %while3A_793, %while3A_795 : i32
    %while3A_797 = arith.muli %while3A_796, %while3A_795 : i32
    %while3A_798 = arith.addi %while3A_792, %while3A_797 : i32
    %while3A_799 = arith.constant 1 : i32
    scf.for %while3A_1974 = %while3A_792 to %while3A_798 step %while3A_799  : i32 {
      %add3A = arith.constant 1 : i32
      %add3A_1975 = arith.addi %while3A_1974, %add3A : i32
      %mul3A_1976 = arith.constant 256 : i32
      %mul3A_1977 = arith.muli %add3A_1975, %mul3A_1976 : i32
      %sub3A_1978 = arith.constant 14336 : i32
      %sub3A_1979 = arith.subi %sub3A_1978, %mul3A_1977 : i32
      %multiple_of3A = tpu.assume_multiple %sub3A_1979, 8 : i32
      %dma_start3A = arith.constant 0 : i32
      %dma_start3A_1980 = tpu.memref_slice %arg1[%multiple_of3A, %dma_start3A] : memref<16384x1024xf32, #tpu.memory_space<any>> -> memref<256x1024xf32, #tpu.memory_space<any>>
      tpu.enqueue_dma source(%arg2 : memref<256x1024xf32, #tpu.memory_space<vmem>>) target(%dma_start3A_1980 : memref<256x1024xf32, #tpu.memory_space<any>>) target_semaphore(%arg3 : memref<!tpu.dma_semaphore, #tpu.memory_space<semaphore_mem>>)
    }
    %while3A_800 = arith.constant 1 : i32
    scf.for %while3A_1974 = %while3A_798 to %while3A_794 step %while3A_800  : i32 {
      %add3A = arith.constant 1 : i32
      %add3A_1975 = arith.addi %while3A_1974, %add3A : i32
      %mul3A_1976 = arith.constant 256 : i32
      %mul3A_1977 = arith.muli %add3A_1975, %mul3A_1976 : i32
      %sub3A_1978 = arith.constant 14336 : i32
      %sub3A_1979 = arith.subi %sub3A_1978, %mul3A_1977 : i32
      %multiple_of3A = tpu.assume_multiple %sub3A_1979, 8 : i32
      %dma_start3A = arith.constant 0 : i32
      %dma_start3A_1980 = tpu.memref_slice %arg1[%multiple_of3A, %dma_start3A] : memref<16384x1024xf32, #tpu.memory_space<any>> -> memref<256x1024xf32, #tpu.memory_space<any>>
      tpu.enqueue_dma source(%arg2 : memref<256x1024xf32, #tpu.memory_space<vmem>>) target(%dma_start3A_1980 : memref<256x1024xf32, #tpu.memory_space<any>>) target_semaphore(%arg3 : memref<!tpu.dma_semaphore, #tpu.memory_space<semaphore_mem>>)
    }
    %mul3A_801 = arith.constant 256 : i32
    %mul3A_802 = arith.muli %select_n3A_790, %mul3A_801 : i32
    %sub3A_803 = arith.constant 14336 : i32
    %sub3A_804 = arith.subi %sub3A_803, %mul3A_802 : i32
    %mul3A_805 = arith.constant 256 : i32
    %mul3A_806 = arith.muli %select_n3A_790, %mul3A_805 : i32
    %sub3A_807 = arith.subi %sub3A_766, %mul3A_806 : i32
    %and3A_808 = arith.constant 128 : i32
    %and3A_809 = arith.andi %sub3A_807, %and3A_808 : i32
    %ne3A_810 = arith.constant 0 : i32
    %ne3A_811 = arith.cmpi ne, %and3A_809, %ne3A_810 : i32
    %sub3A_812 = arith.constant 128 : i32
    %sub3A_813 = arith.subi %sub3A_804, %sub3A_812 : i32
    %select_n3A_814 = arith.select %ne3A_811, %sub3A_813, %sub3A_804 : i32
    %convert_element_type3A_815 = arith.extui %ne3A_811 : i1 to i32
    %cond3A_816 = arith.constant 0 : i32
    %cond3A_817 = arith.cmpi ne, %convert_element_type3A_815, %cond3A_816 : i32
    scf.if %cond3A_817 {
      %multiple_of3A = tpu.assume_multiple %select_n3A_814, 8 : i32
      %dma_start3A = arith.constant 0 : i32
      %dma_start3A_1974 = tpu.memref_slice %arg1[%multiple_of3A, %dma_start3A] : memref<16384x1024xf32, #tpu.memory_space<any>> -> memref<128x1024xf32, #tpu.memory_space<any>>
      %dma_start3A_1975 = arith.constant 0 : i32
      %dma_start3A_1976 = arith.constant 0 : i32
      %dma_start3A_1977 = tpu.memref_slice %arg2[%dma_start3A_1975, %dma_start3A_1976] : memref<256x1024xf32, #tpu.memory_space<vmem>> -> memref<128x1024xf32, #tpu.memory_space<vmem>>
      tpu.enqueue_dma source(%dma_start3A_1977 : memref<128x1024xf32, #tpu.memory_space<vmem>>) target(%dma_start3A_1974 : memref<128x1024xf32, #tpu.memory_space<any>>) target_semaphore(%arg3 : memref<!tpu.dma_semaphore, #tpu.memory_space<semaphore_mem>>)
    } else {
    }
    %and3A_818 = arith.constant 64 : i32
    %and3A_819 = arith.andi %sub3A_807, %and3A_818 : i32
    %ne3A_820 = arith.constant 0 : i32
    %ne3A_821 = arith.cmpi ne, %and3A_819, %ne3A_820 : i32
    %sub3A_822 = arith.constant 64 : i32
    %sub3A_823 = arith.subi %select_n3A_814, %sub3A_822 : i32
    %select_n3A_824 = arith.select %ne3A_821, %sub3A_823, %select_n3A_814 : i32
    %convert_element_type3A_825 = arith.extui %ne3A_821 : i1 to i32
    %cond3A_826 = arith.constant 0 : i32
    %cond3A_827 = arith.cmpi ne, %convert_element_type3A_825, %cond3A_826 : i32
    scf.if %cond3A_827 {
      %multiple_of3A = tpu.assume_multiple %select_n3A_824, 8 : i32
      %dma_start3A = arith.constant 0 : i32
      %dma_start3A_1974 = tpu.memref_slice %arg1[%multiple_of3A, %dma_start3A] : memref<16384x1024xf32, #tpu.memory_space<any>> -> memref<64x1024xf32, #tpu.memory_space<any>>
      %dma_start3A_1975 = arith.constant 0 : i32
      %dma_start3A_1976 = arith.constant 0 : i32
      %dma_start3A_1977 = tpu.memref_slice %arg2[%dma_start3A_1975, %dma_start3A_1976] : memref<256x1024xf32, #tpu.memory_space<vmem>> -> memref<64x1024xf32, #tpu.memory_space<vmem>>
      tpu.enqueue_dma source(%dma_start3A_1977 : memref<64x1024xf32, #tpu.memory_space<vmem>>) target(%dma_start3A_1974 : memref<64x1024xf32, #tpu.memory_space<any>>) target_semaphore(%arg3 : memref<!tpu.dma_semaphore, #tpu.memory_space<semaphore_mem>>)
    } else {
    }
    %and3A_828 = arith.constant 32 : i32
    %and3A_829 = arith.andi %sub3A_807, %and3A_828 : i32
    %ne3A_830 = arith.constant 0 : i32
    %ne3A_831 = arith.cmpi ne, %and3A_829, %ne3A_830 : i32
    %sub3A_832 = arith.constant 32 : i32
    %sub3A_833 = arith.subi %select_n3A_824, %sub3A_832 : i32
    %select_n3A_834 = arith.select %ne3A_831, %sub3A_833, %select_n3A_824 : i32
    %convert_element_type3A_835 = arith.extui %ne3A_831 : i1 to i32
    %cond3A_836 = arith.constant 0 : i32
    %cond3A_837 = arith.cmpi ne, %convert_element_type3A_835, %cond3A_836 : i32
    scf.if %cond3A_837 {
      %multiple_of3A = tpu.assume_multiple %select_n3A_834, 8 : i32
      %dma_start3A = arith.constant 0 : i32
      %dma_start3A_1974 = tpu.memref_slice %arg1[%multiple_of3A, %dma_start3A] : memref<16384x1024xf32, #tpu.memory_space<any>> -> memref<32x1024xf32, #tpu.memory_space<any>>
      %dma_start3A_1975 = arith.constant 0 : i32
      %dma_start3A_1976 = arith.constant 0 : i32
      %dma_start3A_1977 = tpu.memref_slice %arg2[%dma_start3A_1975, %dma_start3A_1976] : memref<256x1024xf32, #tpu.memory_space<vmem>> -> memref<32x1024xf32, #tpu.memory_space<vmem>>
      tpu.enqueue_dma source(%dma_start3A_1977 : memref<32x1024xf32, #tpu.memory_space<vmem>>) target(%dma_start3A_1974 : memref<32x1024xf32, #tpu.memory_space<any>>) target_semaphore(%arg3 : memref<!tpu.dma_semaphore, #tpu.memory_space<semaphore_mem>>)
    } else {
    }
    %and3A_838 = arith.constant 16 : i32
    %and3A_839 = arith.andi %sub3A_807, %and3A_838 : i32
    %ne3A_840 = arith.constant 0 : i32
    %ne3A_841 = arith.cmpi ne, %and3A_839, %ne3A_840 : i32
    %sub3A_842 = arith.constant 16 : i32
    %sub3A_843 = arith.subi %select_n3A_834, %sub3A_842 : i32
    %select_n3A_844 = arith.select %ne3A_841, %sub3A_843, %select_n3A_834 : i32
    %convert_element_type3A_845 = arith.extui %ne3A_841 : i1 to i32
    %cond3A_846 = arith.constant 0 : i32
    %cond3A_847 = arith.cmpi ne, %convert_element_type3A_845, %cond3A_846 : i32
    scf.if %cond3A_847 {
      %multiple_of3A = tpu.assume_multiple %select_n3A_844, 8 : i32
      %dma_start3A = arith.constant 0 : i32
      %dma_start3A_1974 = tpu.memref_slice %arg1[%multiple_of3A, %dma_start3A] : memref<16384x1024xf32, #tpu.memory_space<any>> -> memref<16x1024xf32, #tpu.memory_space<any>>
      %dma_start3A_1975 = arith.constant 0 : i32
      %dma_start3A_1976 = arith.constant 0 : i32
      %dma_start3A_1977 = tpu.memref_slice %arg2[%dma_start3A_1975, %dma_start3A_1976] : memref<256x1024xf32, #tpu.memory_space<vmem>> -> memref<16x1024xf32, #tpu.memory_space<vmem>>
      tpu.enqueue_dma source(%dma_start3A_1977 : memref<16x1024xf32, #tpu.memory_space<vmem>>) target(%dma_start3A_1974 : memref<16x1024xf32, #tpu.memory_space<any>>) target_semaphore(%arg3 : memref<!tpu.dma_semaphore, #tpu.memory_space<semaphore_mem>>)
    } else {
    }
    %and3A_848 = arith.constant 8 : i32
    %and3A_849 = arith.andi %sub3A_807, %and3A_848 : i32
    %ne3A_850 = arith.constant 0 : i32
    %ne3A_851 = arith.cmpi ne, %and3A_849, %ne3A_850 : i32
    %sub3A_852 = arith.constant 8 : i32
    %sub3A_853 = arith.subi %select_n3A_844, %sub3A_852 : i32
    %select_n3A_854 = arith.select %ne3A_851, %sub3A_853, %select_n3A_844 : i32
    %convert_element_type3A_855 = arith.extui %ne3A_851 : i1 to i32
    %cond3A_856 = arith.constant 0 : i32
    %cond3A_857 = arith.cmpi ne, %convert_element_type3A_855, %cond3A_856 : i32
    scf.if %cond3A_857 {
      %multiple_of3A = tpu.assume_multiple %select_n3A_854, 8 : i32
      %dma_start3A = arith.constant 0 : i32
      %dma_start3A_1974 = tpu.memref_slice %arg1[%multiple_of3A, %dma_start3A] : memref<16384x1024xf32, #tpu.memory_space<any>> -> memref<8x1024xf32, #tpu.memory_space<any>>
      %dma_start3A_1975 = arith.constant 0 : i32
      %dma_start3A_1976 = arith.constant 0 : i32
      %dma_start3A_1977 = tpu.memref_slice %arg2[%dma_start3A_1975, %dma_start3A_1976] : memref<256x1024xf32, #tpu.memory_space<vmem>> -> memref<8x1024xf32, #tpu.memory_space<vmem>>
      tpu.enqueue_dma source(%dma_start3A_1977 : memref<8x1024xf32, #tpu.memory_space<vmem>>) target(%dma_start3A_1974 : memref<8x1024xf32, #tpu.memory_space<any>>) target_semaphore(%arg3 : memref<!tpu.dma_semaphore, #tpu.memory_space<semaphore_mem>>)
    } else {
    }
    %get3A_858 = arith.constant 8 : index
    %get3A_859 = memref.load %arg0[%get3A_858] : memref<9xi32, #tpu.memory_space<smem>>
    %get3A_860 = arith.constant 7 : index
    %get3A_861 = memref.load %arg0[%get3A_860] : memref<9xi32, #tpu.memory_space<smem>>
    %sub3A_862 = arith.subi %get3A_859, %get3A_861 : i32
    %jit3A_863 = arith.constant 8 : i32
    %div3A_864 = arith.divsi %sub3A_862, %jit3A_863 : i32
    %sign3A_865 = arith.constant 0 : i32
    %sign3A_866 = arith.cmpi sgt, %sub3A_862, %sign3A_865 : i32
    %sign3A_867 = arith.extui %sign3A_866 : i1 to i32
    %sign3A_868 = arith.constant 0 : i32
    %sign3A_869 = arith.cmpi slt, %sub3A_862, %sign3A_868 : i32
    %sign3A_870 = arith.extui %sign3A_869 : i1 to i32
    %sign3A_871 = arith.subi %sign3A_867, %sign3A_870 : i32
    %sign3A_872 = arith.constant 0 : i32
    %sign3A_873 = arith.cmpi sgt, %jit3A_863, %sign3A_872 : i32
    %sign3A_874 = arith.extui %sign3A_873 : i1 to i32
    %sign3A_875 = arith.constant 0 : i32
    %sign3A_876 = arith.cmpi slt, %jit3A_863, %sign3A_875 : i32
    %sign3A_877 = arith.extui %sign3A_876 : i1 to i32
    %sign3A_878 = arith.subi %sign3A_874, %sign3A_877 : i32
    %ne3A_879 = arith.cmpi ne, %sign3A_871, %sign3A_878 : i32
    %rem3A_880 = arith.remsi %sub3A_862, %jit3A_863 : i32
    %ne3A_881 = arith.constant 0 : i32
    %ne3A_882 = arith.cmpi ne, %rem3A_880, %ne3A_881 : i32
    %and3A_883 = arith.andi %ne3A_879, %ne3A_882 : i1
    %sub3A_884 = arith.constant 1 : i32
    %sub3A_885 = arith.subi %div3A_864, %sub3A_884 : i32
    %select_n3A_886 = arith.select %and3A_883, %sub3A_885, %div3A_864 : i32
    %mul3A_887 = arith.constant 8 : i32
    %mul3A_888 = arith.muli %select_n3A_886, %mul3A_887 : i32
    %sub3A_889 = arith.constant 2048 : i32
    %sub3A_890 = arith.subi %sub3A_889, %mul3A_888 : i32
    %jit3A_891 = arith.constant 256 : i32
    %div3A_892 = arith.divsi %sub3A_890, %jit3A_891 : i32
    %sign3A_893 = arith.constant 0 : i32
    %sign3A_894 = arith.cmpi sgt, %sub3A_890, %sign3A_893 : i32
    %sign3A_895 = arith.extui %sign3A_894 : i1 to i32
    %sign3A_896 = arith.constant 0 : i32
    %sign3A_897 = arith.cmpi slt, %sub3A_890, %sign3A_896 : i32
    %sign3A_898 = arith.extui %sign3A_897 : i1 to i32
    %sign3A_899 = arith.subi %sign3A_895, %sign3A_898 : i32
    %sign3A_900 = arith.constant 0 : i32
    %sign3A_901 = arith.cmpi sgt, %jit3A_891, %sign3A_900 : i32
    %sign3A_902 = arith.extui %sign3A_901 : i1 to i32
    %sign3A_903 = arith.constant 0 : i32
    %sign3A_904 = arith.cmpi slt, %jit3A_891, %sign3A_903 : i32
    %sign3A_905 = arith.extui %sign3A_904 : i1 to i32
    %sign3A_906 = arith.subi %sign3A_902, %sign3A_905 : i32
    %ne3A_907 = arith.cmpi ne, %sign3A_899, %sign3A_906 : i32
    %rem3A_908 = arith.remsi %sub3A_890, %jit3A_891 : i32
    %ne3A_909 = arith.constant 0 : i32
    %ne3A_910 = arith.cmpi ne, %rem3A_908, %ne3A_909 : i32
    %and3A_911 = arith.andi %ne3A_907, %ne3A_910 : i1
    %sub3A_912 = arith.constant 1 : i32
    %sub3A_913 = arith.subi %div3A_892, %sub3A_912 : i32
    %select_n3A_914 = arith.select %and3A_911, %sub3A_913, %div3A_892 : i32
    %while3A_915 = arith.constant 0 : i32
    %while3A_916 = arith.constant 0 : i32
    %while3A_917 = arith.subi %select_n3A_914, %while3A_916 : i32
    %while3A_918 = arith.addi %while3A_916, %while3A_917 : i32
    %while3A_919 = arith.constant 1 : i32
    %while3A_920 = arith.divsi %while3A_917, %while3A_919 : i32
    %while3A_921 = arith.muli %while3A_920, %while3A_919 : i32
    %while3A_922 = arith.addi %while3A_916, %while3A_921 : i32
    %while3A_923 = arith.constant 1 : i32
    scf.for %while3A_1974 = %while3A_916 to %while3A_922 step %while3A_923  : i32 {
      %add3A = arith.constant 1 : i32
      %add3A_1975 = arith.addi %while3A_1974, %add3A : i32
      %mul3A_1976 = arith.constant 256 : i32
      %mul3A_1977 = arith.muli %add3A_1975, %mul3A_1976 : i32
      %sub3A_1978 = arith.constant 16384 : i32
      %sub3A_1979 = arith.subi %sub3A_1978, %mul3A_1977 : i32
      %multiple_of3A = tpu.assume_multiple %sub3A_1979, 8 : i32
      %dma_start3A = arith.constant 0 : i32
      %dma_start3A_1980 = tpu.memref_slice %arg1[%multiple_of3A, %dma_start3A] : memref<16384x1024xf32, #tpu.memory_space<any>> -> memref<256x1024xf32, #tpu.memory_space<any>>
      tpu.enqueue_dma source(%arg2 : memref<256x1024xf32, #tpu.memory_space<vmem>>) target(%dma_start3A_1980 : memref<256x1024xf32, #tpu.memory_space<any>>) target_semaphore(%arg3 : memref<!tpu.dma_semaphore, #tpu.memory_space<semaphore_mem>>)
    }
    %while3A_924 = arith.constant 1 : i32
    scf.for %while3A_1974 = %while3A_922 to %while3A_918 step %while3A_924  : i32 {
      %add3A = arith.constant 1 : i32
      %add3A_1975 = arith.addi %while3A_1974, %add3A : i32
      %mul3A_1976 = arith.constant 256 : i32
      %mul3A_1977 = arith.muli %add3A_1975, %mul3A_1976 : i32
      %sub3A_1978 = arith.constant 16384 : i32
      %sub3A_1979 = arith.subi %sub3A_1978, %mul3A_1977 : i32
      %multiple_of3A = tpu.assume_multiple %sub3A_1979, 8 : i32
      %dma_start3A = arith.constant 0 : i32
      %dma_start3A_1980 = tpu.memref_slice %arg1[%multiple_of3A, %dma_start3A] : memref<16384x1024xf32, #tpu.memory_space<any>> -> memref<256x1024xf32, #tpu.memory_space<any>>
      tpu.enqueue_dma source(%arg2 : memref<256x1024xf32, #tpu.memory_space<vmem>>) target(%dma_start3A_1980 : memref<256x1024xf32, #tpu.memory_space<any>>) target_semaphore(%arg3 : memref<!tpu.dma_semaphore, #tpu.memory_space<semaphore_mem>>)
    }
    %mul3A_925 = arith.constant 256 : i32
    %mul3A_926 = arith.muli %select_n3A_914, %mul3A_925 : i32
    %sub3A_927 = arith.constant 16384 : i32
    %sub3A_928 = arith.subi %sub3A_927, %mul3A_926 : i32
    %mul3A_929 = arith.constant 256 : i32
    %mul3A_930 = arith.muli %select_n3A_914, %mul3A_929 : i32
    %sub3A_931 = arith.subi %sub3A_890, %mul3A_930 : i32
    %and3A_932 = arith.constant 128 : i32
    %and3A_933 = arith.andi %sub3A_931, %and3A_932 : i32
    %ne3A_934 = arith.constant 0 : i32
    %ne3A_935 = arith.cmpi ne, %and3A_933, %ne3A_934 : i32
    %sub3A_936 = arith.constant 128 : i32
    %sub3A_937 = arith.subi %sub3A_928, %sub3A_936 : i32
    %select_n3A_938 = arith.select %ne3A_935, %sub3A_937, %sub3A_928 : i32
    %convert_element_type3A_939 = arith.extui %ne3A_935 : i1 to i32
    %cond3A_940 = arith.constant 0 : i32
    %cond3A_941 = arith.cmpi ne, %convert_element_type3A_939, %cond3A_940 : i32
    scf.if %cond3A_941 {
      %multiple_of3A = tpu.assume_multiple %select_n3A_938, 8 : i32
      %dma_start3A = arith.constant 0 : i32
      %dma_start3A_1974 = tpu.memref_slice %arg1[%multiple_of3A, %dma_start3A] : memref<16384x1024xf32, #tpu.memory_space<any>> -> memref<128x1024xf32, #tpu.memory_space<any>>
      %dma_start3A_1975 = arith.constant 0 : i32
      %dma_start3A_1976 = arith.constant 0 : i32
      %dma_start3A_1977 = tpu.memref_slice %arg2[%dma_start3A_1975, %dma_start3A_1976] : memref<256x1024xf32, #tpu.memory_space<vmem>> -> memref<128x1024xf32, #tpu.memory_space<vmem>>
      tpu.enqueue_dma source(%dma_start3A_1977 : memref<128x1024xf32, #tpu.memory_space<vmem>>) target(%dma_start3A_1974 : memref<128x1024xf32, #tpu.memory_space<any>>) target_semaphore(%arg3 : memref<!tpu.dma_semaphore, #tpu.memory_space<semaphore_mem>>)
    } else {
    }
    %and3A_942 = arith.constant 64 : i32
    %and3A_943 = arith.andi %sub3A_931, %and3A_942 : i32
    %ne3A_944 = arith.constant 0 : i32
    %ne3A_945 = arith.cmpi ne, %and3A_943, %ne3A_944 : i32
    %sub3A_946 = arith.constant 64 : i32
    %sub3A_947 = arith.subi %select_n3A_938, %sub3A_946 : i32
    %select_n3A_948 = arith.select %ne3A_945, %sub3A_947, %select_n3A_938 : i32
    %convert_element_type3A_949 = arith.extui %ne3A_945 : i1 to i32
    %cond3A_950 = arith.constant 0 : i32
    %cond3A_951 = arith.cmpi ne, %convert_element_type3A_949, %cond3A_950 : i32
    scf.if %cond3A_951 {
      %multiple_of3A = tpu.assume_multiple %select_n3A_948, 8 : i32
      %dma_start3A = arith.constant 0 : i32
      %dma_start3A_1974 = tpu.memref_slice %arg1[%multiple_of3A, %dma_start3A] : memref<16384x1024xf32, #tpu.memory_space<any>> -> memref<64x1024xf32, #tpu.memory_space<any>>
      %dma_start3A_1975 = arith.constant 0 : i32
      %dma_start3A_1976 = arith.constant 0 : i32
      %dma_start3A_1977 = tpu.memref_slice %arg2[%dma_start3A_1975, %dma_start3A_1976] : memref<256x1024xf32, #tpu.memory_space<vmem>> -> memref<64x1024xf32, #tpu.memory_space<vmem>>
      tpu.enqueue_dma source(%dma_start3A_1977 : memref<64x1024xf32, #tpu.memory_space<vmem>>) target(%dma_start3A_1974 : memref<64x1024xf32, #tpu.memory_space<any>>) target_semaphore(%arg3 : memref<!tpu.dma_semaphore, #tpu.memory_space<semaphore_mem>>)
    } else {
    }
    %and3A_952 = arith.constant 32 : i32
    %and3A_953 = arith.andi %sub3A_931, %and3A_952 : i32
    %ne3A_954 = arith.constant 0 : i32
    %ne3A_955 = arith.cmpi ne, %and3A_953, %ne3A_954 : i32
    %sub3A_956 = arith.constant 32 : i32
    %sub3A_957 = arith.subi %select_n3A_948, %sub3A_956 : i32
    %select_n3A_958 = arith.select %ne3A_955, %sub3A_957, %select_n3A_948 : i32
    %convert_element_type3A_959 = arith.extui %ne3A_955 : i1 to i32
    %cond3A_960 = arith.constant 0 : i32
    %cond3A_961 = arith.cmpi ne, %convert_element_type3A_959, %cond3A_960 : i32
    scf.if %cond3A_961 {
      %multiple_of3A = tpu.assume_multiple %select_n3A_958, 8 : i32
      %dma_start3A = arith.constant 0 : i32
      %dma_start3A_1974 = tpu.memref_slice %arg1[%multiple_of3A, %dma_start3A] : memref<16384x1024xf32, #tpu.memory_space<any>> -> memref<32x1024xf32, #tpu.memory_space<any>>
      %dma_start3A_1975 = arith.constant 0 : i32
      %dma_start3A_1976 = arith.constant 0 : i32
      %dma_start3A_1977 = tpu.memref_slice %arg2[%dma_start3A_1975, %dma_start3A_1976] : memref<256x1024xf32, #tpu.memory_space<vmem>> -> memref<32x1024xf32, #tpu.memory_space<vmem>>
      tpu.enqueue_dma source(%dma_start3A_1977 : memref<32x1024xf32, #tpu.memory_space<vmem>>) target(%dma_start3A_1974 : memref<32x1024xf32, #tpu.memory_space<any>>) target_semaphore(%arg3 : memref<!tpu.dma_semaphore, #tpu.memory_space<semaphore_mem>>)
    } else {
    }
    %and3A_962 = arith.constant 16 : i32
    %and3A_963 = arith.andi %sub3A_931, %and3A_962 : i32
    %ne3A_964 = arith.constant 0 : i32
    %ne3A_965 = arith.cmpi ne, %and3A_963, %ne3A_964 : i32
    %sub3A_966 = arith.constant 16 : i32
    %sub3A_967 = arith.subi %select_n3A_958, %sub3A_966 : i32
    %select_n3A_968 = arith.select %ne3A_965, %sub3A_967, %select_n3A_958 : i32
    %convert_element_type3A_969 = arith.extui %ne3A_965 : i1 to i32
    %cond3A_970 = arith.constant 0 : i32
    %cond3A_971 = arith.cmpi ne, %convert_element_type3A_969, %cond3A_970 : i32
    scf.if %cond3A_971 {
      %multiple_of3A = tpu.assume_multiple %select_n3A_968, 8 : i32
      %dma_start3A = arith.constant 0 : i32
      %dma_start3A_1974 = tpu.memref_slice %arg1[%multiple_of3A, %dma_start3A] : memref<16384x1024xf32, #tpu.memory_space<any>> -> memref<16x1024xf32, #tpu.memory_space<any>>
      %dma_start3A_1975 = arith.constant 0 : i32
      %dma_start3A_1976 = arith.constant 0 : i32
      %dma_start3A_1977 = tpu.memref_slice %arg2[%dma_start3A_1975, %dma_start3A_1976] : memref<256x1024xf32, #tpu.memory_space<vmem>> -> memref<16x1024xf32, #tpu.memory_space<vmem>>
      tpu.enqueue_dma source(%dma_start3A_1977 : memref<16x1024xf32, #tpu.memory_space<vmem>>) target(%dma_start3A_1974 : memref<16x1024xf32, #tpu.memory_space<any>>) target_semaphore(%arg3 : memref<!tpu.dma_semaphore, #tpu.memory_space<semaphore_mem>>)
    } else {
    }
    %and3A_972 = arith.constant 8 : i32
    %and3A_973 = arith.andi %sub3A_931, %and3A_972 : i32
    %ne3A_974 = arith.constant 0 : i32
    %ne3A_975 = arith.cmpi ne, %and3A_973, %ne3A_974 : i32
    %sub3A_976 = arith.constant 8 : i32
    %sub3A_977 = arith.subi %select_n3A_968, %sub3A_976 : i32
    %select_n3A_978 = arith.select %ne3A_975, %sub3A_977, %select_n3A_968 : i32
    %convert_element_type3A_979 = arith.extui %ne3A_975 : i1 to i32
    %cond3A_980 = arith.constant 0 : i32
    %cond3A_981 = arith.cmpi ne, %convert_element_type3A_979, %cond3A_980 : i32
    scf.if %cond3A_981 {
      %multiple_of3A = tpu.assume_multiple %select_n3A_978, 8 : i32
      %dma_start3A = arith.constant 0 : i32
      %dma_start3A_1974 = tpu.memref_slice %arg1[%multiple_of3A, %dma_start3A] : memref<16384x1024xf32, #tpu.memory_space<any>> -> memref<8x1024xf32, #tpu.memory_space<any>>
      %dma_start3A_1975 = arith.constant 0 : i32
      %dma_start3A_1976 = arith.constant 0 : i32
      %dma_start3A_1977 = tpu.memref_slice %arg2[%dma_start3A_1975, %dma_start3A_1976] : memref<256x1024xf32, #tpu.memory_space<vmem>> -> memref<8x1024xf32, #tpu.memory_space<vmem>>
      tpu.enqueue_dma source(%dma_start3A_1977 : memref<8x1024xf32, #tpu.memory_space<vmem>>) target(%dma_start3A_1974 : memref<8x1024xf32, #tpu.memory_space<any>>) target_semaphore(%arg3 : memref<!tpu.dma_semaphore, #tpu.memory_space<semaphore_mem>>)
    } else {
    }
    %get3A_982 = arith.constant 1 : index
    %get3A_983 = memref.load %arg0[%get3A_982] : memref<9xi32, #tpu.memory_space<smem>>
    %get3A_984 = arith.constant 0 : index
    %get3A_985 = memref.load %arg0[%get3A_984] : memref<9xi32, #tpu.memory_space<smem>>
    %sub3A_986 = arith.subi %get3A_983, %get3A_985 : i32
    %jit3A_987 = arith.constant 8 : i32
    %div3A_988 = arith.divsi %sub3A_986, %jit3A_987 : i32
    %sign3A_989 = arith.constant 0 : i32
    %sign3A_990 = arith.cmpi sgt, %sub3A_986, %sign3A_989 : i32
    %sign3A_991 = arith.extui %sign3A_990 : i1 to i32
    %sign3A_992 = arith.constant 0 : i32
    %sign3A_993 = arith.cmpi slt, %sub3A_986, %sign3A_992 : i32
    %sign3A_994 = arith.extui %sign3A_993 : i1 to i32
    %sign3A_995 = arith.subi %sign3A_991, %sign3A_994 : i32
    %sign3A_996 = arith.constant 0 : i32
    %sign3A_997 = arith.cmpi sgt, %jit3A_987, %sign3A_996 : i32
    %sign3A_998 = arith.extui %sign3A_997 : i1 to i32
    %sign3A_999 = arith.constant 0 : i32
    %sign3A_1000 = arith.cmpi slt, %jit3A_987, %sign3A_999 : i32
    %sign3A_1001 = arith.extui %sign3A_1000 : i1 to i32
    %sign3A_1002 = arith.subi %sign3A_998, %sign3A_1001 : i32
    %ne3A_1003 = arith.cmpi ne, %sign3A_995, %sign3A_1002 : i32
    %rem3A_1004 = arith.remsi %sub3A_986, %jit3A_987 : i32
    %ne3A_1005 = arith.constant 0 : i32
    %ne3A_1006 = arith.cmpi ne, %rem3A_1004, %ne3A_1005 : i32
    %and3A_1007 = arith.andi %ne3A_1003, %ne3A_1006 : i1
    %sub3A_1008 = arith.constant 1 : i32
    %sub3A_1009 = arith.subi %div3A_988, %sub3A_1008 : i32
    %select_n3A_1010 = arith.select %and3A_1007, %sub3A_1009, %div3A_988 : i32
    %mul3A_1011 = arith.constant 8 : i32
    %mul3A_1012 = arith.muli %select_n3A_1010, %mul3A_1011 : i32
    %sub3A_1013 = arith.constant 2048 : i32
    %sub3A_1014 = arith.subi %sub3A_1013, %mul3A_1012 : i32
    %jit3A_1015 = arith.constant 256 : i32
    %div3A_1016 = arith.divsi %sub3A_1014, %jit3A_1015 : i32
    %sign3A_1017 = arith.constant 0 : i32
    %sign3A_1018 = arith.cmpi sgt, %sub3A_1014, %sign3A_1017 : i32
    %sign3A_1019 = arith.extui %sign3A_1018 : i1 to i32
    %sign3A_1020 = arith.constant 0 : i32
    %sign3A_1021 = arith.cmpi slt, %sub3A_1014, %sign3A_1020 : i32
    %sign3A_1022 = arith.extui %sign3A_1021 : i1 to i32
    %sign3A_1023 = arith.subi %sign3A_1019, %sign3A_1022 : i32
    %sign3A_1024 = arith.constant 0 : i32
    %sign3A_1025 = arith.cmpi sgt, %jit3A_1015, %sign3A_1024 : i32
    %sign3A_1026 = arith.extui %sign3A_1025 : i1 to i32
    %sign3A_1027 = arith.constant 0 : i32
    %sign3A_1028 = arith.cmpi slt, %jit3A_1015, %sign3A_1027 : i32
    %sign3A_1029 = arith.extui %sign3A_1028 : i1 to i32
    %sign3A_1030 = arith.subi %sign3A_1026, %sign3A_1029 : i32
    %ne3A_1031 = arith.cmpi ne, %sign3A_1023, %sign3A_1030 : i32
    %rem3A_1032 = arith.remsi %sub3A_1014, %jit3A_1015 : i32
    %ne3A_1033 = arith.constant 0 : i32
    %ne3A_1034 = arith.cmpi ne, %rem3A_1032, %ne3A_1033 : i32
    %and3A_1035 = arith.andi %ne3A_1031, %ne3A_1034 : i1
    %sub3A_1036 = arith.constant 1 : i32
    %sub3A_1037 = arith.subi %div3A_1016, %sub3A_1036 : i32
    %select_n3A_1038 = arith.select %and3A_1035, %sub3A_1037, %div3A_1016 : i32
    %while3A_1039 = arith.constant 0 : i32
    %while3A_1040 = arith.constant 0 : i32
    %while3A_1041 = arith.subi %select_n3A_1038, %while3A_1040 : i32
    %while3A_1042 = arith.addi %while3A_1040, %while3A_1041 : i32
    %while3A_1043 = arith.constant 1 : i32
    %while3A_1044 = arith.divsi %while3A_1041, %while3A_1043 : i32
    %while3A_1045 = arith.muli %while3A_1044, %while3A_1043 : i32
    %while3A_1046 = arith.addi %while3A_1040, %while3A_1045 : i32
    %while3A_1047 = arith.constant 1 : i32
    scf.for %while3A_1974 = %while3A_1040 to %while3A_1046 step %while3A_1047  : i32 {
      %add3A = arith.constant 1 : i32
      %add3A_1975 = arith.addi %while3A_1974, %add3A : i32
      %mul3A_1976 = arith.constant 256 : i32
      %mul3A_1977 = arith.muli %add3A_1975, %mul3A_1976 : i32
      %sub3A_1978 = arith.constant 2048 : i32
      %sub3A_1979 = arith.subi %sub3A_1978, %mul3A_1977 : i32
      %multiple_of3A = tpu.assume_multiple %sub3A_1979, 8 : i32
      %dma_wait3A = arith.constant 0 : i32
      %dma_wait3A_1980 = tpu.memref_slice %arg1[%multiple_of3A, %dma_wait3A] : memref<16384x1024xf32, #tpu.memory_space<any>> -> memref<256x1024xf32, #tpu.memory_space<any>>
      tpu.wait_dma2 semaphore(%arg3 : memref<!tpu.dma_semaphore, #tpu.memory_space<semaphore_mem>>) src(%arg2 : memref<256x1024xf32, #tpu.memory_space<vmem>>) dst(%dma_wait3A_1980 : memref<256x1024xf32, #tpu.memory_space<any>>)
    }
    %while3A_1048 = arith.constant 1 : i32
    scf.for %while3A_1974 = %while3A_1046 to %while3A_1042 step %while3A_1048  : i32 {
      %add3A = arith.constant 1 : i32
      %add3A_1975 = arith.addi %while3A_1974, %add3A : i32
      %mul3A_1976 = arith.constant 256 : i32
      %mul3A_1977 = arith.muli %add3A_1975, %mul3A_1976 : i32
      %sub3A_1978 = arith.constant 2048 : i32
      %sub3A_1979 = arith.subi %sub3A_1978, %mul3A_1977 : i32
      %multiple_of3A = tpu.assume_multiple %sub3A_1979, 8 : i32
      %dma_wait3A = arith.constant 0 : i32
      %dma_wait3A_1980 = tpu.memref_slice %arg1[%multiple_of3A, %dma_wait3A] : memref<16384x1024xf32, #tpu.memory_space<any>> -> memref<256x1024xf32, #tpu.memory_space<any>>
      tpu.wait_dma2 semaphore(%arg3 : memref<!tpu.dma_semaphore, #tpu.memory_space<semaphore_mem>>) src(%arg2 : memref<256x1024xf32, #tpu.memory_space<vmem>>) dst(%dma_wait3A_1980 : memref<256x1024xf32, #tpu.memory_space<any>>)
    }
    %mul3A_1049 = arith.constant 256 : i32
    %mul3A_1050 = arith.muli %select_n3A_1038, %mul3A_1049 : i32
    %sub3A_1051 = arith.constant 2048 : i32
    %sub3A_1052 = arith.subi %sub3A_1051, %mul3A_1050 : i32
    %mul3A_1053 = arith.constant 256 : i32
    %mul3A_1054 = arith.muli %select_n3A_1038, %mul3A_1053 : i32
    %sub3A_1055 = arith.subi %sub3A_1014, %mul3A_1054 : i32
    %and3A_1056 = arith.constant 128 : i32
    %and3A_1057 = arith.andi %sub3A_1055, %and3A_1056 : i32
    %ne3A_1058 = arith.constant 0 : i32
    %ne3A_1059 = arith.cmpi ne, %and3A_1057, %ne3A_1058 : i32
    %sub3A_1060 = arith.constant 128 : i32
    %sub3A_1061 = arith.subi %sub3A_1052, %sub3A_1060 : i32
    %select_n3A_1062 = arith.select %ne3A_1059, %sub3A_1061, %sub3A_1052 : i32
    %convert_element_type3A_1063 = arith.extui %ne3A_1059 : i1 to i32
    %cond3A_1064 = arith.constant 0 : i32
    %cond3A_1065 = arith.cmpi ne, %convert_element_type3A_1063, %cond3A_1064 : i32
    scf.if %cond3A_1065 {
      %multiple_of3A = tpu.assume_multiple %select_n3A_1062, 8 : i32
      %dma_wait3A = arith.constant 0 : i32
      %dma_wait3A_1974 = tpu.memref_slice %arg1[%multiple_of3A, %dma_wait3A] : memref<16384x1024xf32, #tpu.memory_space<any>> -> memref<128x1024xf32, #tpu.memory_space<any>>
      %dma_wait3A_1975 = arith.constant 0 : i32
      %dma_wait3A_1976 = arith.constant 0 : i32
      %dma_wait3A_1977 = tpu.memref_slice %arg2[%dma_wait3A_1975, %dma_wait3A_1976] : memref<256x1024xf32, #tpu.memory_space<vmem>> -> memref<128x1024xf32, #tpu.memory_space<vmem>>
      tpu.wait_dma2 semaphore(%arg3 : memref<!tpu.dma_semaphore, #tpu.memory_space<semaphore_mem>>) src(%dma_wait3A_1977 : memref<128x1024xf32, #tpu.memory_space<vmem>>) dst(%dma_wait3A_1974 : memref<128x1024xf32, #tpu.memory_space<any>>)
    } else {
    }
    %and3A_1066 = arith.constant 64 : i32
    %and3A_1067 = arith.andi %sub3A_1055, %and3A_1066 : i32
    %ne3A_1068 = arith.constant 0 : i32
    %ne3A_1069 = arith.cmpi ne, %and3A_1067, %ne3A_1068 : i32
    %sub3A_1070 = arith.constant 64 : i32
    %sub3A_1071 = arith.subi %select_n3A_1062, %sub3A_1070 : i32
    %select_n3A_1072 = arith.select %ne3A_1069, %sub3A_1071, %select_n3A_1062 : i32
    %convert_element_type3A_1073 = arith.extui %ne3A_1069 : i1 to i32
    %cond3A_1074 = arith.constant 0 : i32
    %cond3A_1075 = arith.cmpi ne, %convert_element_type3A_1073, %cond3A_1074 : i32
    scf.if %cond3A_1075 {
      %multiple_of3A = tpu.assume_multiple %select_n3A_1072, 8 : i32
      %dma_wait3A = arith.constant 0 : i32
      %dma_wait3A_1974 = tpu.memref_slice %arg1[%multiple_of3A, %dma_wait3A] : memref<16384x1024xf32, #tpu.memory_space<any>> -> memref<64x1024xf32, #tpu.memory_space<any>>
      %dma_wait3A_1975 = arith.constant 0 : i32
      %dma_wait3A_1976 = arith.constant 0 : i32
      %dma_wait3A_1977 = tpu.memref_slice %arg2[%dma_wait3A_1975, %dma_wait3A_1976] : memref<256x1024xf32, #tpu.memory_space<vmem>> -> memref<64x1024xf32, #tpu.memory_space<vmem>>
      tpu.wait_dma2 semaphore(%arg3 : memref<!tpu.dma_semaphore, #tpu.memory_space<semaphore_mem>>) src(%dma_wait3A_1977 : memref<64x1024xf32, #tpu.memory_space<vmem>>) dst(%dma_wait3A_1974 : memref<64x1024xf32, #tpu.memory_space<any>>)
    } else {
    }
    %and3A_1076 = arith.constant 32 : i32
    %and3A_1077 = arith.andi %sub3A_1055, %and3A_1076 : i32
    %ne3A_1078 = arith.constant 0 : i32
    %ne3A_1079 = arith.cmpi ne, %and3A_1077, %ne3A_1078 : i32
    %sub3A_1080 = arith.constant 32 : i32
    %sub3A_1081 = arith.subi %select_n3A_1072, %sub3A_1080 : i32
    %select_n3A_1082 = arith.select %ne3A_1079, %sub3A_1081, %select_n3A_1072 : i32
    %convert_element_type3A_1083 = arith.extui %ne3A_1079 : i1 to i32
    %cond3A_1084 = arith.constant 0 : i32
    %cond3A_1085 = arith.cmpi ne, %convert_element_type3A_1083, %cond3A_1084 : i32
    scf.if %cond3A_1085 {
      %multiple_of3A = tpu.assume_multiple %select_n3A_1082, 8 : i32
      %dma_wait3A = arith.constant 0 : i32
      %dma_wait3A_1974 = tpu.memref_slice %arg1[%multiple_of3A, %dma_wait3A] : memref<16384x1024xf32, #tpu.memory_space<any>> -> memref<32x1024xf32, #tpu.memory_space<any>>
      %dma_wait3A_1975 = arith.constant 0 : i32
      %dma_wait3A_1976 = arith.constant 0 : i32
      %dma_wait3A_1977 = tpu.memref_slice %arg2[%dma_wait3A_1975, %dma_wait3A_1976] : memref<256x1024xf32, #tpu.memory_space<vmem>> -> memref<32x1024xf32, #tpu.memory_space<vmem>>
      tpu.wait_dma2 semaphore(%arg3 : memref<!tpu.dma_semaphore, #tpu.memory_space<semaphore_mem>>) src(%dma_wait3A_1977 : memref<32x1024xf32, #tpu.memory_space<vmem>>) dst(%dma_wait3A_1974 : memref<32x1024xf32, #tpu.memory_space<any>>)
    } else {
    }
    %and3A_1086 = arith.constant 16 : i32
    %and3A_1087 = arith.andi %sub3A_1055, %and3A_1086 : i32
    %ne3A_1088 = arith.constant 0 : i32
    %ne3A_1089 = arith.cmpi ne, %and3A_1087, %ne3A_1088 : i32
    %sub3A_1090 = arith.constant 16 : i32
    %sub3A_1091 = arith.subi %select_n3A_1082, %sub3A_1090 : i32
    %select_n3A_1092 = arith.select %ne3A_1089, %sub3A_1091, %select_n3A_1082 : i32
    %convert_element_type3A_1093 = arith.extui %ne3A_1089 : i1 to i32
    %cond3A_1094 = arith.constant 0 : i32
    %cond3A_1095 = arith.cmpi ne, %convert_element_type3A_1093, %cond3A_1094 : i32
    scf.if %cond3A_1095 {
      %multiple_of3A = tpu.assume_multiple %select_n3A_1092, 8 : i32
      %dma_wait3A = arith.constant 0 : i32
      %dma_wait3A_1974 = tpu.memref_slice %arg1[%multiple_of3A, %dma_wait3A] : memref<16384x1024xf32, #tpu.memory_space<any>> -> memref<16x1024xf32, #tpu.memory_space<any>>
      %dma_wait3A_1975 = arith.constant 0 : i32
      %dma_wait3A_1976 = arith.constant 0 : i32
      %dma_wait3A_1977 = tpu.memref_slice %arg2[%dma_wait3A_1975, %dma_wait3A_1976] : memref<256x1024xf32, #tpu.memory_space<vmem>> -> memref<16x1024xf32, #tpu.memory_space<vmem>>
      tpu.wait_dma2 semaphore(%arg3 : memref<!tpu.dma_semaphore, #tpu.memory_space<semaphore_mem>>) src(%dma_wait3A_1977 : memref<16x1024xf32, #tpu.memory_space<vmem>>) dst(%dma_wait3A_1974 : memref<16x1024xf32, #tpu.memory_space<any>>)
    } else {
    }
    %and3A_1096 = arith.constant 8 : i32
    %and3A_1097 = arith.andi %sub3A_1055, %and3A_1096 : i32
    %ne3A_1098 = arith.constant 0 : i32
    %ne3A_1099 = arith.cmpi ne, %and3A_1097, %ne3A_1098 : i32
    %sub3A_1100 = arith.constant 8 : i32
    %sub3A_1101 = arith.subi %select_n3A_1092, %sub3A_1100 : i32
    %select_n3A_1102 = arith.select %ne3A_1099, %sub3A_1101, %select_n3A_1092 : i32
    %convert_element_type3A_1103 = arith.extui %ne3A_1099 : i1 to i32
    %cond3A_1104 = arith.constant 0 : i32
    %cond3A_1105 = arith.cmpi ne, %convert_element_type3A_1103, %cond3A_1104 : i32
    scf.if %cond3A_1105 {
      %multiple_of3A = tpu.assume_multiple %select_n3A_1102, 8 : i32
      %dma_wait3A = arith.constant 0 : i32
      %dma_wait3A_1974 = tpu.memref_slice %arg1[%multiple_of3A, %dma_wait3A] : memref<16384x1024xf32, #tpu.memory_space<any>> -> memref<8x1024xf32, #tpu.memory_space<any>>
      %dma_wait3A_1975 = arith.constant 0 : i32
      %dma_wait3A_1976 = arith.constant 0 : i32
      %dma_wait3A_1977 = tpu.memref_slice %arg2[%dma_wait3A_1975, %dma_wait3A_1976] : memref<256x1024xf32, #tpu.memory_space<vmem>> -> memref<8x1024xf32, #tpu.memory_space<vmem>>
      tpu.wait_dma2 semaphore(%arg3 : memref<!tpu.dma_semaphore, #tpu.memory_space<semaphore_mem>>) src(%dma_wait3A_1977 : memref<8x1024xf32, #tpu.memory_space<vmem>>) dst(%dma_wait3A_1974 : memref<8x1024xf32, #tpu.memory_space<any>>)
    } else {
    }
    %get3A_1106 = arith.constant 2 : index
    %get3A_1107 = memref.load %arg0[%get3A_1106] : memref<9xi32, #tpu.memory_space<smem>>
    %get3A_1108 = arith.constant 1 : index
    %get3A_1109 = memref.load %arg0[%get3A_1108] : memref<9xi32, #tpu.memory_space<smem>>
    %sub3A_1110 = arith.subi %get3A_1107, %get3A_1109 : i32
    %jit3A_1111 = arith.constant 8 : i32
    %div3A_1112 = arith.divsi %sub3A_1110, %jit3A_1111 : i32
    %sign3A_1113 = arith.constant 0 : i32
    %sign3A_1114 = arith.cmpi sgt, %sub3A_1110, %sign3A_1113 : i32
    %sign3A_1115 = arith.extui %sign3A_1114 : i1 to i32
    %sign3A_1116 = arith.constant 0 : i32
    %sign3A_1117 = arith.cmpi slt, %sub3A_1110, %sign3A_1116 : i32
    %sign3A_1118 = arith.extui %sign3A_1117 : i1 to i32
    %sign3A_1119 = arith.subi %sign3A_1115, %sign3A_1118 : i32
    %sign3A_1120 = arith.constant 0 : i32
    %sign3A_1121 = arith.cmpi sgt, %jit3A_1111, %sign3A_1120 : i32
    %sign3A_1122 = arith.extui %sign3A_1121 : i1 to i32
    %sign3A_1123 = arith.constant 0 : i32
    %sign3A_1124 = arith.cmpi slt, %jit3A_1111, %sign3A_1123 : i32
    %sign3A_1125 = arith.extui %sign3A_1124 : i1 to i32
    %sign3A_1126 = arith.subi %sign3A_1122, %sign3A_1125 : i32
    %ne3A_1127 = arith.cmpi ne, %sign3A_1119, %sign3A_1126 : i32
    %rem3A_1128 = arith.remsi %sub3A_1110, %jit3A_1111 : i32
    %ne3A_1129 = arith.constant 0 : i32
    %ne3A_1130 = arith.cmpi ne, %rem3A_1128, %ne3A_1129 : i32
    %and3A_1131 = arith.andi %ne3A_1127, %ne3A_1130 : i1
    %sub3A_1132 = arith.constant 1 : i32
    %sub3A_1133 = arith.subi %div3A_1112, %sub3A_1132 : i32
    %select_n3A_1134 = arith.select %and3A_1131, %sub3A_1133, %div3A_1112 : i32
    %mul3A_1135 = arith.constant 8 : i32
    %mul3A_1136 = arith.muli %select_n3A_1134, %mul3A_1135 : i32
    %sub3A_1137 = arith.constant 2048 : i32
    %sub3A_1138 = arith.subi %sub3A_1137, %mul3A_1136 : i32
    %jit3A_1139 = arith.constant 256 : i32
    %div3A_1140 = arith.divsi %sub3A_1138, %jit3A_1139 : i32
    %sign3A_1141 = arith.constant 0 : i32
    %sign3A_1142 = arith.cmpi sgt, %sub3A_1138, %sign3A_1141 : i32
    %sign3A_1143 = arith.extui %sign3A_1142 : i1 to i32
    %sign3A_1144 = arith.constant 0 : i32
    %sign3A_1145 = arith.cmpi slt, %sub3A_1138, %sign3A_1144 : i32
    %sign3A_1146 = arith.extui %sign3A_1145 : i1 to i32
    %sign3A_1147 = arith.subi %sign3A_1143, %sign3A_1146 : i32
    %sign3A_1148 = arith.constant 0 : i32
    %sign3A_1149 = arith.cmpi sgt, %jit3A_1139, %sign3A_1148 : i32
    %sign3A_1150 = arith.extui %sign3A_1149 : i1 to i32
    %sign3A_1151 = arith.constant 0 : i32
    %sign3A_1152 = arith.cmpi slt, %jit3A_1139, %sign3A_1151 : i32
    %sign3A_1153 = arith.extui %sign3A_1152 : i1 to i32
    %sign3A_1154 = arith.subi %sign3A_1150, %sign3A_1153 : i32
    %ne3A_1155 = arith.cmpi ne, %sign3A_1147, %sign3A_1154 : i32
    %rem3A_1156 = arith.remsi %sub3A_1138, %jit3A_1139 : i32
    %ne3A_1157 = arith.constant 0 : i32
    %ne3A_1158 = arith.cmpi ne, %rem3A_1156, %ne3A_1157 : i32
    %and3A_1159 = arith.andi %ne3A_1155, %ne3A_1158 : i1
    %sub3A_1160 = arith.constant 1 : i32
    %sub3A_1161 = arith.subi %div3A_1140, %sub3A_1160 : i32
    %select_n3A_1162 = arith.select %and3A_1159, %sub3A_1161, %div3A_1140 : i32
    %while3A_1163 = arith.constant 0 : i32
    %while3A_1164 = arith.constant 0 : i32
    %while3A_1165 = arith.subi %select_n3A_1162, %while3A_1164 : i32
    %while3A_1166 = arith.addi %while3A_1164, %while3A_1165 : i32
    %while3A_1167 = arith.constant 1 : i32
    %while3A_1168 = arith.divsi %while3A_1165, %while3A_1167 : i32
    %while3A_1169 = arith.muli %while3A_1168, %while3A_1167 : i32
    %while3A_1170 = arith.addi %while3A_1164, %while3A_1169 : i32
    %while3A_1171 = arith.constant 1 : i32
    scf.for %while3A_1974 = %while3A_1164 to %while3A_1170 step %while3A_1171  : i32 {
      %add3A = arith.constant 1 : i32
      %add3A_1975 = arith.addi %while3A_1974, %add3A : i32
      %mul3A_1976 = arith.constant 256 : i32
      %mul3A_1977 = arith.muli %add3A_1975, %mul3A_1976 : i32
      %sub3A_1978 = arith.constant 4096 : i32
      %sub3A_1979 = arith.subi %sub3A_1978, %mul3A_1977 : i32
      %multiple_of3A = tpu.assume_multiple %sub3A_1979, 8 : i32
      %dma_wait3A = arith.constant 0 : i32
      %dma_wait3A_1980 = tpu.memref_slice %arg1[%multiple_of3A, %dma_wait3A] : memref<16384x1024xf32, #tpu.memory_space<any>> -> memref<256x1024xf32, #tpu.memory_space<any>>
      tpu.wait_dma2 semaphore(%arg3 : memref<!tpu.dma_semaphore, #tpu.memory_space<semaphore_mem>>) src(%arg2 : memref<256x1024xf32, #tpu.memory_space<vmem>>) dst(%dma_wait3A_1980 : memref<256x1024xf32, #tpu.memory_space<any>>)
    }
    %while3A_1172 = arith.constant 1 : i32
    scf.for %while3A_1974 = %while3A_1170 to %while3A_1166 step %while3A_1172  : i32 {
      %add3A = arith.constant 1 : i32
      %add3A_1975 = arith.addi %while3A_1974, %add3A : i32
      %mul3A_1976 = arith.constant 256 : i32
      %mul3A_1977 = arith.muli %add3A_1975, %mul3A_1976 : i32
      %sub3A_1978 = arith.constant 4096 : i32
      %sub3A_1979 = arith.subi %sub3A_1978, %mul3A_1977 : i32
      %multiple_of3A = tpu.assume_multiple %sub3A_1979, 8 : i32
      %dma_wait3A = arith.constant 0 : i32
      %dma_wait3A_1980 = tpu.memref_slice %arg1[%multiple_of3A, %dma_wait3A] : memref<16384x1024xf32, #tpu.memory_space<any>> -> memref<256x1024xf32, #tpu.memory_space<any>>
      tpu.wait_dma2 semaphore(%arg3 : memref<!tpu.dma_semaphore, #tpu.memory_space<semaphore_mem>>) src(%arg2 : memref<256x1024xf32, #tpu.memory_space<vmem>>) dst(%dma_wait3A_1980 : memref<256x1024xf32, #tpu.memory_space<any>>)
    }
    %mul3A_1173 = arith.constant 256 : i32
    %mul3A_1174 = arith.muli %select_n3A_1162, %mul3A_1173 : i32
    %sub3A_1175 = arith.constant 4096 : i32
    %sub3A_1176 = arith.subi %sub3A_1175, %mul3A_1174 : i32
    %mul3A_1177 = arith.constant 256 : i32
    %mul3A_1178 = arith.muli %select_n3A_1162, %mul3A_1177 : i32
    %sub3A_1179 = arith.subi %sub3A_1138, %mul3A_1178 : i32
    %and3A_1180 = arith.constant 128 : i32
    %and3A_1181 = arith.andi %sub3A_1179, %and3A_1180 : i32
    %ne3A_1182 = arith.constant 0 : i32
    %ne3A_1183 = arith.cmpi ne, %and3A_1181, %ne3A_1182 : i32
    %sub3A_1184 = arith.constant 128 : i32
    %sub3A_1185 = arith.subi %sub3A_1176, %sub3A_1184 : i32
    %select_n3A_1186 = arith.select %ne3A_1183, %sub3A_1185, %sub3A_1176 : i32
    %convert_element_type3A_1187 = arith.extui %ne3A_1183 : i1 to i32
    %cond3A_1188 = arith.constant 0 : i32
    %cond3A_1189 = arith.cmpi ne, %convert_element_type3A_1187, %cond3A_1188 : i32
    scf.if %cond3A_1189 {
      %multiple_of3A = tpu.assume_multiple %select_n3A_1186, 8 : i32
      %dma_wait3A = arith.constant 0 : i32
      %dma_wait3A_1974 = tpu.memref_slice %arg1[%multiple_of3A, %dma_wait3A] : memref<16384x1024xf32, #tpu.memory_space<any>> -> memref<128x1024xf32, #tpu.memory_space<any>>
      %dma_wait3A_1975 = arith.constant 0 : i32
      %dma_wait3A_1976 = arith.constant 0 : i32
      %dma_wait3A_1977 = tpu.memref_slice %arg2[%dma_wait3A_1975, %dma_wait3A_1976] : memref<256x1024xf32, #tpu.memory_space<vmem>> -> memref<128x1024xf32, #tpu.memory_space<vmem>>
      tpu.wait_dma2 semaphore(%arg3 : memref<!tpu.dma_semaphore, #tpu.memory_space<semaphore_mem>>) src(%dma_wait3A_1977 : memref<128x1024xf32, #tpu.memory_space<vmem>>) dst(%dma_wait3A_1974 : memref<128x1024xf32, #tpu.memory_space<any>>)
    } else {
    }
    %and3A_1190 = arith.constant 64 : i32
    %and3A_1191 = arith.andi %sub3A_1179, %and3A_1190 : i32
    %ne3A_1192 = arith.constant 0 : i32
    %ne3A_1193 = arith.cmpi ne, %and3A_1191, %ne3A_1192 : i32
    %sub3A_1194 = arith.constant 64 : i32
    %sub3A_1195 = arith.subi %select_n3A_1186, %sub3A_1194 : i32
    %select_n3A_1196 = arith.select %ne3A_1193, %sub3A_1195, %select_n3A_1186 : i32
    %convert_element_type3A_1197 = arith.extui %ne3A_1193 : i1 to i32
    %cond3A_1198 = arith.constant 0 : i32
    %cond3A_1199 = arith.cmpi ne, %convert_element_type3A_1197, %cond3A_1198 : i32
    scf.if %cond3A_1199 {
      %multiple_of3A = tpu.assume_multiple %select_n3A_1196, 8 : i32
      %dma_wait3A = arith.constant 0 : i32
      %dma_wait3A_1974 = tpu.memref_slice %arg1[%multiple_of3A, %dma_wait3A] : memref<16384x1024xf32, #tpu.memory_space<any>> -> memref<64x1024xf32, #tpu.memory_space<any>>
      %dma_wait3A_1975 = arith.constant 0 : i32
      %dma_wait3A_1976 = arith.constant 0 : i32
      %dma_wait3A_1977 = tpu.memref_slice %arg2[%dma_wait3A_1975, %dma_wait3A_1976] : memref<256x1024xf32, #tpu.memory_space<vmem>> -> memref<64x1024xf32, #tpu.memory_space<vmem>>
      tpu.wait_dma2 semaphore(%arg3 : memref<!tpu.dma_semaphore, #tpu.memory_space<semaphore_mem>>) src(%dma_wait3A_1977 : memref<64x1024xf32, #tpu.memory_space<vmem>>) dst(%dma_wait3A_1974 : memref<64x1024xf32, #tpu.memory_space<any>>)
    } else {
    }
    %and3A_1200 = arith.constant 32 : i32
    %and3A_1201 = arith.andi %sub3A_1179, %and3A_1200 : i32
    %ne3A_1202 = arith.constant 0 : i32
    %ne3A_1203 = arith.cmpi ne, %and3A_1201, %ne3A_1202 : i32
    %sub3A_1204 = arith.constant 32 : i32
    %sub3A_1205 = arith.subi %select_n3A_1196, %sub3A_1204 : i32
    %select_n3A_1206 = arith.select %ne3A_1203, %sub3A_1205, %select_n3A_1196 : i32
    %convert_element_type3A_1207 = arith.extui %ne3A_1203 : i1 to i32
    %cond3A_1208 = arith.constant 0 : i32
    %cond3A_1209 = arith.cmpi ne, %convert_element_type3A_1207, %cond3A_1208 : i32
    scf.if %cond3A_1209 {
      %multiple_of3A = tpu.assume_multiple %select_n3A_1206, 8 : i32
      %dma_wait3A = arith.constant 0 : i32
      %dma_wait3A_1974 = tpu.memref_slice %arg1[%multiple_of3A, %dma_wait3A] : memref<16384x1024xf32, #tpu.memory_space<any>> -> memref<32x1024xf32, #tpu.memory_space<any>>
      %dma_wait3A_1975 = arith.constant 0 : i32
      %dma_wait3A_1976 = arith.constant 0 : i32
      %dma_wait3A_1977 = tpu.memref_slice %arg2[%dma_wait3A_1975, %dma_wait3A_1976] : memref<256x1024xf32, #tpu.memory_space<vmem>> -> memref<32x1024xf32, #tpu.memory_space<vmem>>
      tpu.wait_dma2 semaphore(%arg3 : memref<!tpu.dma_semaphore, #tpu.memory_space<semaphore_mem>>) src(%dma_wait3A_1977 : memref<32x1024xf32, #tpu.memory_space<vmem>>) dst(%dma_wait3A_1974 : memref<32x1024xf32, #tpu.memory_space<any>>)
    } else {
    }
    %and3A_1210 = arith.constant 16 : i32
    %and3A_1211 = arith.andi %sub3A_1179, %and3A_1210 : i32
    %ne3A_1212 = arith.constant 0 : i32
    %ne3A_1213 = arith.cmpi ne, %and3A_1211, %ne3A_1212 : i32
    %sub3A_1214 = arith.constant 16 : i32
    %sub3A_1215 = arith.subi %select_n3A_1206, %sub3A_1214 : i32
    %select_n3A_1216 = arith.select %ne3A_1213, %sub3A_1215, %select_n3A_1206 : i32
    %convert_element_type3A_1217 = arith.extui %ne3A_1213 : i1 to i32
    %cond3A_1218 = arith.constant 0 : i32
    %cond3A_1219 = arith.cmpi ne, %convert_element_type3A_1217, %cond3A_1218 : i32
    scf.if %cond3A_1219 {
      %multiple_of3A = tpu.assume_multiple %select_n3A_1216, 8 : i32
      %dma_wait3A = arith.constant 0 : i32
      %dma_wait3A_1974 = tpu.memref_slice %arg1[%multiple_of3A, %dma_wait3A] : memref<16384x1024xf32, #tpu.memory_space<any>> -> memref<16x1024xf32, #tpu.memory_space<any>>
      %dma_wait3A_1975 = arith.constant 0 : i32
      %dma_wait3A_1976 = arith.constant 0 : i32
      %dma_wait3A_1977 = tpu.memref_slice %arg2[%dma_wait3A_1975, %dma_wait3A_1976] : memref<256x1024xf32, #tpu.memory_space<vmem>> -> memref<16x1024xf32, #tpu.memory_space<vmem>>
      tpu.wait_dma2 semaphore(%arg3 : memref<!tpu.dma_semaphore, #tpu.memory_space<semaphore_mem>>) src(%dma_wait3A_1977 : memref<16x1024xf32, #tpu.memory_space<vmem>>) dst(%dma_wait3A_1974 : memref<16x1024xf32, #tpu.memory_space<any>>)
    } else {
    }
    %and3A_1220 = arith.constant 8 : i32
    %and3A_1221 = arith.andi %sub3A_1179, %and3A_1220 : i32
    %ne3A_1222 = arith.constant 0 : i32
    %ne3A_1223 = arith.cmpi ne, %and3A_1221, %ne3A_1222 : i32
    %sub3A_1224 = arith.constant 8 : i32
    %sub3A_1225 = arith.subi %select_n3A_1216, %sub3A_1224 : i32
    %select_n3A_1226 = arith.select %ne3A_1223, %sub3A_1225, %select_n3A_1216 : i32
    %convert_element_type3A_1227 = arith.extui %ne3A_1223 : i1 to i32
    %cond3A_1228 = arith.constant 0 : i32
    %cond3A_1229 = arith.cmpi ne, %convert_element_type3A_1227, %cond3A_1228 : i32
    scf.if %cond3A_1229 {
      %multiple_of3A = tpu.assume_multiple %select_n3A_1226, 8 : i32
      %dma_wait3A = arith.constant 0 : i32
      %dma_wait3A_1974 = tpu.memref_slice %arg1[%multiple_of3A, %dma_wait3A] : memref<16384x1024xf32, #tpu.memory_space<any>> -> memref<8x1024xf32, #tpu.memory_space<any>>
      %dma_wait3A_1975 = arith.constant 0 : i32
      %dma_wait3A_1976 = arith.constant 0 : i32
      %dma_wait3A_1977 = tpu.memref_slice %arg2[%dma_wait3A_1975, %dma_wait3A_1976] : memref<256x1024xf32, #tpu.memory_space<vmem>> -> memref<8x1024xf32, #tpu.memory_space<vmem>>
      tpu.wait_dma2 semaphore(%arg3 : memref<!tpu.dma_semaphore, #tpu.memory_space<semaphore_mem>>) src(%dma_wait3A_1977 : memref<8x1024xf32, #tpu.memory_space<vmem>>) dst(%dma_wait3A_1974 : memref<8x1024xf32, #tpu.memory_space<any>>)
    } else {
    }
    %get3A_1230 = arith.constant 3 : index
    %get3A_1231 = memref.load %arg0[%get3A_1230] : memref<9xi32, #tpu.memory_space<smem>>
    %get3A_1232 = arith.constant 2 : index
    %get3A_1233 = memref.load %arg0[%get3A_1232] : memref<9xi32, #tpu.memory_space<smem>>
    %sub3A_1234 = arith.subi %get3A_1231, %get3A_1233 : i32
    %jit3A_1235 = arith.constant 8 : i32
    %div3A_1236 = arith.divsi %sub3A_1234, %jit3A_1235 : i32
    %sign3A_1237 = arith.constant 0 : i32
    %sign3A_1238 = arith.cmpi sgt, %sub3A_1234, %sign3A_1237 : i32
    %sign3A_1239 = arith.extui %sign3A_1238 : i1 to i32
    %sign3A_1240 = arith.constant 0 : i32
    %sign3A_1241 = arith.cmpi slt, %sub3A_1234, %sign3A_1240 : i32
    %sign3A_1242 = arith.extui %sign3A_1241 : i1 to i32
    %sign3A_1243 = arith.subi %sign3A_1239, %sign3A_1242 : i32
    %sign3A_1244 = arith.constant 0 : i32
    %sign3A_1245 = arith.cmpi sgt, %jit3A_1235, %sign3A_1244 : i32
    %sign3A_1246 = arith.extui %sign3A_1245 : i1 to i32
    %sign3A_1247 = arith.constant 0 : i32
    %sign3A_1248 = arith.cmpi slt, %jit3A_1235, %sign3A_1247 : i32
    %sign3A_1249 = arith.extui %sign3A_1248 : i1 to i32
    %sign3A_1250 = arith.subi %sign3A_1246, %sign3A_1249 : i32
    %ne3A_1251 = arith.cmpi ne, %sign3A_1243, %sign3A_1250 : i32
    %rem3A_1252 = arith.remsi %sub3A_1234, %jit3A_1235 : i32
    %ne3A_1253 = arith.constant 0 : i32
    %ne3A_1254 = arith.cmpi ne, %rem3A_1252, %ne3A_1253 : i32
    %and3A_1255 = arith.andi %ne3A_1251, %ne3A_1254 : i1
    %sub3A_1256 = arith.constant 1 : i32
    %sub3A_1257 = arith.subi %div3A_1236, %sub3A_1256 : i32
    %select_n3A_1258 = arith.select %and3A_1255, %sub3A_1257, %div3A_1236 : i32
    %mul3A_1259 = arith.constant 8 : i32
    %mul3A_1260 = arith.muli %select_n3A_1258, %mul3A_1259 : i32
    %sub3A_1261 = arith.constant 2048 : i32
    %sub3A_1262 = arith.subi %sub3A_1261, %mul3A_1260 : i32
    %jit3A_1263 = arith.constant 256 : i32
    %div3A_1264 = arith.divsi %sub3A_1262, %jit3A_1263 : i32
    %sign3A_1265 = arith.constant 0 : i32
    %sign3A_1266 = arith.cmpi sgt, %sub3A_1262, %sign3A_1265 : i32
    %sign3A_1267 = arith.extui %sign3A_1266 : i1 to i32
    %sign3A_1268 = arith.constant 0 : i32
    %sign3A_1269 = arith.cmpi slt, %sub3A_1262, %sign3A_1268 : i32
    %sign3A_1270 = arith.extui %sign3A_1269 : i1 to i32
    %sign3A_1271 = arith.subi %sign3A_1267, %sign3A_1270 : i32
    %sign3A_1272 = arith.constant 0 : i32
    %sign3A_1273 = arith.cmpi sgt, %jit3A_1263, %sign3A_1272 : i32
    %sign3A_1274 = arith.extui %sign3A_1273 : i1 to i32
    %sign3A_1275 = arith.constant 0 : i32
    %sign3A_1276 = arith.cmpi slt, %jit3A_1263, %sign3A_1275 : i32
    %sign3A_1277 = arith.extui %sign3A_1276 : i1 to i32
    %sign3A_1278 = arith.subi %sign3A_1274, %sign3A_1277 : i32
    %ne3A_1279 = arith.cmpi ne, %sign3A_1271, %sign3A_1278 : i32
    %rem3A_1280 = arith.remsi %sub3A_1262, %jit3A_1263 : i32
    %ne3A_1281 = arith.constant 0 : i32
    %ne3A_1282 = arith.cmpi ne, %rem3A_1280, %ne3A_1281 : i32
    %and3A_1283 = arith.andi %ne3A_1279, %ne3A_1282 : i1
    %sub3A_1284 = arith.constant 1 : i32
    %sub3A_1285 = arith.subi %div3A_1264, %sub3A_1284 : i32
    %select_n3A_1286 = arith.select %and3A_1283, %sub3A_1285, %div3A_1264 : i32
    %while3A_1287 = arith.constant 0 : i32
    %while3A_1288 = arith.constant 0 : i32
    %while3A_1289 = arith.subi %select_n3A_1286, %while3A_1288 : i32
    %while3A_1290 = arith.addi %while3A_1288, %while3A_1289 : i32
    %while3A_1291 = arith.constant 1 : i32
    %while3A_1292 = arith.divsi %while3A_1289, %while3A_1291 : i32
    %while3A_1293 = arith.muli %while3A_1292, %while3A_1291 : i32
    %while3A_1294 = arith.addi %while3A_1288, %while3A_1293 : i32
    %while3A_1295 = arith.constant 1 : i32
    scf.for %while3A_1974 = %while3A_1288 to %while3A_1294 step %while3A_1295  : i32 {
      %add3A = arith.constant 1 : i32
      %add3A_1975 = arith.addi %while3A_1974, %add3A : i32
      %mul3A_1976 = arith.constant 256 : i32
      %mul3A_1977 = arith.muli %add3A_1975, %mul3A_1976 : i32
      %sub3A_1978 = arith.constant 6144 : i32
      %sub3A_1979 = arith.subi %sub3A_1978, %mul3A_1977 : i32
      %multiple_of3A = tpu.assume_multiple %sub3A_1979, 8 : i32
      %dma_wait3A = arith.constant 0 : i32
      %dma_wait3A_1980 = tpu.memref_slice %arg1[%multiple_of3A, %dma_wait3A] : memref<16384x1024xf32, #tpu.memory_space<any>> -> memref<256x1024xf32, #tpu.memory_space<any>>
      tpu.wait_dma2 semaphore(%arg3 : memref<!tpu.dma_semaphore, #tpu.memory_space<semaphore_mem>>) src(%arg2 : memref<256x1024xf32, #tpu.memory_space<vmem>>) dst(%dma_wait3A_1980 : memref<256x1024xf32, #tpu.memory_space<any>>)
    }
    %while3A_1296 = arith.constant 1 : i32
    scf.for %while3A_1974 = %while3A_1294 to %while3A_1290 step %while3A_1296  : i32 {
      %add3A = arith.constant 1 : i32
      %add3A_1975 = arith.addi %while3A_1974, %add3A : i32
      %mul3A_1976 = arith.constant 256 : i32
      %mul3A_1977 = arith.muli %add3A_1975, %mul3A_1976 : i32
      %sub3A_1978 = arith.constant 6144 : i32
      %sub3A_1979 = arith.subi %sub3A_1978, %mul3A_1977 : i32
      %multiple_of3A = tpu.assume_multiple %sub3A_1979, 8 : i32
      %dma_wait3A = arith.constant 0 : i32
      %dma_wait3A_1980 = tpu.memref_slice %arg1[%multiple_of3A, %dma_wait3A] : memref<16384x1024xf32, #tpu.memory_space<any>> -> memref<256x1024xf32, #tpu.memory_space<any>>
      tpu.wait_dma2 semaphore(%arg3 : memref<!tpu.dma_semaphore, #tpu.memory_space<semaphore_mem>>) src(%arg2 : memref<256x1024xf32, #tpu.memory_space<vmem>>) dst(%dma_wait3A_1980 : memref<256x1024xf32, #tpu.memory_space<any>>)
    }
    %mul3A_1297 = arith.constant 256 : i32
    %mul3A_1298 = arith.muli %select_n3A_1286, %mul3A_1297 : i32
    %sub3A_1299 = arith.constant 6144 : i32
    %sub3A_1300 = arith.subi %sub3A_1299, %mul3A_1298 : i32
    %mul3A_1301 = arith.constant 256 : i32
    %mul3A_1302 = arith.muli %select_n3A_1286, %mul3A_1301 : i32
    %sub3A_1303 = arith.subi %sub3A_1262, %mul3A_1302 : i32
    %and3A_1304 = arith.constant 128 : i32
    %and3A_1305 = arith.andi %sub3A_1303, %and3A_1304 : i32
    %ne3A_1306 = arith.constant 0 : i32
    %ne3A_1307 = arith.cmpi ne, %and3A_1305, %ne3A_1306 : i32
    %sub3A_1308 = arith.constant 128 : i32
    %sub3A_1309 = arith.subi %sub3A_1300, %sub3A_1308 : i32
    %select_n3A_1310 = arith.select %ne3A_1307, %sub3A_1309, %sub3A_1300 : i32
    %convert_element_type3A_1311 = arith.extui %ne3A_1307 : i1 to i32
    %cond3A_1312 = arith.constant 0 : i32
    %cond3A_1313 = arith.cmpi ne, %convert_element_type3A_1311, %cond3A_1312 : i32
    scf.if %cond3A_1313 {
      %multiple_of3A = tpu.assume_multiple %select_n3A_1310, 8 : i32
      %dma_wait3A = arith.constant 0 : i32
      %dma_wait3A_1974 = tpu.memref_slice %arg1[%multiple_of3A, %dma_wait3A] : memref<16384x1024xf32, #tpu.memory_space<any>> -> memref<128x1024xf32, #tpu.memory_space<any>>
      %dma_wait3A_1975 = arith.constant 0 : i32
      %dma_wait3A_1976 = arith.constant 0 : i32
      %dma_wait3A_1977 = tpu.memref_slice %arg2[%dma_wait3A_1975, %dma_wait3A_1976] : memref<256x1024xf32, #tpu.memory_space<vmem>> -> memref<128x1024xf32, #tpu.memory_space<vmem>>
      tpu.wait_dma2 semaphore(%arg3 : memref<!tpu.dma_semaphore, #tpu.memory_space<semaphore_mem>>) src(%dma_wait3A_1977 : memref<128x1024xf32, #tpu.memory_space<vmem>>) dst(%dma_wait3A_1974 : memref<128x1024xf32, #tpu.memory_space<any>>)
    } else {
    }
    %and3A_1314 = arith.constant 64 : i32
    %and3A_1315 = arith.andi %sub3A_1303, %and3A_1314 : i32
    %ne3A_1316 = arith.constant 0 : i32
    %ne3A_1317 = arith.cmpi ne, %and3A_1315, %ne3A_1316 : i32
    %sub3A_1318 = arith.constant 64 : i32
    %sub3A_1319 = arith.subi %select_n3A_1310, %sub3A_1318 : i32
    %select_n3A_1320 = arith.select %ne3A_1317, %sub3A_1319, %select_n3A_1310 : i32
    %convert_element_type3A_1321 = arith.extui %ne3A_1317 : i1 to i32
    %cond3A_1322 = arith.constant 0 : i32
    %cond3A_1323 = arith.cmpi ne, %convert_element_type3A_1321, %cond3A_1322 : i32
    scf.if %cond3A_1323 {
      %multiple_of3A = tpu.assume_multiple %select_n3A_1320, 8 : i32
      %dma_wait3A = arith.constant 0 : i32
      %dma_wait3A_1974 = tpu.memref_slice %arg1[%multiple_of3A, %dma_wait3A] : memref<16384x1024xf32, #tpu.memory_space<any>> -> memref<64x1024xf32, #tpu.memory_space<any>>
      %dma_wait3A_1975 = arith.constant 0 : i32
      %dma_wait3A_1976 = arith.constant 0 : i32
      %dma_wait3A_1977 = tpu.memref_slice %arg2[%dma_wait3A_1975, %dma_wait3A_1976] : memref<256x1024xf32, #tpu.memory_space<vmem>> -> memref<64x1024xf32, #tpu.memory_space<vmem>>
      tpu.wait_dma2 semaphore(%arg3 : memref<!tpu.dma_semaphore, #tpu.memory_space<semaphore_mem>>) src(%dma_wait3A_1977 : memref<64x1024xf32, #tpu.memory_space<vmem>>) dst(%dma_wait3A_1974 : memref<64x1024xf32, #tpu.memory_space<any>>)
    } else {
    }
    %and3A_1324 = arith.constant 32 : i32
    %and3A_1325 = arith.andi %sub3A_1303, %and3A_1324 : i32
    %ne3A_1326 = arith.constant 0 : i32
    %ne3A_1327 = arith.cmpi ne, %and3A_1325, %ne3A_1326 : i32
    %sub3A_1328 = arith.constant 32 : i32
    %sub3A_1329 = arith.subi %select_n3A_1320, %sub3A_1328 : i32
    %select_n3A_1330 = arith.select %ne3A_1327, %sub3A_1329, %select_n3A_1320 : i32
    %convert_element_type3A_1331 = arith.extui %ne3A_1327 : i1 to i32
    %cond3A_1332 = arith.constant 0 : i32
    %cond3A_1333 = arith.cmpi ne, %convert_element_type3A_1331, %cond3A_1332 : i32
    scf.if %cond3A_1333 {
      %multiple_of3A = tpu.assume_multiple %select_n3A_1330, 8 : i32
      %dma_wait3A = arith.constant 0 : i32
      %dma_wait3A_1974 = tpu.memref_slice %arg1[%multiple_of3A, %dma_wait3A] : memref<16384x1024xf32, #tpu.memory_space<any>> -> memref<32x1024xf32, #tpu.memory_space<any>>
      %dma_wait3A_1975 = arith.constant 0 : i32
      %dma_wait3A_1976 = arith.constant 0 : i32
      %dma_wait3A_1977 = tpu.memref_slice %arg2[%dma_wait3A_1975, %dma_wait3A_1976] : memref<256x1024xf32, #tpu.memory_space<vmem>> -> memref<32x1024xf32, #tpu.memory_space<vmem>>
      tpu.wait_dma2 semaphore(%arg3 : memref<!tpu.dma_semaphore, #tpu.memory_space<semaphore_mem>>) src(%dma_wait3A_1977 : memref<32x1024xf32, #tpu.memory_space<vmem>>) dst(%dma_wait3A_1974 : memref<32x1024xf32, #tpu.memory_space<any>>)
    } else {
    }
    %and3A_1334 = arith.constant 16 : i32
    %and3A_1335 = arith.andi %sub3A_1303, %and3A_1334 : i32
    %ne3A_1336 = arith.constant 0 : i32
    %ne3A_1337 = arith.cmpi ne, %and3A_1335, %ne3A_1336 : i32
    %sub3A_1338 = arith.constant 16 : i32
    %sub3A_1339 = arith.subi %select_n3A_1330, %sub3A_1338 : i32
    %select_n3A_1340 = arith.select %ne3A_1337, %sub3A_1339, %select_n3A_1330 : i32
    %convert_element_type3A_1341 = arith.extui %ne3A_1337 : i1 to i32
    %cond3A_1342 = arith.constant 0 : i32
    %cond3A_1343 = arith.cmpi ne, %convert_element_type3A_1341, %cond3A_1342 : i32
    scf.if %cond3A_1343 {
      %multiple_of3A = tpu.assume_multiple %select_n3A_1340, 8 : i32
      %dma_wait3A = arith.constant 0 : i32
      %dma_wait3A_1974 = tpu.memref_slice %arg1[%multiple_of3A, %dma_wait3A] : memref<16384x1024xf32, #tpu.memory_space<any>> -> memref<16x1024xf32, #tpu.memory_space<any>>
      %dma_wait3A_1975 = arith.constant 0 : i32
      %dma_wait3A_1976 = arith.constant 0 : i32
      %dma_wait3A_1977 = tpu.memref_slice %arg2[%dma_wait3A_1975, %dma_wait3A_1976] : memref<256x1024xf32, #tpu.memory_space<vmem>> -> memref<16x1024xf32, #tpu.memory_space<vmem>>
      tpu.wait_dma2 semaphore(%arg3 : memref<!tpu.dma_semaphore, #tpu.memory_space<semaphore_mem>>) src(%dma_wait3A_1977 : memref<16x1024xf32, #tpu.memory_space<vmem>>) dst(%dma_wait3A_1974 : memref<16x1024xf32, #tpu.memory_space<any>>)
    } else {
    }
    %and3A_1344 = arith.constant 8 : i32
    %and3A_1345 = arith.andi %sub3A_1303, %and3A_1344 : i32
    %ne3A_1346 = arith.constant 0 : i32
    %ne3A_1347 = arith.cmpi ne, %and3A_1345, %ne3A_1346 : i32
    %sub3A_1348 = arith.constant 8 : i32
    %sub3A_1349 = arith.subi %select_n3A_1340, %sub3A_1348 : i32
    %select_n3A_1350 = arith.select %ne3A_1347, %sub3A_1349, %select_n3A_1340 : i32
    %convert_element_type3A_1351 = arith.extui %ne3A_1347 : i1 to i32
    %cond3A_1352 = arith.constant 0 : i32
    %cond3A_1353 = arith.cmpi ne, %convert_element_type3A_1351, %cond3A_1352 : i32
    scf.if %cond3A_1353 {
      %multiple_of3A = tpu.assume_multiple %select_n3A_1350, 8 : i32
      %dma_wait3A = arith.constant 0 : i32
      %dma_wait3A_1974 = tpu.memref_slice %arg1[%multiple_of3A, %dma_wait3A] : memref<16384x1024xf32, #tpu.memory_space<any>> -> memref<8x1024xf32, #tpu.memory_space<any>>
      %dma_wait3A_1975 = arith.constant 0 : i32
      %dma_wait3A_1976 = arith.constant 0 : i32
      %dma_wait3A_1977 = tpu.memref_slice %arg2[%dma_wait3A_1975, %dma_wait3A_1976] : memref<256x1024xf32, #tpu.memory_space<vmem>> -> memref<8x1024xf32, #tpu.memory_space<vmem>>
      tpu.wait_dma2 semaphore(%arg3 : memref<!tpu.dma_semaphore, #tpu.memory_space<semaphore_mem>>) src(%dma_wait3A_1977 : memref<8x1024xf32, #tpu.memory_space<vmem>>) dst(%dma_wait3A_1974 : memref<8x1024xf32, #tpu.memory_space<any>>)
    } else {
    }
    %get3A_1354 = arith.constant 4 : index
    %get3A_1355 = memref.load %arg0[%get3A_1354] : memref<9xi32, #tpu.memory_space<smem>>
    %get3A_1356 = arith.constant 3 : index
    %get3A_1357 = memref.load %arg0[%get3A_1356] : memref<9xi32, #tpu.memory_space<smem>>
    %sub3A_1358 = arith.subi %get3A_1355, %get3A_1357 : i32
    %jit3A_1359 = arith.constant 8 : i32
    %div3A_1360 = arith.divsi %sub3A_1358, %jit3A_1359 : i32
    %sign3A_1361 = arith.constant 0 : i32
    %sign3A_1362 = arith.cmpi sgt, %sub3A_1358, %sign3A_1361 : i32
    %sign3A_1363 = arith.extui %sign3A_1362 : i1 to i32
    %sign3A_1364 = arith.constant 0 : i32
    %sign3A_1365 = arith.cmpi slt, %sub3A_1358, %sign3A_1364 : i32
    %sign3A_1366 = arith.extui %sign3A_1365 : i1 to i32
    %sign3A_1367 = arith.subi %sign3A_1363, %sign3A_1366 : i32
    %sign3A_1368 = arith.constant 0 : i32
    %sign3A_1369 = arith.cmpi sgt, %jit3A_1359, %sign3A_1368 : i32
    %sign3A_1370 = arith.extui %sign3A_1369 : i1 to i32
    %sign3A_1371 = arith.constant 0 : i32
    %sign3A_1372 = arith.cmpi slt, %jit3A_1359, %sign3A_1371 : i32
    %sign3A_1373 = arith.extui %sign3A_1372 : i1 to i32
    %sign3A_1374 = arith.subi %sign3A_1370, %sign3A_1373 : i32
    %ne3A_1375 = arith.cmpi ne, %sign3A_1367, %sign3A_1374 : i32
    %rem3A_1376 = arith.remsi %sub3A_1358, %jit3A_1359 : i32
    %ne3A_1377 = arith.constant 0 : i32
    %ne3A_1378 = arith.cmpi ne, %rem3A_1376, %ne3A_1377 : i32
    %and3A_1379 = arith.andi %ne3A_1375, %ne3A_1378 : i1
    %sub3A_1380 = arith.constant 1 : i32
    %sub3A_1381 = arith.subi %div3A_1360, %sub3A_1380 : i32
    %select_n3A_1382 = arith.select %and3A_1379, %sub3A_1381, %div3A_1360 : i32
    %mul3A_1383 = arith.constant 8 : i32
    %mul3A_1384 = arith.muli %select_n3A_1382, %mul3A_1383 : i32
    %sub3A_1385 = arith.constant 2048 : i32
    %sub3A_1386 = arith.subi %sub3A_1385, %mul3A_1384 : i32
    %jit3A_1387 = arith.constant 256 : i32
    %div3A_1388 = arith.divsi %sub3A_1386, %jit3A_1387 : i32
    %sign3A_1389 = arith.constant 0 : i32
    %sign3A_1390 = arith.cmpi sgt, %sub3A_1386, %sign3A_1389 : i32
    %sign3A_1391 = arith.extui %sign3A_1390 : i1 to i32
    %sign3A_1392 = arith.constant 0 : i32
    %sign3A_1393 = arith.cmpi slt, %sub3A_1386, %sign3A_1392 : i32
    %sign3A_1394 = arith.extui %sign3A_1393 : i1 to i32
    %sign3A_1395 = arith.subi %sign3A_1391, %sign3A_1394 : i32
    %sign3A_1396 = arith.constant 0 : i32
    %sign3A_1397 = arith.cmpi sgt, %jit3A_1387, %sign3A_1396 : i32
    %sign3A_1398 = arith.extui %sign3A_1397 : i1 to i32
    %sign3A_1399 = arith.constant 0 : i32
    %sign3A_1400 = arith.cmpi slt, %jit3A_1387, %sign3A_1399 : i32
    %sign3A_1401 = arith.extui %sign3A_1400 : i1 to i32
    %sign3A_1402 = arith.subi %sign3A_1398, %sign3A_1401 : i32
    %ne3A_1403 = arith.cmpi ne, %sign3A_1395, %sign3A_1402 : i32
    %rem3A_1404 = arith.remsi %sub3A_1386, %jit3A_1387 : i32
    %ne3A_1405 = arith.constant 0 : i32
    %ne3A_1406 = arith.cmpi ne, %rem3A_1404, %ne3A_1405 : i32
    %and3A_1407 = arith.andi %ne3A_1403, %ne3A_1406 : i1
    %sub3A_1408 = arith.constant 1 : i32
    %sub3A_1409 = arith.subi %div3A_1388, %sub3A_1408 : i32
    %select_n3A_1410 = arith.select %and3A_1407, %sub3A_1409, %div3A_1388 : i32
    %while3A_1411 = arith.constant 0 : i32
    %while3A_1412 = arith.constant 0 : i32
    %while3A_1413 = arith.subi %select_n3A_1410, %while3A_1412 : i32
    %while3A_1414 = arith.addi %while3A_1412, %while3A_1413 : i32
    %while3A_1415 = arith.constant 1 : i32
    %while3A_1416 = arith.divsi %while3A_1413, %while3A_1415 : i32
    %while3A_1417 = arith.muli %while3A_1416, %while3A_1415 : i32
    %while3A_1418 = arith.addi %while3A_1412, %while3A_1417 : i32
    %while3A_1419 = arith.constant 1 : i32
    scf.for %while3A_1974 = %while3A_1412 to %while3A_1418 step %while3A_1419  : i32 {
      %add3A = arith.constant 1 : i32
      %add3A_1975 = arith.addi %while3A_1974, %add3A : i32
      %mul3A_1976 = arith.constant 256 : i32
      %mul3A_1977 = arith.muli %add3A_1975, %mul3A_1976 : i32
      %sub3A_1978 = arith.constant 8192 : i32
      %sub3A_1979 = arith.subi %sub3A_1978, %mul3A_1977 : i32
      %multiple_of3A = tpu.assume_multiple %sub3A_1979, 8 : i32
      %dma_wait3A = arith.constant 0 : i32
      %dma_wait3A_1980 = tpu.memref_slice %arg1[%multiple_of3A, %dma_wait3A] : memref<16384x1024xf32, #tpu.memory_space<any>> -> memref<256x1024xf32, #tpu.memory_space<any>>
      tpu.wait_dma2 semaphore(%arg3 : memref<!tpu.dma_semaphore, #tpu.memory_space<semaphore_mem>>) src(%arg2 : memref<256x1024xf32, #tpu.memory_space<vmem>>) dst(%dma_wait3A_1980 : memref<256x1024xf32, #tpu.memory_space<any>>)
    }
    %while3A_1420 = arith.constant 1 : i32
    scf.for %while3A_1974 = %while3A_1418 to %while3A_1414 step %while3A_1420  : i32 {
      %add3A = arith.constant 1 : i32
      %add3A_1975 = arith.addi %while3A_1974, %add3A : i32
      %mul3A_1976 = arith.constant 256 : i32
      %mul3A_1977 = arith.muli %add3A_1975, %mul3A_1976 : i32
      %sub3A_1978 = arith.constant 8192 : i32
      %sub3A_1979 = arith.subi %sub3A_1978, %mul3A_1977 : i32
      %multiple_of3A = tpu.assume_multiple %sub3A_1979, 8 : i32
      %dma_wait3A = arith.constant 0 : i32
      %dma_wait3A_1980 = tpu.memref_slice %arg1[%multiple_of3A, %dma_wait3A] : memref<16384x1024xf32, #tpu.memory_space<any>> -> memref<256x1024xf32, #tpu.memory_space<any>>
      tpu.wait_dma2 semaphore(%arg3 : memref<!tpu.dma_semaphore, #tpu.memory_space<semaphore_mem>>) src(%arg2 : memref<256x1024xf32, #tpu.memory_space<vmem>>) dst(%dma_wait3A_1980 : memref<256x1024xf32, #tpu.memory_space<any>>)
    }
    %mul3A_1421 = arith.constant 256 : i32
    %mul3A_1422 = arith.muli %select_n3A_1410, %mul3A_1421 : i32
    %sub3A_1423 = arith.constant 8192 : i32
    %sub3A_1424 = arith.subi %sub3A_1423, %mul3A_1422 : i32
    %mul3A_1425 = arith.constant 256 : i32
    %mul3A_1426 = arith.muli %select_n3A_1410, %mul3A_1425 : i32
    %sub3A_1427 = arith.subi %sub3A_1386, %mul3A_1426 : i32
    %and3A_1428 = arith.constant 128 : i32
    %and3A_1429 = arith.andi %sub3A_1427, %and3A_1428 : i32
    %ne3A_1430 = arith.constant 0 : i32
    %ne3A_1431 = arith.cmpi ne, %and3A_1429, %ne3A_1430 : i32
    %sub3A_1432 = arith.constant 128 : i32
    %sub3A_1433 = arith.subi %sub3A_1424, %sub3A_1432 : i32
    %select_n3A_1434 = arith.select %ne3A_1431, %sub3A_1433, %sub3A_1424 : i32
    %convert_element_type3A_1435 = arith.extui %ne3A_1431 : i1 to i32
    %cond3A_1436 = arith.constant 0 : i32
    %cond3A_1437 = arith.cmpi ne, %convert_element_type3A_1435, %cond3A_1436 : i32
    scf.if %cond3A_1437 {
      %multiple_of3A = tpu.assume_multiple %select_n3A_1434, 8 : i32
      %dma_wait3A = arith.constant 0 : i32
      %dma_wait3A_1974 = tpu.memref_slice %arg1[%multiple_of3A, %dma_wait3A] : memref<16384x1024xf32, #tpu.memory_space<any>> -> memref<128x1024xf32, #tpu.memory_space<any>>
      %dma_wait3A_1975 = arith.constant 0 : i32
      %dma_wait3A_1976 = arith.constant 0 : i32
      %dma_wait3A_1977 = tpu.memref_slice %arg2[%dma_wait3A_1975, %dma_wait3A_1976] : memref<256x1024xf32, #tpu.memory_space<vmem>> -> memref<128x1024xf32, #tpu.memory_space<vmem>>
      tpu.wait_dma2 semaphore(%arg3 : memref<!tpu.dma_semaphore, #tpu.memory_space<semaphore_mem>>) src(%dma_wait3A_1977 : memref<128x1024xf32, #tpu.memory_space<vmem>>) dst(%dma_wait3A_1974 : memref<128x1024xf32, #tpu.memory_space<any>>)
    } else {
    }
    %and3A_1438 = arith.constant 64 : i32
    %and3A_1439 = arith.andi %sub3A_1427, %and3A_1438 : i32
    %ne3A_1440 = arith.constant 0 : i32
    %ne3A_1441 = arith.cmpi ne, %and3A_1439, %ne3A_1440 : i32
    %sub3A_1442 = arith.constant 64 : i32
    %sub3A_1443 = arith.subi %select_n3A_1434, %sub3A_1442 : i32
    %select_n3A_1444 = arith.select %ne3A_1441, %sub3A_1443, %select_n3A_1434 : i32
    %convert_element_type3A_1445 = arith.extui %ne3A_1441 : i1 to i32
    %cond3A_1446 = arith.constant 0 : i32
    %cond3A_1447 = arith.cmpi ne, %convert_element_type3A_1445, %cond3A_1446 : i32
    scf.if %cond3A_1447 {
      %multiple_of3A = tpu.assume_multiple %select_n3A_1444, 8 : i32
      %dma_wait3A = arith.constant 0 : i32
      %dma_wait3A_1974 = tpu.memref_slice %arg1[%multiple_of3A, %dma_wait3A] : memref<16384x1024xf32, #tpu.memory_space<any>> -> memref<64x1024xf32, #tpu.memory_space<any>>
      %dma_wait3A_1975 = arith.constant 0 : i32
      %dma_wait3A_1976 = arith.constant 0 : i32
      %dma_wait3A_1977 = tpu.memref_slice %arg2[%dma_wait3A_1975, %dma_wait3A_1976] : memref<256x1024xf32, #tpu.memory_space<vmem>> -> memref<64x1024xf32, #tpu.memory_space<vmem>>
      tpu.wait_dma2 semaphore(%arg3 : memref<!tpu.dma_semaphore, #tpu.memory_space<semaphore_mem>>) src(%dma_wait3A_1977 : memref<64x1024xf32, #tpu.memory_space<vmem>>) dst(%dma_wait3A_1974 : memref<64x1024xf32, #tpu.memory_space<any>>)
    } else {
    }
    %and3A_1448 = arith.constant 32 : i32
    %and3A_1449 = arith.andi %sub3A_1427, %and3A_1448 : i32
    %ne3A_1450 = arith.constant 0 : i32
    %ne3A_1451 = arith.cmpi ne, %and3A_1449, %ne3A_1450 : i32
    %sub3A_1452 = arith.constant 32 : i32
    %sub3A_1453 = arith.subi %select_n3A_1444, %sub3A_1452 : i32
    %select_n3A_1454 = arith.select %ne3A_1451, %sub3A_1453, %select_n3A_1444 : i32
    %convert_element_type3A_1455 = arith.extui %ne3A_1451 : i1 to i32
    %cond3A_1456 = arith.constant 0 : i32
    %cond3A_1457 = arith.cmpi ne, %convert_element_type3A_1455, %cond3A_1456 : i32
    scf.if %cond3A_1457 {
      %multiple_of3A = tpu.assume_multiple %select_n3A_1454, 8 : i32
      %dma_wait3A = arith.constant 0 : i32
      %dma_wait3A_1974 = tpu.memref_slice %arg1[%multiple_of3A, %dma_wait3A] : memref<16384x1024xf32, #tpu.memory_space<any>> -> memref<32x1024xf32, #tpu.memory_space<any>>
      %dma_wait3A_1975 = arith.constant 0 : i32
      %dma_wait3A_1976 = arith.constant 0 : i32
      %dma_wait3A_1977 = tpu.memref_slice %arg2[%dma_wait3A_1975, %dma_wait3A_1976] : memref<256x1024xf32, #tpu.memory_space<vmem>> -> memref<32x1024xf32, #tpu.memory_space<vmem>>
      tpu.wait_dma2 semaphore(%arg3 : memref<!tpu.dma_semaphore, #tpu.memory_space<semaphore_mem>>) src(%dma_wait3A_1977 : memref<32x1024xf32, #tpu.memory_space<vmem>>) dst(%dma_wait3A_1974 : memref<32x1024xf32, #tpu.memory_space<any>>)
    } else {
    }
    %and3A_1458 = arith.constant 16 : i32
    %and3A_1459 = arith.andi %sub3A_1427, %and3A_1458 : i32
    %ne3A_1460 = arith.constant 0 : i32
    %ne3A_1461 = arith.cmpi ne, %and3A_1459, %ne3A_1460 : i32
    %sub3A_1462 = arith.constant 16 : i32
    %sub3A_1463 = arith.subi %select_n3A_1454, %sub3A_1462 : i32
    %select_n3A_1464 = arith.select %ne3A_1461, %sub3A_1463, %select_n3A_1454 : i32
    %convert_element_type3A_1465 = arith.extui %ne3A_1461 : i1 to i32
    %cond3A_1466 = arith.constant 0 : i32
    %cond3A_1467 = arith.cmpi ne, %convert_element_type3A_1465, %cond3A_1466 : i32
    scf.if %cond3A_1467 {
      %multiple_of3A = tpu.assume_multiple %select_n3A_1464, 8 : i32
      %dma_wait3A = arith.constant 0 : i32
      %dma_wait3A_1974 = tpu.memref_slice %arg1[%multiple_of3A, %dma_wait3A] : memref<16384x1024xf32, #tpu.memory_space<any>> -> memref<16x1024xf32, #tpu.memory_space<any>>
      %dma_wait3A_1975 = arith.constant 0 : i32
      %dma_wait3A_1976 = arith.constant 0 : i32
      %dma_wait3A_1977 = tpu.memref_slice %arg2[%dma_wait3A_1975, %dma_wait3A_1976] : memref<256x1024xf32, #tpu.memory_space<vmem>> -> memref<16x1024xf32, #tpu.memory_space<vmem>>
      tpu.wait_dma2 semaphore(%arg3 : memref<!tpu.dma_semaphore, #tpu.memory_space<semaphore_mem>>) src(%dma_wait3A_1977 : memref<16x1024xf32, #tpu.memory_space<vmem>>) dst(%dma_wait3A_1974 : memref<16x1024xf32, #tpu.memory_space<any>>)
    } else {
    }
    %and3A_1468 = arith.constant 8 : i32
    %and3A_1469 = arith.andi %sub3A_1427, %and3A_1468 : i32
    %ne3A_1470 = arith.constant 0 : i32
    %ne3A_1471 = arith.cmpi ne, %and3A_1469, %ne3A_1470 : i32
    %sub3A_1472 = arith.constant 8 : i32
    %sub3A_1473 = arith.subi %select_n3A_1464, %sub3A_1472 : i32
    %select_n3A_1474 = arith.select %ne3A_1471, %sub3A_1473, %select_n3A_1464 : i32
    %convert_element_type3A_1475 = arith.extui %ne3A_1471 : i1 to i32
    %cond3A_1476 = arith.constant 0 : i32
    %cond3A_1477 = arith.cmpi ne, %convert_element_type3A_1475, %cond3A_1476 : i32
    scf.if %cond3A_1477 {
      %multiple_of3A = tpu.assume_multiple %select_n3A_1474, 8 : i32
      %dma_wait3A = arith.constant 0 : i32
      %dma_wait3A_1974 = tpu.memref_slice %arg1[%multiple_of3A, %dma_wait3A] : memref<16384x1024xf32, #tpu.memory_space<any>> -> memref<8x1024xf32, #tpu.memory_space<any>>
      %dma_wait3A_1975 = arith.constant 0 : i32
      %dma_wait3A_1976 = arith.constant 0 : i32
      %dma_wait3A_1977 = tpu.memref_slice %arg2[%dma_wait3A_1975, %dma_wait3A_1976] : memref<256x1024xf32, #tpu.memory_space<vmem>> -> memref<8x1024xf32, #tpu.memory_space<vmem>>
      tpu.wait_dma2 semaphore(%arg3 : memref<!tpu.dma_semaphore, #tpu.memory_space<semaphore_mem>>) src(%dma_wait3A_1977 : memref<8x1024xf32, #tpu.memory_space<vmem>>) dst(%dma_wait3A_1974 : memref<8x1024xf32, #tpu.memory_space<any>>)
    } else {
    }
    %get3A_1478 = arith.constant 5 : index
    %get3A_1479 = memref.load %arg0[%get3A_1478] : memref<9xi32, #tpu.memory_space<smem>>
    %get3A_1480 = arith.constant 4 : index
    %get3A_1481 = memref.load %arg0[%get3A_1480] : memref<9xi32, #tpu.memory_space<smem>>
    %sub3A_1482 = arith.subi %get3A_1479, %get3A_1481 : i32
    %jit3A_1483 = arith.constant 8 : i32
    %div3A_1484 = arith.divsi %sub3A_1482, %jit3A_1483 : i32
    %sign3A_1485 = arith.constant 0 : i32
    %sign3A_1486 = arith.cmpi sgt, %sub3A_1482, %sign3A_1485 : i32
    %sign3A_1487 = arith.extui %sign3A_1486 : i1 to i32
    %sign3A_1488 = arith.constant 0 : i32
    %sign3A_1489 = arith.cmpi slt, %sub3A_1482, %sign3A_1488 : i32
    %sign3A_1490 = arith.extui %sign3A_1489 : i1 to i32
    %sign3A_1491 = arith.subi %sign3A_1487, %sign3A_1490 : i32
    %sign3A_1492 = arith.constant 0 : i32
    %sign3A_1493 = arith.cmpi sgt, %jit3A_1483, %sign3A_1492 : i32
    %sign3A_1494 = arith.extui %sign3A_1493 : i1 to i32
    %sign3A_1495 = arith.constant 0 : i32
    %sign3A_1496 = arith.cmpi slt, %jit3A_1483, %sign3A_1495 : i32
    %sign3A_1497 = arith.extui %sign3A_1496 : i1 to i32
    %sign3A_1498 = arith.subi %sign3A_1494, %sign3A_1497 : i32
    %ne3A_1499 = arith.cmpi ne, %sign3A_1491, %sign3A_1498 : i32
    %rem3A_1500 = arith.remsi %sub3A_1482, %jit3A_1483 : i32
    %ne3A_1501 = arith.constant 0 : i32
    %ne3A_1502 = arith.cmpi ne, %rem3A_1500, %ne3A_1501 : i32
    %and3A_1503 = arith.andi %ne3A_1499, %ne3A_1502 : i1
    %sub3A_1504 = arith.constant 1 : i32
    %sub3A_1505 = arith.subi %div3A_1484, %sub3A_1504 : i32
    %select_n3A_1506 = arith.select %and3A_1503, %sub3A_1505, %div3A_1484 : i32
    %mul3A_1507 = arith.constant 8 : i32
    %mul3A_1508 = arith.muli %select_n3A_1506, %mul3A_1507 : i32
    %sub3A_1509 = arith.constant 2048 : i32
    %sub3A_1510 = arith.subi %sub3A_1509, %mul3A_1508 : i32
    %jit3A_1511 = arith.constant 256 : i32
    %div3A_1512 = arith.divsi %sub3A_1510, %jit3A_1511 : i32
    %sign3A_1513 = arith.constant 0 : i32
    %sign3A_1514 = arith.cmpi sgt, %sub3A_1510, %sign3A_1513 : i32
    %sign3A_1515 = arith.extui %sign3A_1514 : i1 to i32
    %sign3A_1516 = arith.constant 0 : i32
    %sign3A_1517 = arith.cmpi slt, %sub3A_1510, %sign3A_1516 : i32
    %sign3A_1518 = arith.extui %sign3A_1517 : i1 to i32
    %sign3A_1519 = arith.subi %sign3A_1515, %sign3A_1518 : i32
    %sign3A_1520 = arith.constant 0 : i32
    %sign3A_1521 = arith.cmpi sgt, %jit3A_1511, %sign3A_1520 : i32
    %sign3A_1522 = arith.extui %sign3A_1521 : i1 to i32
    %sign3A_1523 = arith.constant 0 : i32
    %sign3A_1524 = arith.cmpi slt, %jit3A_1511, %sign3A_1523 : i32
    %sign3A_1525 = arith.extui %sign3A_1524 : i1 to i32
    %sign3A_1526 = arith.subi %sign3A_1522, %sign3A_1525 : i32
    %ne3A_1527 = arith.cmpi ne, %sign3A_1519, %sign3A_1526 : i32
    %rem3A_1528 = arith.remsi %sub3A_1510, %jit3A_1511 : i32
    %ne3A_1529 = arith.constant 0 : i32
    %ne3A_1530 = arith.cmpi ne, %rem3A_1528, %ne3A_1529 : i32
    %and3A_1531 = arith.andi %ne3A_1527, %ne3A_1530 : i1
    %sub3A_1532 = arith.constant 1 : i32
    %sub3A_1533 = arith.subi %div3A_1512, %sub3A_1532 : i32
    %select_n3A_1534 = arith.select %and3A_1531, %sub3A_1533, %div3A_1512 : i32
    %while3A_1535 = arith.constant 0 : i32
    %while3A_1536 = arith.constant 0 : i32
    %while3A_1537 = arith.subi %select_n3A_1534, %while3A_1536 : i32
    %while3A_1538 = arith.addi %while3A_1536, %while3A_1537 : i32
    %while3A_1539 = arith.constant 1 : i32
    %while3A_1540 = arith.divsi %while3A_1537, %while3A_1539 : i32
    %while3A_1541 = arith.muli %while3A_1540, %while3A_1539 : i32
    %while3A_1542 = arith.addi %while3A_1536, %while3A_1541 : i32
    %while3A_1543 = arith.constant 1 : i32
    scf.for %while3A_1974 = %while3A_1536 to %while3A_1542 step %while3A_1543  : i32 {
      %add3A = arith.constant 1 : i32
      %add3A_1975 = arith.addi %while3A_1974, %add3A : i32
      %mul3A_1976 = arith.constant 256 : i32
      %mul3A_1977 = arith.muli %add3A_1975, %mul3A_1976 : i32
      %sub3A_1978 = arith.constant 10240 : i32
      %sub3A_1979 = arith.subi %sub3A_1978, %mul3A_1977 : i32
      %multiple_of3A = tpu.assume_multiple %sub3A_1979, 8 : i32
      %dma_wait3A = arith.constant 0 : i32
      %dma_wait3A_1980 = tpu.memref_slice %arg1[%multiple_of3A, %dma_wait3A] : memref<16384x1024xf32, #tpu.memory_space<any>> -> memref<256x1024xf32, #tpu.memory_space<any>>
      tpu.wait_dma2 semaphore(%arg3 : memref<!tpu.dma_semaphore, #tpu.memory_space<semaphore_mem>>) src(%arg2 : memref<256x1024xf32, #tpu.memory_space<vmem>>) dst(%dma_wait3A_1980 : memref<256x1024xf32, #tpu.memory_space<any>>)
    }
    %while3A_1544 = arith.constant 1 : i32
    scf.for %while3A_1974 = %while3A_1542 to %while3A_1538 step %while3A_1544  : i32 {
      %add3A = arith.constant 1 : i32
      %add3A_1975 = arith.addi %while3A_1974, %add3A : i32
      %mul3A_1976 = arith.constant 256 : i32
      %mul3A_1977 = arith.muli %add3A_1975, %mul3A_1976 : i32
      %sub3A_1978 = arith.constant 10240 : i32
      %sub3A_1979 = arith.subi %sub3A_1978, %mul3A_1977 : i32
      %multiple_of3A = tpu.assume_multiple %sub3A_1979, 8 : i32
      %dma_wait3A = arith.constant 0 : i32
      %dma_wait3A_1980 = tpu.memref_slice %arg1[%multiple_of3A, %dma_wait3A] : memref<16384x1024xf32, #tpu.memory_space<any>> -> memref<256x1024xf32, #tpu.memory_space<any>>
      tpu.wait_dma2 semaphore(%arg3 : memref<!tpu.dma_semaphore, #tpu.memory_space<semaphore_mem>>) src(%arg2 : memref<256x1024xf32, #tpu.memory_space<vmem>>) dst(%dma_wait3A_1980 : memref<256x1024xf32, #tpu.memory_space<any>>)
    }
    %mul3A_1545 = arith.constant 256 : i32
    %mul3A_1546 = arith.muli %select_n3A_1534, %mul3A_1545 : i32
    %sub3A_1547 = arith.constant 10240 : i32
    %sub3A_1548 = arith.subi %sub3A_1547, %mul3A_1546 : i32
    %mul3A_1549 = arith.constant 256 : i32
    %mul3A_1550 = arith.muli %select_n3A_1534, %mul3A_1549 : i32
    %sub3A_1551 = arith.subi %sub3A_1510, %mul3A_1550 : i32
    %and3A_1552 = arith.constant 128 : i32
    %and3A_1553 = arith.andi %sub3A_1551, %and3A_1552 : i32
    %ne3A_1554 = arith.constant 0 : i32
    %ne3A_1555 = arith.cmpi ne, %and3A_1553, %ne3A_1554 : i32
    %sub3A_1556 = arith.constant 128 : i32
    %sub3A_1557 = arith.subi %sub3A_1548, %sub3A_1556 : i32
    %select_n3A_1558 = arith.select %ne3A_1555, %sub3A_1557, %sub3A_1548 : i32
    %convert_element_type3A_1559 = arith.extui %ne3A_1555 : i1 to i32
    %cond3A_1560 = arith.constant 0 : i32
    %cond3A_1561 = arith.cmpi ne, %convert_element_type3A_1559, %cond3A_1560 : i32
    scf.if %cond3A_1561 {
      %multiple_of3A = tpu.assume_multiple %select_n3A_1558, 8 : i32
      %dma_wait3A = arith.constant 0 : i32
      %dma_wait3A_1974 = tpu.memref_slice %arg1[%multiple_of3A, %dma_wait3A] : memref<16384x1024xf32, #tpu.memory_space<any>> -> memref<128x1024xf32, #tpu.memory_space<any>>
      %dma_wait3A_1975 = arith.constant 0 : i32
      %dma_wait3A_1976 = arith.constant 0 : i32
      %dma_wait3A_1977 = tpu.memref_slice %arg2[%dma_wait3A_1975, %dma_wait3A_1976] : memref<256x1024xf32, #tpu.memory_space<vmem>> -> memref<128x1024xf32, #tpu.memory_space<vmem>>
      tpu.wait_dma2 semaphore(%arg3 : memref<!tpu.dma_semaphore, #tpu.memory_space<semaphore_mem>>) src(%dma_wait3A_1977 : memref<128x1024xf32, #tpu.memory_space<vmem>>) dst(%dma_wait3A_1974 : memref<128x1024xf32, #tpu.memory_space<any>>)
    } else {
    }
    %and3A_1562 = arith.constant 64 : i32
    %and3A_1563 = arith.andi %sub3A_1551, %and3A_1562 : i32
    %ne3A_1564 = arith.constant 0 : i32
    %ne3A_1565 = arith.cmpi ne, %and3A_1563, %ne3A_1564 : i32
    %sub3A_1566 = arith.constant 64 : i32
    %sub3A_1567 = arith.subi %select_n3A_1558, %sub3A_1566 : i32
    %select_n3A_1568 = arith.select %ne3A_1565, %sub3A_1567, %select_n3A_1558 : i32
    %convert_element_type3A_1569 = arith.extui %ne3A_1565 : i1 to i32
    %cond3A_1570 = arith.constant 0 : i32
    %cond3A_1571 = arith.cmpi ne, %convert_element_type3A_1569, %cond3A_1570 : i32
    scf.if %cond3A_1571 {
      %multiple_of3A = tpu.assume_multiple %select_n3A_1568, 8 : i32
      %dma_wait3A = arith.constant 0 : i32
      %dma_wait3A_1974 = tpu.memref_slice %arg1[%multiple_of3A, %dma_wait3A] : memref<16384x1024xf32, #tpu.memory_space<any>> -> memref<64x1024xf32, #tpu.memory_space<any>>
      %dma_wait3A_1975 = arith.constant 0 : i32
      %dma_wait3A_1976 = arith.constant 0 : i32
      %dma_wait3A_1977 = tpu.memref_slice %arg2[%dma_wait3A_1975, %dma_wait3A_1976] : memref<256x1024xf32, #tpu.memory_space<vmem>> -> memref<64x1024xf32, #tpu.memory_space<vmem>>
      tpu.wait_dma2 semaphore(%arg3 : memref<!tpu.dma_semaphore, #tpu.memory_space<semaphore_mem>>) src(%dma_wait3A_1977 : memref<64x1024xf32, #tpu.memory_space<vmem>>) dst(%dma_wait3A_1974 : memref<64x1024xf32, #tpu.memory_space<any>>)
    } else {
    }
    %and3A_1572 = arith.constant 32 : i32
    %and3A_1573 = arith.andi %sub3A_1551, %and3A_1572 : i32
    %ne3A_1574 = arith.constant 0 : i32
    %ne3A_1575 = arith.cmpi ne, %and3A_1573, %ne3A_1574 : i32
    %sub3A_1576 = arith.constant 32 : i32
    %sub3A_1577 = arith.subi %select_n3A_1568, %sub3A_1576 : i32
    %select_n3A_1578 = arith.select %ne3A_1575, %sub3A_1577, %select_n3A_1568 : i32
    %convert_element_type3A_1579 = arith.extui %ne3A_1575 : i1 to i32
    %cond3A_1580 = arith.constant 0 : i32
    %cond3A_1581 = arith.cmpi ne, %convert_element_type3A_1579, %cond3A_1580 : i32
    scf.if %cond3A_1581 {
      %multiple_of3A = tpu.assume_multiple %select_n3A_1578, 8 : i32
      %dma_wait3A = arith.constant 0 : i32
      %dma_wait3A_1974 = tpu.memref_slice %arg1[%multiple_of3A, %dma_wait3A] : memref<16384x1024xf32, #tpu.memory_space<any>> -> memref<32x1024xf32, #tpu.memory_space<any>>
      %dma_wait3A_1975 = arith.constant 0 : i32
      %dma_wait3A_1976 = arith.constant 0 : i32
      %dma_wait3A_1977 = tpu.memref_slice %arg2[%dma_wait3A_1975, %dma_wait3A_1976] : memref<256x1024xf32, #tpu.memory_space<vmem>> -> memref<32x1024xf32, #tpu.memory_space<vmem>>
      tpu.wait_dma2 semaphore(%arg3 : memref<!tpu.dma_semaphore, #tpu.memory_space<semaphore_mem>>) src(%dma_wait3A_1977 : memref<32x1024xf32, #tpu.memory_space<vmem>>) dst(%dma_wait3A_1974 : memref<32x1024xf32, #tpu.memory_space<any>>)
    } else {
    }
    %and3A_1582 = arith.constant 16 : i32
    %and3A_1583 = arith.andi %sub3A_1551, %and3A_1582 : i32
    %ne3A_1584 = arith.constant 0 : i32
    %ne3A_1585 = arith.cmpi ne, %and3A_1583, %ne3A_1584 : i32
    %sub3A_1586 = arith.constant 16 : i32
    %sub3A_1587 = arith.subi %select_n3A_1578, %sub3A_1586 : i32
    %select_n3A_1588 = arith.select %ne3A_1585, %sub3A_1587, %select_n3A_1578 : i32
    %convert_element_type3A_1589 = arith.extui %ne3A_1585 : i1 to i32
    %cond3A_1590 = arith.constant 0 : i32
    %cond3A_1591 = arith.cmpi ne, %convert_element_type3A_1589, %cond3A_1590 : i32
    scf.if %cond3A_1591 {
      %multiple_of3A = tpu.assume_multiple %select_n3A_1588, 8 : i32
      %dma_wait3A = arith.constant 0 : i32
      %dma_wait3A_1974 = tpu.memref_slice %arg1[%multiple_of3A, %dma_wait3A] : memref<16384x1024xf32, #tpu.memory_space<any>> -> memref<16x1024xf32, #tpu.memory_space<any>>
      %dma_wait3A_1975 = arith.constant 0 : i32
      %dma_wait3A_1976 = arith.constant 0 : i32
      %dma_wait3A_1977 = tpu.memref_slice %arg2[%dma_wait3A_1975, %dma_wait3A_1976] : memref<256x1024xf32, #tpu.memory_space<vmem>> -> memref<16x1024xf32, #tpu.memory_space<vmem>>
      tpu.wait_dma2 semaphore(%arg3 : memref<!tpu.dma_semaphore, #tpu.memory_space<semaphore_mem>>) src(%dma_wait3A_1977 : memref<16x1024xf32, #tpu.memory_space<vmem>>) dst(%dma_wait3A_1974 : memref<16x1024xf32, #tpu.memory_space<any>>)
    } else {
    }
    %and3A_1592 = arith.constant 8 : i32
    %and3A_1593 = arith.andi %sub3A_1551, %and3A_1592 : i32
    %ne3A_1594 = arith.constant 0 : i32
    %ne3A_1595 = arith.cmpi ne, %and3A_1593, %ne3A_1594 : i32
    %sub3A_1596 = arith.constant 8 : i32
    %sub3A_1597 = arith.subi %select_n3A_1588, %sub3A_1596 : i32
    %select_n3A_1598 = arith.select %ne3A_1595, %sub3A_1597, %select_n3A_1588 : i32
    %convert_element_type3A_1599 = arith.extui %ne3A_1595 : i1 to i32
    %cond3A_1600 = arith.constant 0 : i32
    %cond3A_1601 = arith.cmpi ne, %convert_element_type3A_1599, %cond3A_1600 : i32
    scf.if %cond3A_1601 {
      %multiple_of3A = tpu.assume_multiple %select_n3A_1598, 8 : i32
      %dma_wait3A = arith.constant 0 : i32
      %dma_wait3A_1974 = tpu.memref_slice %arg1[%multiple_of3A, %dma_wait3A] : memref<16384x1024xf32, #tpu.memory_space<any>> -> memref<8x1024xf32, #tpu.memory_space<any>>
      %dma_wait3A_1975 = arith.constant 0 : i32
      %dma_wait3A_1976 = arith.constant 0 : i32
      %dma_wait3A_1977 = tpu.memref_slice %arg2[%dma_wait3A_1975, %dma_wait3A_1976] : memref<256x1024xf32, #tpu.memory_space<vmem>> -> memref<8x1024xf32, #tpu.memory_space<vmem>>
      tpu.wait_dma2 semaphore(%arg3 : memref<!tpu.dma_semaphore, #tpu.memory_space<semaphore_mem>>) src(%dma_wait3A_1977 : memref<8x1024xf32, #tpu.memory_space<vmem>>) dst(%dma_wait3A_1974 : memref<8x1024xf32, #tpu.memory_space<any>>)
    } else {
    }
    %get3A_1602 = arith.constant 6 : index
    %get3A_1603 = memref.load %arg0[%get3A_1602] : memref<9xi32, #tpu.memory_space<smem>>
    %get3A_1604 = arith.constant 5 : index
    %get3A_1605 = memref.load %arg0[%get3A_1604] : memref<9xi32, #tpu.memory_space<smem>>
    %sub3A_1606 = arith.subi %get3A_1603, %get3A_1605 : i32
    %jit3A_1607 = arith.constant 8 : i32
    %div3A_1608 = arith.divsi %sub3A_1606, %jit3A_1607 : i32
    %sign3A_1609 = arith.constant 0 : i32
    %sign3A_1610 = arith.cmpi sgt, %sub3A_1606, %sign3A_1609 : i32
    %sign3A_1611 = arith.extui %sign3A_1610 : i1 to i32
    %sign3A_1612 = arith.constant 0 : i32
    %sign3A_1613 = arith.cmpi slt, %sub3A_1606, %sign3A_1612 : i32
    %sign3A_1614 = arith.extui %sign3A_1613 : i1 to i32
    %sign3A_1615 = arith.subi %sign3A_1611, %sign3A_1614 : i32
    %sign3A_1616 = arith.constant 0 : i32
    %sign3A_1617 = arith.cmpi sgt, %jit3A_1607, %sign3A_1616 : i32
    %sign3A_1618 = arith.extui %sign3A_1617 : i1 to i32
    %sign3A_1619 = arith.constant 0 : i32
    %sign3A_1620 = arith.cmpi slt, %jit3A_1607, %sign3A_1619 : i32
    %sign3A_1621 = arith.extui %sign3A_1620 : i1 to i32
    %sign3A_1622 = arith.subi %sign3A_1618, %sign3A_1621 : i32
    %ne3A_1623 = arith.cmpi ne, %sign3A_1615, %sign3A_1622 : i32
    %rem3A_1624 = arith.remsi %sub3A_1606, %jit3A_1607 : i32
    %ne3A_1625 = arith.constant 0 : i32
    %ne3A_1626 = arith.cmpi ne, %rem3A_1624, %ne3A_1625 : i32
    %and3A_1627 = arith.andi %ne3A_1623, %ne3A_1626 : i1
    %sub3A_1628 = arith.constant 1 : i32
    %sub3A_1629 = arith.subi %div3A_1608, %sub3A_1628 : i32
    %select_n3A_1630 = arith.select %and3A_1627, %sub3A_1629, %div3A_1608 : i32
    %mul3A_1631 = arith.constant 8 : i32
    %mul3A_1632 = arith.muli %select_n3A_1630, %mul3A_1631 : i32
    %sub3A_1633 = arith.constant 2048 : i32
    %sub3A_1634 = arith.subi %sub3A_1633, %mul3A_1632 : i32
    %jit3A_1635 = arith.constant 256 : i32
    %div3A_1636 = arith.divsi %sub3A_1634, %jit3A_1635 : i32
    %sign3A_1637 = arith.constant 0 : i32
    %sign3A_1638 = arith.cmpi sgt, %sub3A_1634, %sign3A_1637 : i32
    %sign3A_1639 = arith.extui %sign3A_1638 : i1 to i32
    %sign3A_1640 = arith.constant 0 : i32
    %sign3A_1641 = arith.cmpi slt, %sub3A_1634, %sign3A_1640 : i32
    %sign3A_1642 = arith.extui %sign3A_1641 : i1 to i32
    %sign3A_1643 = arith.subi %sign3A_1639, %sign3A_1642 : i32
    %sign3A_1644 = arith.constant 0 : i32
    %sign3A_1645 = arith.cmpi sgt, %jit3A_1635, %sign3A_1644 : i32
    %sign3A_1646 = arith.extui %sign3A_1645 : i1 to i32
    %sign3A_1647 = arith.constant 0 : i32
    %sign3A_1648 = arith.cmpi slt, %jit3A_1635, %sign3A_1647 : i32
    %sign3A_1649 = arith.extui %sign3A_1648 : i1 to i32
    %sign3A_1650 = arith.subi %sign3A_1646, %sign3A_1649 : i32
    %ne3A_1651 = arith.cmpi ne, %sign3A_1643, %sign3A_1650 : i32
    %rem3A_1652 = arith.remsi %sub3A_1634, %jit3A_1635 : i32
    %ne3A_1653 = arith.constant 0 : i32
    %ne3A_1654 = arith.cmpi ne, %rem3A_1652, %ne3A_1653 : i32
    %and3A_1655 = arith.andi %ne3A_1651, %ne3A_1654 : i1
    %sub3A_1656 = arith.constant 1 : i32
    %sub3A_1657 = arith.subi %div3A_1636, %sub3A_1656 : i32
    %select_n3A_1658 = arith.select %and3A_1655, %sub3A_1657, %div3A_1636 : i32
    %while3A_1659 = arith.constant 0 : i32
    %while3A_1660 = arith.constant 0 : i32
    %while3A_1661 = arith.subi %select_n3A_1658, %while3A_1660 : i32
    %while3A_1662 = arith.addi %while3A_1660, %while3A_1661 : i32
    %while3A_1663 = arith.constant 1 : i32
    %while3A_1664 = arith.divsi %while3A_1661, %while3A_1663 : i32
    %while3A_1665 = arith.muli %while3A_1664, %while3A_1663 : i32
    %while3A_1666 = arith.addi %while3A_1660, %while3A_1665 : i32
    %while3A_1667 = arith.constant 1 : i32
    scf.for %while3A_1974 = %while3A_1660 to %while3A_1666 step %while3A_1667  : i32 {
      %add3A = arith.constant 1 : i32
      %add3A_1975 = arith.addi %while3A_1974, %add3A : i32
      %mul3A_1976 = arith.constant 256 : i32
      %mul3A_1977 = arith.muli %add3A_1975, %mul3A_1976 : i32
      %sub3A_1978 = arith.constant 12288 : i32
      %sub3A_1979 = arith.subi %sub3A_1978, %mul3A_1977 : i32
      %multiple_of3A = tpu.assume_multiple %sub3A_1979, 8 : i32
      %dma_wait3A = arith.constant 0 : i32
      %dma_wait3A_1980 = tpu.memref_slice %arg1[%multiple_of3A, %dma_wait3A] : memref<16384x1024xf32, #tpu.memory_space<any>> -> memref<256x1024xf32, #tpu.memory_space<any>>
      tpu.wait_dma2 semaphore(%arg3 : memref<!tpu.dma_semaphore, #tpu.memory_space<semaphore_mem>>) src(%arg2 : memref<256x1024xf32, #tpu.memory_space<vmem>>) dst(%dma_wait3A_1980 : memref<256x1024xf32, #tpu.memory_space<any>>)
    }
    %while3A_1668 = arith.constant 1 : i32
    scf.for %while3A_1974 = %while3A_1666 to %while3A_1662 step %while3A_1668  : i32 {
      %add3A = arith.constant 1 : i32
      %add3A_1975 = arith.addi %while3A_1974, %add3A : i32
      %mul3A_1976 = arith.constant 256 : i32
      %mul3A_1977 = arith.muli %add3A_1975, %mul3A_1976 : i32
      %sub3A_1978 = arith.constant 12288 : i32
      %sub3A_1979 = arith.subi %sub3A_1978, %mul3A_1977 : i32
      %multiple_of3A = tpu.assume_multiple %sub3A_1979, 8 : i32
      %dma_wait3A = arith.constant 0 : i32
      %dma_wait3A_1980 = tpu.memref_slice %arg1[%multiple_of3A, %dma_wait3A] : memref<16384x1024xf32, #tpu.memory_space<any>> -> memref<256x1024xf32, #tpu.memory_space<any>>
      tpu.wait_dma2 semaphore(%arg3 : memref<!tpu.dma_semaphore, #tpu.memory_space<semaphore_mem>>) src(%arg2 : memref<256x1024xf32, #tpu.memory_space<vmem>>) dst(%dma_wait3A_1980 : memref<256x1024xf32, #tpu.memory_space<any>>)
    }
    %mul3A_1669 = arith.constant 256 : i32
    %mul3A_1670 = arith.muli %select_n3A_1658, %mul3A_1669 : i32
    %sub3A_1671 = arith.constant 12288 : i32
    %sub3A_1672 = arith.subi %sub3A_1671, %mul3A_1670 : i32
    %mul3A_1673 = arith.constant 256 : i32
    %mul3A_1674 = arith.muli %select_n3A_1658, %mul3A_1673 : i32
    %sub3A_1675 = arith.subi %sub3A_1634, %mul3A_1674 : i32
    %and3A_1676 = arith.constant 128 : i32
    %and3A_1677 = arith.andi %sub3A_1675, %and3A_1676 : i32
    %ne3A_1678 = arith.constant 0 : i32
    %ne3A_1679 = arith.cmpi ne, %and3A_1677, %ne3A_1678 : i32
    %sub3A_1680 = arith.constant 128 : i32
    %sub3A_1681 = arith.subi %sub3A_1672, %sub3A_1680 : i32
    %select_n3A_1682 = arith.select %ne3A_1679, %sub3A_1681, %sub3A_1672 : i32
    %convert_element_type3A_1683 = arith.extui %ne3A_1679 : i1 to i32
    %cond3A_1684 = arith.constant 0 : i32
    %cond3A_1685 = arith.cmpi ne, %convert_element_type3A_1683, %cond3A_1684 : i32
    scf.if %cond3A_1685 {
      %multiple_of3A = tpu.assume_multiple %select_n3A_1682, 8 : i32
      %dma_wait3A = arith.constant 0 : i32
      %dma_wait3A_1974 = tpu.memref_slice %arg1[%multiple_of3A, %dma_wait3A] : memref<16384x1024xf32, #tpu.memory_space<any>> -> memref<128x1024xf32, #tpu.memory_space<any>>
      %dma_wait3A_1975 = arith.constant 0 : i32
      %dma_wait3A_1976 = arith.constant 0 : i32
      %dma_wait3A_1977 = tpu.memref_slice %arg2[%dma_wait3A_1975, %dma_wait3A_1976] : memref<256x1024xf32, #tpu.memory_space<vmem>> -> memref<128x1024xf32, #tpu.memory_space<vmem>>
      tpu.wait_dma2 semaphore(%arg3 : memref<!tpu.dma_semaphore, #tpu.memory_space<semaphore_mem>>) src(%dma_wait3A_1977 : memref<128x1024xf32, #tpu.memory_space<vmem>>) dst(%dma_wait3A_1974 : memref<128x1024xf32, #tpu.memory_space<any>>)
    } else {
    }
    %and3A_1686 = arith.constant 64 : i32
    %and3A_1687 = arith.andi %sub3A_1675, %and3A_1686 : i32
    %ne3A_1688 = arith.constant 0 : i32
    %ne3A_1689 = arith.cmpi ne, %and3A_1687, %ne3A_1688 : i32
    %sub3A_1690 = arith.constant 64 : i32
    %sub3A_1691 = arith.subi %select_n3A_1682, %sub3A_1690 : i32
    %select_n3A_1692 = arith.select %ne3A_1689, %sub3A_1691, %select_n3A_1682 : i32
    %convert_element_type3A_1693 = arith.extui %ne3A_1689 : i1 to i32
    %cond3A_1694 = arith.constant 0 : i32
    %cond3A_1695 = arith.cmpi ne, %convert_element_type3A_1693, %cond3A_1694 : i32
    scf.if %cond3A_1695 {
      %multiple_of3A = tpu.assume_multiple %select_n3A_1692, 8 : i32
      %dma_wait3A = arith.constant 0 : i32
      %dma_wait3A_1974 = tpu.memref_slice %arg1[%multiple_of3A, %dma_wait3A] : memref<16384x1024xf32, #tpu.memory_space<any>> -> memref<64x1024xf32, #tpu.memory_space<any>>
      %dma_wait3A_1975 = arith.constant 0 : i32
      %dma_wait3A_1976 = arith.constant 0 : i32
      %dma_wait3A_1977 = tpu.memref_slice %arg2[%dma_wait3A_1975, %dma_wait3A_1976] : memref<256x1024xf32, #tpu.memory_space<vmem>> -> memref<64x1024xf32, #tpu.memory_space<vmem>>
      tpu.wait_dma2 semaphore(%arg3 : memref<!tpu.dma_semaphore, #tpu.memory_space<semaphore_mem>>) src(%dma_wait3A_1977 : memref<64x1024xf32, #tpu.memory_space<vmem>>) dst(%dma_wait3A_1974 : memref<64x1024xf32, #tpu.memory_space<any>>)
    } else {
    }
    %and3A_1696 = arith.constant 32 : i32
    %and3A_1697 = arith.andi %sub3A_1675, %and3A_1696 : i32
    %ne3A_1698 = arith.constant 0 : i32
    %ne3A_1699 = arith.cmpi ne, %and3A_1697, %ne3A_1698 : i32
    %sub3A_1700 = arith.constant 32 : i32
    %sub3A_1701 = arith.subi %select_n3A_1692, %sub3A_1700 : i32
    %select_n3A_1702 = arith.select %ne3A_1699, %sub3A_1701, %select_n3A_1692 : i32
    %convert_element_type3A_1703 = arith.extui %ne3A_1699 : i1 to i32
    %cond3A_1704 = arith.constant 0 : i32
    %cond3A_1705 = arith.cmpi ne, %convert_element_type3A_1703, %cond3A_1704 : i32
    scf.if %cond3A_1705 {
      %multiple_of3A = tpu.assume_multiple %select_n3A_1702, 8 : i32
      %dma_wait3A = arith.constant 0 : i32
      %dma_wait3A_1974 = tpu.memref_slice %arg1[%multiple_of3A, %dma_wait3A] : memref<16384x1024xf32, #tpu.memory_space<any>> -> memref<32x1024xf32, #tpu.memory_space<any>>
      %dma_wait3A_1975 = arith.constant 0 : i32
      %dma_wait3A_1976 = arith.constant 0 : i32
      %dma_wait3A_1977 = tpu.memref_slice %arg2[%dma_wait3A_1975, %dma_wait3A_1976] : memref<256x1024xf32, #tpu.memory_space<vmem>> -> memref<32x1024xf32, #tpu.memory_space<vmem>>
      tpu.wait_dma2 semaphore(%arg3 : memref<!tpu.dma_semaphore, #tpu.memory_space<semaphore_mem>>) src(%dma_wait3A_1977 : memref<32x1024xf32, #tpu.memory_space<vmem>>) dst(%dma_wait3A_1974 : memref<32x1024xf32, #tpu.memory_space<any>>)
    } else {
    }
    %and3A_1706 = arith.constant 16 : i32
    %and3A_1707 = arith.andi %sub3A_1675, %and3A_1706 : i32
    %ne3A_1708 = arith.constant 0 : i32
    %ne3A_1709 = arith.cmpi ne, %and3A_1707, %ne3A_1708 : i32
    %sub3A_1710 = arith.constant 16 : i32
    %sub3A_1711 = arith.subi %select_n3A_1702, %sub3A_1710 : i32
    %select_n3A_1712 = arith.select %ne3A_1709, %sub3A_1711, %select_n3A_1702 : i32
    %convert_element_type3A_1713 = arith.extui %ne3A_1709 : i1 to i32
    %cond3A_1714 = arith.constant 0 : i32
    %cond3A_1715 = arith.cmpi ne, %convert_element_type3A_1713, %cond3A_1714 : i32
    scf.if %cond3A_1715 {
      %multiple_of3A = tpu.assume_multiple %select_n3A_1712, 8 : i32
      %dma_wait3A = arith.constant 0 : i32
      %dma_wait3A_1974 = tpu.memref_slice %arg1[%multiple_of3A, %dma_wait3A] : memref<16384x1024xf32, #tpu.memory_space<any>> -> memref<16x1024xf32, #tpu.memory_space<any>>
      %dma_wait3A_1975 = arith.constant 0 : i32
      %dma_wait3A_1976 = arith.constant 0 : i32
      %dma_wait3A_1977 = tpu.memref_slice %arg2[%dma_wait3A_1975, %dma_wait3A_1976] : memref<256x1024xf32, #tpu.memory_space<vmem>> -> memref<16x1024xf32, #tpu.memory_space<vmem>>
      tpu.wait_dma2 semaphore(%arg3 : memref<!tpu.dma_semaphore, #tpu.memory_space<semaphore_mem>>) src(%dma_wait3A_1977 : memref<16x1024xf32, #tpu.memory_space<vmem>>) dst(%dma_wait3A_1974 : memref<16x1024xf32, #tpu.memory_space<any>>)
    } else {
    }
    %and3A_1716 = arith.constant 8 : i32
    %and3A_1717 = arith.andi %sub3A_1675, %and3A_1716 : i32
    %ne3A_1718 = arith.constant 0 : i32
    %ne3A_1719 = arith.cmpi ne, %and3A_1717, %ne3A_1718 : i32
    %sub3A_1720 = arith.constant 8 : i32
    %sub3A_1721 = arith.subi %select_n3A_1712, %sub3A_1720 : i32
    %select_n3A_1722 = arith.select %ne3A_1719, %sub3A_1721, %select_n3A_1712 : i32
    %convert_element_type3A_1723 = arith.extui %ne3A_1719 : i1 to i32
    %cond3A_1724 = arith.constant 0 : i32
    %cond3A_1725 = arith.cmpi ne, %convert_element_type3A_1723, %cond3A_1724 : i32
    scf.if %cond3A_1725 {
      %multiple_of3A = tpu.assume_multiple %select_n3A_1722, 8 : i32
      %dma_wait3A = arith.constant 0 : i32
      %dma_wait3A_1974 = tpu.memref_slice %arg1[%multiple_of3A, %dma_wait3A] : memref<16384x1024xf32, #tpu.memory_space<any>> -> memref<8x1024xf32, #tpu.memory_space<any>>
      %dma_wait3A_1975 = arith.constant 0 : i32
      %dma_wait3A_1976 = arith.constant 0 : i32
      %dma_wait3A_1977 = tpu.memref_slice %arg2[%dma_wait3A_1975, %dma_wait3A_1976] : memref<256x1024xf32, #tpu.memory_space<vmem>> -> memref<8x1024xf32, #tpu.memory_space<vmem>>
      tpu.wait_dma2 semaphore(%arg3 : memref<!tpu.dma_semaphore, #tpu.memory_space<semaphore_mem>>) src(%dma_wait3A_1977 : memref<8x1024xf32, #tpu.memory_space<vmem>>) dst(%dma_wait3A_1974 : memref<8x1024xf32, #tpu.memory_space<any>>)
    } else {
    }
    %get3A_1726 = arith.constant 7 : index
    %get3A_1727 = memref.load %arg0[%get3A_1726] : memref<9xi32, #tpu.memory_space<smem>>
    %get3A_1728 = arith.constant 6 : index
    %get3A_1729 = memref.load %arg0[%get3A_1728] : memref<9xi32, #tpu.memory_space<smem>>
    %sub3A_1730 = arith.subi %get3A_1727, %get3A_1729 : i32
    %jit3A_1731 = arith.constant 8 : i32
    %div3A_1732 = arith.divsi %sub3A_1730, %jit3A_1731 : i32
    %sign3A_1733 = arith.constant 0 : i32
    %sign3A_1734 = arith.cmpi sgt, %sub3A_1730, %sign3A_1733 : i32
    %sign3A_1735 = arith.extui %sign3A_1734 : i1 to i32
    %sign3A_1736 = arith.constant 0 : i32
    %sign3A_1737 = arith.cmpi slt, %sub3A_1730, %sign3A_1736 : i32
    %sign3A_1738 = arith.extui %sign3A_1737 : i1 to i32
    %sign3A_1739 = arith.subi %sign3A_1735, %sign3A_1738 : i32
    %sign3A_1740 = arith.constant 0 : i32
    %sign3A_1741 = arith.cmpi sgt, %jit3A_1731, %sign3A_1740 : i32
    %sign3A_1742 = arith.extui %sign3A_1741 : i1 to i32
    %sign3A_1743 = arith.constant 0 : i32
    %sign3A_1744 = arith.cmpi slt, %jit3A_1731, %sign3A_1743 : i32
    %sign3A_1745 = arith.extui %sign3A_1744 : i1 to i32
    %sign3A_1746 = arith.subi %sign3A_1742, %sign3A_1745 : i32
    %ne3A_1747 = arith.cmpi ne, %sign3A_1739, %sign3A_1746 : i32
    %rem3A_1748 = arith.remsi %sub3A_1730, %jit3A_1731 : i32
    %ne3A_1749 = arith.constant 0 : i32
    %ne3A_1750 = arith.cmpi ne, %rem3A_1748, %ne3A_1749 : i32
    %and3A_1751 = arith.andi %ne3A_1747, %ne3A_1750 : i1
    %sub3A_1752 = arith.constant 1 : i32
    %sub3A_1753 = arith.subi %div3A_1732, %sub3A_1752 : i32
    %select_n3A_1754 = arith.select %and3A_1751, %sub3A_1753, %div3A_1732 : i32
    %mul3A_1755 = arith.constant 8 : i32
    %mul3A_1756 = arith.muli %select_n3A_1754, %mul3A_1755 : i32
    %sub3A_1757 = arith.constant 2048 : i32
    %sub3A_1758 = arith.subi %sub3A_1757, %mul3A_1756 : i32
    %jit3A_1759 = arith.constant 256 : i32
    %div3A_1760 = arith.divsi %sub3A_1758, %jit3A_1759 : i32
    %sign3A_1761 = arith.constant 0 : i32
    %sign3A_1762 = arith.cmpi sgt, %sub3A_1758, %sign3A_1761 : i32
    %sign3A_1763 = arith.extui %sign3A_1762 : i1 to i32
    %sign3A_1764 = arith.constant 0 : i32
    %sign3A_1765 = arith.cmpi slt, %sub3A_1758, %sign3A_1764 : i32
    %sign3A_1766 = arith.extui %sign3A_1765 : i1 to i32
    %sign3A_1767 = arith.subi %sign3A_1763, %sign3A_1766 : i32
    %sign3A_1768 = arith.constant 0 : i32
    %sign3A_1769 = arith.cmpi sgt, %jit3A_1759, %sign3A_1768 : i32
    %sign3A_1770 = arith.extui %sign3A_1769 : i1 to i32
    %sign3A_1771 = arith.constant 0 : i32
    %sign3A_1772 = arith.cmpi slt, %jit3A_1759, %sign3A_1771 : i32
    %sign3A_1773 = arith.extui %sign3A_1772 : i1 to i32
    %sign3A_1774 = arith.subi %sign3A_1770, %sign3A_1773 : i32
    %ne3A_1775 = arith.cmpi ne, %sign3A_1767, %sign3A_1774 : i32
    %rem3A_1776 = arith.remsi %sub3A_1758, %jit3A_1759 : i32
    %ne3A_1777 = arith.constant 0 : i32
    %ne3A_1778 = arith.cmpi ne, %rem3A_1776, %ne3A_1777 : i32
    %and3A_1779 = arith.andi %ne3A_1775, %ne3A_1778 : i1
    %sub3A_1780 = arith.constant 1 : i32
    %sub3A_1781 = arith.subi %div3A_1760, %sub3A_1780 : i32
    %select_n3A_1782 = arith.select %and3A_1779, %sub3A_1781, %div3A_1760 : i32
    %while3A_1783 = arith.constant 0 : i32
    %while3A_1784 = arith.constant 0 : i32
    %while3A_1785 = arith.subi %select_n3A_1782, %while3A_1784 : i32
    %while3A_1786 = arith.addi %while3A_1784, %while3A_1785 : i32
    %while3A_1787 = arith.constant 1 : i32
    %while3A_1788 = arith.divsi %while3A_1785, %while3A_1787 : i32
    %while3A_1789 = arith.muli %while3A_1788, %while3A_1787 : i32
    %while3A_1790 = arith.addi %while3A_1784, %while3A_1789 : i32
    %while3A_1791 = arith.constant 1 : i32
    scf.for %while3A_1974 = %while3A_1784 to %while3A_1790 step %while3A_1791  : i32 {
      %add3A = arith.constant 1 : i32
      %add3A_1975 = arith.addi %while3A_1974, %add3A : i32
      %mul3A_1976 = arith.constant 256 : i32
      %mul3A_1977 = arith.muli %add3A_1975, %mul3A_1976 : i32
      %sub3A_1978 = arith.constant 14336 : i32
      %sub3A_1979 = arith.subi %sub3A_1978, %mul3A_1977 : i32
      %multiple_of3A = tpu.assume_multiple %sub3A_1979, 8 : i32
      %dma_wait3A = arith.constant 0 : i32
      %dma_wait3A_1980 = tpu.memref_slice %arg1[%multiple_of3A, %dma_wait3A] : memref<16384x1024xf32, #tpu.memory_space<any>> -> memref<256x1024xf32, #tpu.memory_space<any>>
      tpu.wait_dma2 semaphore(%arg3 : memref<!tpu.dma_semaphore, #tpu.memory_space<semaphore_mem>>) src(%arg2 : memref<256x1024xf32, #tpu.memory_space<vmem>>) dst(%dma_wait3A_1980 : memref<256x1024xf32, #tpu.memory_space<any>>)
    }
    %while3A_1792 = arith.constant 1 : i32
    scf.for %while3A_1974 = %while3A_1790 to %while3A_1786 step %while3A_1792  : i32 {
      %add3A = arith.constant 1 : i32
      %add3A_1975 = arith.addi %while3A_1974, %add3A : i32
      %mul3A_1976 = arith.constant 256 : i32
      %mul3A_1977 = arith.muli %add3A_1975, %mul3A_1976 : i32
      %sub3A_1978 = arith.constant 14336 : i32
      %sub3A_1979 = arith.subi %sub3A_1978, %mul3A_1977 : i32
      %multiple_of3A = tpu.assume_multiple %sub3A_1979, 8 : i32
      %dma_wait3A = arith.constant 0 : i32
      %dma_wait3A_1980 = tpu.memref_slice %arg1[%multiple_of3A, %dma_wait3A] : memref<16384x1024xf32, #tpu.memory_space<any>> -> memref<256x1024xf32, #tpu.memory_space<any>>
      tpu.wait_dma2 semaphore(%arg3 : memref<!tpu.dma_semaphore, #tpu.memory_space<semaphore_mem>>) src(%arg2 : memref<256x1024xf32, #tpu.memory_space<vmem>>) dst(%dma_wait3A_1980 : memref<256x1024xf32, #tpu.memory_space<any>>)
    }
    %mul3A_1793 = arith.constant 256 : i32
    %mul3A_1794 = arith.muli %select_n3A_1782, %mul3A_1793 : i32
    %sub3A_1795 = arith.constant 14336 : i32
    %sub3A_1796 = arith.subi %sub3A_1795, %mul3A_1794 : i32
    %mul3A_1797 = arith.constant 256 : i32
    %mul3A_1798 = arith.muli %select_n3A_1782, %mul3A_1797 : i32
    %sub3A_1799 = arith.subi %sub3A_1758, %mul3A_1798 : i32
    %and3A_1800 = arith.constant 128 : i32
    %and3A_1801 = arith.andi %sub3A_1799, %and3A_1800 : i32
    %ne3A_1802 = arith.constant 0 : i32
    %ne3A_1803 = arith.cmpi ne, %and3A_1801, %ne3A_1802 : i32
    %sub3A_1804 = arith.constant 128 : i32
    %sub3A_1805 = arith.subi %sub3A_1796, %sub3A_1804 : i32
    %select_n3A_1806 = arith.select %ne3A_1803, %sub3A_1805, %sub3A_1796 : i32
    %convert_element_type3A_1807 = arith.extui %ne3A_1803 : i1 to i32
    %cond3A_1808 = arith.constant 0 : i32
    %cond3A_1809 = arith.cmpi ne, %convert_element_type3A_1807, %cond3A_1808 : i32
    scf.if %cond3A_1809 {
      %multiple_of3A = tpu.assume_multiple %select_n3A_1806, 8 : i32
      %dma_wait3A = arith.constant 0 : i32
      %dma_wait3A_1974 = tpu.memref_slice %arg1[%multiple_of3A, %dma_wait3A] : memref<16384x1024xf32, #tpu.memory_space<any>> -> memref<128x1024xf32, #tpu.memory_space<any>>
      %dma_wait3A_1975 = arith.constant 0 : i32
      %dma_wait3A_1976 = arith.constant 0 : i32
      %dma_wait3A_1977 = tpu.memref_slice %arg2[%dma_wait3A_1975, %dma_wait3A_1976] : memref<256x1024xf32, #tpu.memory_space<vmem>> -> memref<128x1024xf32, #tpu.memory_space<vmem>>
      tpu.wait_dma2 semaphore(%arg3 : memref<!tpu.dma_semaphore, #tpu.memory_space<semaphore_mem>>) src(%dma_wait3A_1977 : memref<128x1024xf32, #tpu.memory_space<vmem>>) dst(%dma_wait3A_1974 : memref<128x1024xf32, #tpu.memory_space<any>>)
    } else {
    }
    %and3A_1810 = arith.constant 64 : i32
    %and3A_1811 = arith.andi %sub3A_1799, %and3A_1810 : i32
    %ne3A_1812 = arith.constant 0 : i32
    %ne3A_1813 = arith.cmpi ne, %and3A_1811, %ne3A_1812 : i32
    %sub3A_1814 = arith.constant 64 : i32
    %sub3A_1815 = arith.subi %select_n3A_1806, %sub3A_1814 : i32
    %select_n3A_1816 = arith.select %ne3A_1813, %sub3A_1815, %select_n3A_1806 : i32
    %convert_element_type3A_1817 = arith.extui %ne3A_1813 : i1 to i32
    %cond3A_1818 = arith.constant 0 : i32
    %cond3A_1819 = arith.cmpi ne, %convert_element_type3A_1817, %cond3A_1818 : i32
    scf.if %cond3A_1819 {
      %multiple_of3A = tpu.assume_multiple %select_n3A_1816, 8 : i32
      %dma_wait3A = arith.constant 0 : i32
      %dma_wait3A_1974 = tpu.memref_slice %arg1[%multiple_of3A, %dma_wait3A] : memref<16384x1024xf32, #tpu.memory_space<any>> -> memref<64x1024xf32, #tpu.memory_space<any>>
      %dma_wait3A_1975 = arith.constant 0 : i32
      %dma_wait3A_1976 = arith.constant 0 : i32
      %dma_wait3A_1977 = tpu.memref_slice %arg2[%dma_wait3A_1975, %dma_wait3A_1976] : memref<256x1024xf32, #tpu.memory_space<vmem>> -> memref<64x1024xf32, #tpu.memory_space<vmem>>
      tpu.wait_dma2 semaphore(%arg3 : memref<!tpu.dma_semaphore, #tpu.memory_space<semaphore_mem>>) src(%dma_wait3A_1977 : memref<64x1024xf32, #tpu.memory_space<vmem>>) dst(%dma_wait3A_1974 : memref<64x1024xf32, #tpu.memory_space<any>>)
    } else {
    }
    %and3A_1820 = arith.constant 32 : i32
    %and3A_1821 = arith.andi %sub3A_1799, %and3A_1820 : i32
    %ne3A_1822 = arith.constant 0 : i32
    %ne3A_1823 = arith.cmpi ne, %and3A_1821, %ne3A_1822 : i32
    %sub3A_1824 = arith.constant 32 : i32
    %sub3A_1825 = arith.subi %select_n3A_1816, %sub3A_1824 : i32
    %select_n3A_1826 = arith.select %ne3A_1823, %sub3A_1825, %select_n3A_1816 : i32
    %convert_element_type3A_1827 = arith.extui %ne3A_1823 : i1 to i32
    %cond3A_1828 = arith.constant 0 : i32
    %cond3A_1829 = arith.cmpi ne, %convert_element_type3A_1827, %cond3A_1828 : i32
    scf.if %cond3A_1829 {
      %multiple_of3A = tpu.assume_multiple %select_n3A_1826, 8 : i32
      %dma_wait3A = arith.constant 0 : i32
      %dma_wait3A_1974 = tpu.memref_slice %arg1[%multiple_of3A, %dma_wait3A] : memref<16384x1024xf32, #tpu.memory_space<any>> -> memref<32x1024xf32, #tpu.memory_space<any>>
      %dma_wait3A_1975 = arith.constant 0 : i32
      %dma_wait3A_1976 = arith.constant 0 : i32
      %dma_wait3A_1977 = tpu.memref_slice %arg2[%dma_wait3A_1975, %dma_wait3A_1976] : memref<256x1024xf32, #tpu.memory_space<vmem>> -> memref<32x1024xf32, #tpu.memory_space<vmem>>
      tpu.wait_dma2 semaphore(%arg3 : memref<!tpu.dma_semaphore, #tpu.memory_space<semaphore_mem>>) src(%dma_wait3A_1977 : memref<32x1024xf32, #tpu.memory_space<vmem>>) dst(%dma_wait3A_1974 : memref<32x1024xf32, #tpu.memory_space<any>>)
    } else {
    }
    %and3A_1830 = arith.constant 16 : i32
    %and3A_1831 = arith.andi %sub3A_1799, %and3A_1830 : i32
    %ne3A_1832 = arith.constant 0 : i32
    %ne3A_1833 = arith.cmpi ne, %and3A_1831, %ne3A_1832 : i32
    %sub3A_1834 = arith.constant 16 : i32
    %sub3A_1835 = arith.subi %select_n3A_1826, %sub3A_1834 : i32
    %select_n3A_1836 = arith.select %ne3A_1833, %sub3A_1835, %select_n3A_1826 : i32
    %convert_element_type3A_1837 = arith.extui %ne3A_1833 : i1 to i32
    %cond3A_1838 = arith.constant 0 : i32
    %cond3A_1839 = arith.cmpi ne, %convert_element_type3A_1837, %cond3A_1838 : i32
    scf.if %cond3A_1839 {
      %multiple_of3A = tpu.assume_multiple %select_n3A_1836, 8 : i32
      %dma_wait3A = arith.constant 0 : i32
      %dma_wait3A_1974 = tpu.memref_slice %arg1[%multiple_of3A, %dma_wait3A] : memref<16384x1024xf32, #tpu.memory_space<any>> -> memref<16x1024xf32, #tpu.memory_space<any>>
      %dma_wait3A_1975 = arith.constant 0 : i32
      %dma_wait3A_1976 = arith.constant 0 : i32
      %dma_wait3A_1977 = tpu.memref_slice %arg2[%dma_wait3A_1975, %dma_wait3A_1976] : memref<256x1024xf32, #tpu.memory_space<vmem>> -> memref<16x1024xf32, #tpu.memory_space<vmem>>
      tpu.wait_dma2 semaphore(%arg3 : memref<!tpu.dma_semaphore, #tpu.memory_space<semaphore_mem>>) src(%dma_wait3A_1977 : memref<16x1024xf32, #tpu.memory_space<vmem>>) dst(%dma_wait3A_1974 : memref<16x1024xf32, #tpu.memory_space<any>>)
    } else {
    }
    %and3A_1840 = arith.constant 8 : i32
    %and3A_1841 = arith.andi %sub3A_1799, %and3A_1840 : i32
    %ne3A_1842 = arith.constant 0 : i32
    %ne3A_1843 = arith.cmpi ne, %and3A_1841, %ne3A_1842 : i32
    %sub3A_1844 = arith.constant 8 : i32
    %sub3A_1845 = arith.subi %select_n3A_1836, %sub3A_1844 : i32
    %select_n3A_1846 = arith.select %ne3A_1843, %sub3A_1845, %select_n3A_1836 : i32
    %convert_element_type3A_1847 = arith.extui %ne3A_1843 : i1 to i32
    %cond3A_1848 = arith.constant 0 : i32
    %cond3A_1849 = arith.cmpi ne, %convert_element_type3A_1847, %cond3A_1848 : i32
    scf.if %cond3A_1849 {
      %multiple_of3A = tpu.assume_multiple %select_n3A_1846, 8 : i32
      %dma_wait3A = arith.constant 0 : i32
      %dma_wait3A_1974 = tpu.memref_slice %arg1[%multiple_of3A, %dma_wait3A] : memref<16384x1024xf32, #tpu.memory_space<any>> -> memref<8x1024xf32, #tpu.memory_space<any>>
      %dma_wait3A_1975 = arith.constant 0 : i32
      %dma_wait3A_1976 = arith.constant 0 : i32
      %dma_wait3A_1977 = tpu.memref_slice %arg2[%dma_wait3A_1975, %dma_wait3A_1976] : memref<256x1024xf32, #tpu.memory_space<vmem>> -> memref<8x1024xf32, #tpu.memory_space<vmem>>
      tpu.wait_dma2 semaphore(%arg3 : memref<!tpu.dma_semaphore, #tpu.memory_space<semaphore_mem>>) src(%dma_wait3A_1977 : memref<8x1024xf32, #tpu.memory_space<vmem>>) dst(%dma_wait3A_1974 : memref<8x1024xf32, #tpu.memory_space<any>>)
    } else {
    }
    %get3A_1850 = arith.constant 8 : index
    %get3A_1851 = memref.load %arg0[%get3A_1850] : memref<9xi32, #tpu.memory_space<smem>>
    %get3A_1852 = arith.constant 7 : index
    %get3A_1853 = memref.load %arg0[%get3A_1852] : memref<9xi32, #tpu.memory_space<smem>>
    %sub3A_1854 = arith.subi %get3A_1851, %get3A_1853 : i32
    %jit3A_1855 = arith.constant 8 : i32
    %div3A_1856 = arith.divsi %sub3A_1854, %jit3A_1855 : i32
    %sign3A_1857 = arith.constant 0 : i32
    %sign3A_1858 = arith.cmpi sgt, %sub3A_1854, %sign3A_1857 : i32
    %sign3A_1859 = arith.extui %sign3A_1858 : i1 to i32
    %sign3A_1860 = arith.constant 0 : i32
    %sign3A_1861 = arith.cmpi slt, %sub3A_1854, %sign3A_1860 : i32
    %sign3A_1862 = arith.extui %sign3A_1861 : i1 to i32
    %sign3A_1863 = arith.subi %sign3A_1859, %sign3A_1862 : i32
    %sign3A_1864 = arith.constant 0 : i32
    %sign3A_1865 = arith.cmpi sgt, %jit3A_1855, %sign3A_1864 : i32
    %sign3A_1866 = arith.extui %sign3A_1865 : i1 to i32
    %sign3A_1867 = arith.constant 0 : i32
    %sign3A_1868 = arith.cmpi slt, %jit3A_1855, %sign3A_1867 : i32
    %sign3A_1869 = arith.extui %sign3A_1868 : i1 to i32
    %sign3A_1870 = arith.subi %sign3A_1866, %sign3A_1869 : i32
    %ne3A_1871 = arith.cmpi ne, %sign3A_1863, %sign3A_1870 : i32
    %rem3A_1872 = arith.remsi %sub3A_1854, %jit3A_1855 : i32
    %ne3A_1873 = arith.constant 0 : i32
    %ne3A_1874 = arith.cmpi ne, %rem3A_1872, %ne3A_1873 : i32
    %and3A_1875 = arith.andi %ne3A_1871, %ne3A_1874 : i1
    %sub3A_1876 = arith.constant 1 : i32
    %sub3A_1877 = arith.subi %div3A_1856, %sub3A_1876 : i32
    %select_n3A_1878 = arith.select %and3A_1875, %sub3A_1877, %div3A_1856 : i32
    %mul3A_1879 = arith.constant 8 : i32
    %mul3A_1880 = arith.muli %select_n3A_1878, %mul3A_1879 : i32
    %sub3A_1881 = arith.constant 2048 : i32
    %sub3A_1882 = arith.subi %sub3A_1881, %mul3A_1880 : i32
    %jit3A_1883 = arith.constant 256 : i32
    %div3A_1884 = arith.divsi %sub3A_1882, %jit3A_1883 : i32
    %sign3A_1885 = arith.constant 0 : i32
    %sign3A_1886 = arith.cmpi sgt, %sub3A_1882, %sign3A_1885 : i32
    %sign3A_1887 = arith.extui %sign3A_1886 : i1 to i32
    %sign3A_1888 = arith.constant 0 : i32
    %sign3A_1889 = arith.cmpi slt, %sub3A_1882, %sign3A_1888 : i32
    %sign3A_1890 = arith.extui %sign3A_1889 : i1 to i32
    %sign3A_1891 = arith.subi %sign3A_1887, %sign3A_1890 : i32
    %sign3A_1892 = arith.constant 0 : i32
    %sign3A_1893 = arith.cmpi sgt, %jit3A_1883, %sign3A_1892 : i32
    %sign3A_1894 = arith.extui %sign3A_1893 : i1 to i32
    %sign3A_1895 = arith.constant 0 : i32
    %sign3A_1896 = arith.cmpi slt, %jit3A_1883, %sign3A_1895 : i32
    %sign3A_1897 = arith.extui %sign3A_1896 : i1 to i32
    %sign3A_1898 = arith.subi %sign3A_1894, %sign3A_1897 : i32
    %ne3A_1899 = arith.cmpi ne, %sign3A_1891, %sign3A_1898 : i32
    %rem3A_1900 = arith.remsi %sub3A_1882, %jit3A_1883 : i32
    %ne3A_1901 = arith.constant 0 : i32
    %ne3A_1902 = arith.cmpi ne, %rem3A_1900, %ne3A_1901 : i32
    %and3A_1903 = arith.andi %ne3A_1899, %ne3A_1902 : i1
    %sub3A_1904 = arith.constant 1 : i32
    %sub3A_1905 = arith.subi %div3A_1884, %sub3A_1904 : i32
    %select_n3A_1906 = arith.select %and3A_1903, %sub3A_1905, %div3A_1884 : i32
    %while3A_1907 = arith.constant 0 : i32
    %while3A_1908 = arith.constant 0 : i32
    %while3A_1909 = arith.subi %select_n3A_1906, %while3A_1908 : i32
    %while3A_1910 = arith.addi %while3A_1908, %while3A_1909 : i32
    %while3A_1911 = arith.constant 1 : i32
    %while3A_1912 = arith.divsi %while3A_1909, %while3A_1911 : i32
    %while3A_1913 = arith.muli %while3A_1912, %while3A_1911 : i32
    %while3A_1914 = arith.addi %while3A_1908, %while3A_1913 : i32
    %while3A_1915 = arith.constant 1 : i32
    scf.for %while3A_1974 = %while3A_1908 to %while3A_1914 step %while3A_1915  : i32 {
      %add3A = arith.constant 1 : i32
      %add3A_1975 = arith.addi %while3A_1974, %add3A : i32
      %mul3A_1976 = arith.constant 256 : i32
      %mul3A_1977 = arith.muli %add3A_1975, %mul3A_1976 : i32
      %sub3A_1978 = arith.constant 16384 : i32
      %sub3A_1979 = arith.subi %sub3A_1978, %mul3A_1977 : i32
      %multiple_of3A = tpu.assume_multiple %sub3A_1979, 8 : i32
      %dma_wait3A = arith.constant 0 : i32
      %dma_wait3A_1980 = tpu.memref_slice %arg1[%multiple_of3A, %dma_wait3A] : memref<16384x1024xf32, #tpu.memory_space<any>> -> memref<256x1024xf32, #tpu.memory_space<any>>
      tpu.wait_dma2 semaphore(%arg3 : memref<!tpu.dma_semaphore, #tpu.memory_space<semaphore_mem>>) src(%arg2 : memref<256x1024xf32, #tpu.memory_space<vmem>>) dst(%dma_wait3A_1980 : memref<256x1024xf32, #tpu.memory_space<any>>)
    }
    %while3A_1916 = arith.constant 1 : i32
    scf.for %while3A_1974 = %while3A_1914 to %while3A_1910 step %while3A_1916  : i32 {
      %add3A = arith.constant 1 : i32
      %add3A_1975 = arith.addi %while3A_1974, %add3A : i32
      %mul3A_1976 = arith.constant 256 : i32
      %mul3A_1977 = arith.muli %add3A_1975, %mul3A_1976 : i32
      %sub3A_1978 = arith.constant 16384 : i32
      %sub3A_1979 = arith.subi %sub3A_1978, %mul3A_1977 : i32
      %multiple_of3A = tpu.assume_multiple %sub3A_1979, 8 : i32
      %dma_wait3A = arith.constant 0 : i32
      %dma_wait3A_1980 = tpu.memref_slice %arg1[%multiple_of3A, %dma_wait3A] : memref<16384x1024xf32, #tpu.memory_space<any>> -> memref<256x1024xf32, #tpu.memory_space<any>>
      tpu.wait_dma2 semaphore(%arg3 : memref<!tpu.dma_semaphore, #tpu.memory_space<semaphore_mem>>) src(%arg2 : memref<256x1024xf32, #tpu.memory_space<vmem>>) dst(%dma_wait3A_1980 : memref<256x1024xf32, #tpu.memory_space<any>>)
    }
    %mul3A_1917 = arith.constant 256 : i32
    %mul3A_1918 = arith.muli %select_n3A_1906, %mul3A_1917 : i32
    %sub3A_1919 = arith.constant 16384 : i32
    %sub3A_1920 = arith.subi %sub3A_1919, %mul3A_1918 : i32
    %mul3A_1921 = arith.constant 256 : i32
    %mul3A_1922 = arith.muli %select_n3A_1906, %mul3A_1921 : i32
    %sub3A_1923 = arith.subi %sub3A_1882, %mul3A_1922 : i32
    %and3A_1924 = arith.constant 128 : i32
    %and3A_1925 = arith.andi %sub3A_1923, %and3A_1924 : i32
    %ne3A_1926 = arith.constant 0 : i32
    %ne3A_1927 = arith.cmpi ne, %and3A_1925, %ne3A_1926 : i32
    %sub3A_1928 = arith.constant 128 : i32
    %sub3A_1929 = arith.subi %sub3A_1920, %sub3A_1928 : i32
    %select_n3A_1930 = arith.select %ne3A_1927, %sub3A_1929, %sub3A_1920 : i32
    %convert_element_type3A_1931 = arith.extui %ne3A_1927 : i1 to i32
    %cond3A_1932 = arith.constant 0 : i32
    %cond3A_1933 = arith.cmpi ne, %convert_element_type3A_1931, %cond3A_1932 : i32
    scf.if %cond3A_1933 {
      %multiple_of3A = tpu.assume_multiple %select_n3A_1930, 8 : i32
      %dma_wait3A = arith.constant 0 : i32
      %dma_wait3A_1974 = tpu.memref_slice %arg1[%multiple_of3A, %dma_wait3A] : memref<16384x1024xf32, #tpu.memory_space<any>> -> memref<128x1024xf32, #tpu.memory_space<any>>
      %dma_wait3A_1975 = arith.constant 0 : i32
      %dma_wait3A_1976 = arith.constant 0 : i32
      %dma_wait3A_1977 = tpu.memref_slice %arg2[%dma_wait3A_1975, %dma_wait3A_1976] : memref<256x1024xf32, #tpu.memory_space<vmem>> -> memref<128x1024xf32, #tpu.memory_space<vmem>>
      tpu.wait_dma2 semaphore(%arg3 : memref<!tpu.dma_semaphore, #tpu.memory_space<semaphore_mem>>) src(%dma_wait3A_1977 : memref<128x1024xf32, #tpu.memory_space<vmem>>) dst(%dma_wait3A_1974 : memref<128x1024xf32, #tpu.memory_space<any>>)
    } else {
    }
    %and3A_1934 = arith.constant 64 : i32
    %and3A_1935 = arith.andi %sub3A_1923, %and3A_1934 : i32
    %ne3A_1936 = arith.constant 0 : i32
    %ne3A_1937 = arith.cmpi ne, %and3A_1935, %ne3A_1936 : i32
    %sub3A_1938 = arith.constant 64 : i32
    %sub3A_1939 = arith.subi %select_n3A_1930, %sub3A_1938 : i32
    %select_n3A_1940 = arith.select %ne3A_1937, %sub3A_1939, %select_n3A_1930 : i32
    %convert_element_type3A_1941 = arith.extui %ne3A_1937 : i1 to i32
    %cond3A_1942 = arith.constant 0 : i32
    %cond3A_1943 = arith.cmpi ne, %convert_element_type3A_1941, %cond3A_1942 : i32
    scf.if %cond3A_1943 {
      %multiple_of3A = tpu.assume_multiple %select_n3A_1940, 8 : i32
      %dma_wait3A = arith.constant 0 : i32
      %dma_wait3A_1974 = tpu.memref_slice %arg1[%multiple_of3A, %dma_wait3A] : memref<16384x1024xf32, #tpu.memory_space<any>> -> memref<64x1024xf32, #tpu.memory_space<any>>
      %dma_wait3A_1975 = arith.constant 0 : i32
      %dma_wait3A_1976 = arith.constant 0 : i32
      %dma_wait3A_1977 = tpu.memref_slice %arg2[%dma_wait3A_1975, %dma_wait3A_1976] : memref<256x1024xf32, #tpu.memory_space<vmem>> -> memref<64x1024xf32, #tpu.memory_space<vmem>>
      tpu.wait_dma2 semaphore(%arg3 : memref<!tpu.dma_semaphore, #tpu.memory_space<semaphore_mem>>) src(%dma_wait3A_1977 : memref<64x1024xf32, #tpu.memory_space<vmem>>) dst(%dma_wait3A_1974 : memref<64x1024xf32, #tpu.memory_space<any>>)
    } else {
    }
    %and3A_1944 = arith.constant 32 : i32
    %and3A_1945 = arith.andi %sub3A_1923, %and3A_1944 : i32
    %ne3A_1946 = arith.constant 0 : i32
    %ne3A_1947 = arith.cmpi ne, %and3A_1945, %ne3A_1946 : i32
    %sub3A_1948 = arith.constant 32 : i32
    %sub3A_1949 = arith.subi %select_n3A_1940, %sub3A_1948 : i32
    %select_n3A_1950 = arith.select %ne3A_1947, %sub3A_1949, %select_n3A_1940 : i32
    %convert_element_type3A_1951 = arith.extui %ne3A_1947 : i1 to i32
    %cond3A_1952 = arith.constant 0 : i32
    %cond3A_1953 = arith.cmpi ne, %convert_element_type3A_1951, %cond3A_1952 : i32
    scf.if %cond3A_1953 {
      %multiple_of3A = tpu.assume_multiple %select_n3A_1950, 8 : i32
      %dma_wait3A = arith.constant 0 : i32
      %dma_wait3A_1974 = tpu.memref_slice %arg1[%multiple_of3A, %dma_wait3A] : memref<16384x1024xf32, #tpu.memory_space<any>> -> memref<32x1024xf32, #tpu.memory_space<any>>
      %dma_wait3A_1975 = arith.constant 0 : i32
      %dma_wait3A_1976 = arith.constant 0 : i32
      %dma_wait3A_1977 = tpu.memref_slice %arg2[%dma_wait3A_1975, %dma_wait3A_1976] : memref<256x1024xf32, #tpu.memory_space<vmem>> -> memref<32x1024xf32, #tpu.memory_space<vmem>>
      tpu.wait_dma2 semaphore(%arg3 : memref<!tpu.dma_semaphore, #tpu.memory_space<semaphore_mem>>) src(%dma_wait3A_1977 : memref<32x1024xf32, #tpu.memory_space<vmem>>) dst(%dma_wait3A_1974 : memref<32x1024xf32, #tpu.memory_space<any>>)
    } else {
    }
    %and3A_1954 = arith.constant 16 : i32
    %and3A_1955 = arith.andi %sub3A_1923, %and3A_1954 : i32
    %ne3A_1956 = arith.constant 0 : i32
    %ne3A_1957 = arith.cmpi ne, %and3A_1955, %ne3A_1956 : i32
    %sub3A_1958 = arith.constant 16 : i32
    %sub3A_1959 = arith.subi %select_n3A_1950, %sub3A_1958 : i32
    %select_n3A_1960 = arith.select %ne3A_1957, %sub3A_1959, %select_n3A_1950 : i32
    %convert_element_type3A_1961 = arith.extui %ne3A_1957 : i1 to i32
    %cond3A_1962 = arith.constant 0 : i32
    %cond3A_1963 = arith.cmpi ne, %convert_element_type3A_1961, %cond3A_1962 : i32
    scf.if %cond3A_1963 {
      %multiple_of3A = tpu.assume_multiple %select_n3A_1960, 8 : i32
      %dma_wait3A = arith.constant 0 : i32
      %dma_wait3A_1974 = tpu.memref_slice %arg1[%multiple_of3A, %dma_wait3A] : memref<16384x1024xf32, #tpu.memory_space<any>> -> memref<16x1024xf32, #tpu.memory_space<any>>
      %dma_wait3A_1975 = arith.constant 0 : i32
      %dma_wait3A_1976 = arith.constant 0 : i32
      %dma_wait3A_1977 = tpu.memref_slice %arg2[%dma_wait3A_1975, %dma_wait3A_1976] : memref<256x1024xf32, #tpu.memory_space<vmem>> -> memref<16x1024xf32, #tpu.memory_space<vmem>>
      tpu.wait_dma2 semaphore(%arg3 : memref<!tpu.dma_semaphore, #tpu.memory_space<semaphore_mem>>) src(%dma_wait3A_1977 : memref<16x1024xf32, #tpu.memory_space<vmem>>) dst(%dma_wait3A_1974 : memref<16x1024xf32, #tpu.memory_space<any>>)
    } else {
    }
    %and3A_1964 = arith.constant 8 : i32
    %and3A_1965 = arith.andi %sub3A_1923, %and3A_1964 : i32
    %ne3A_1966 = arith.constant 0 : i32
    %ne3A_1967 = arith.cmpi ne, %and3A_1965, %ne3A_1966 : i32
    %sub3A_1968 = arith.constant 8 : i32
    %sub3A_1969 = arith.subi %select_n3A_1960, %sub3A_1968 : i32
    %select_n3A_1970 = arith.select %ne3A_1967, %sub3A_1969, %select_n3A_1960 : i32
    %convert_element_type3A_1971 = arith.extui %ne3A_1967 : i1 to i32
    %cond3A_1972 = arith.constant 0 : i32
    %cond3A_1973 = arith.cmpi ne, %convert_element_type3A_1971, %cond3A_1972 : i32
    scf.if %cond3A_1973 {
      %multiple_of3A = tpu.assume_multiple %select_n3A_1970, 8 : i32
      %dma_wait3A = arith.constant 0 : i32
      %dma_wait3A_1974 = tpu.memref_slice %arg1[%multiple_of3A, %dma_wait3A] : memref<16384x1024xf32, #tpu.memory_space<any>> -> memref<8x1024xf32, #tpu.memory_space<any>>
      %dma_wait3A_1975 = arith.constant 0 : i32
      %dma_wait3A_1976 = arith.constant 0 : i32
      %dma_wait3A_1977 = tpu.memref_slice %arg2[%dma_wait3A_1975, %dma_wait3A_1976] : memref<256x1024xf32, #tpu.memory_space<vmem>> -> memref<8x1024xf32, #tpu.memory_space<vmem>>
      tpu.wait_dma2 semaphore(%arg3 : memref<!tpu.dma_semaphore, #tpu.memory_space<semaphore_mem>>) src(%dma_wait3A_1977 : memref<8x1024xf32, #tpu.memory_space<vmem>>) dst(%dma_wait3A_1974 : memref<8x1024xf32, #tpu.memory_space<any>>)
    } else {
    }
    return
  }
}

module attributes {stable_mosaic.version = 14 : i64} {
  func.func @_tc_mask_body(%arg0: memref<9xi32, #tpu.memory_space<smem>>, %arg1: memref<8x2048xi32, #tpu.memory_space<vmem>>) attributes {dimension_semantics = [], scalar_prefetch = 0 : i64, scratch_operands = 0 : i64, tpu.core_type = #tpu.core_type<tc>} {
    %iota3A = tpu.iota {dimensions = array<i32: 1>} : vector<8x2048xi32>
    %iota3A_0 = tpu.iota {dimensions = array<i32: 0>} : vector<8x2048xi32>
    %broadcast_in_dim3A = arith.constant false
    %broadcast_in_dim3A_1 = vector.broadcast %broadcast_in_dim3A : i1 to vector<8x2048xi1>
    %get3A = arith.constant 1 : index
    %get3A_2 = memref.load %arg0[%get3A] : memref<9xi32, #tpu.memory_space<smem>>
    %get3A_3 = arith.constant 0 : index
    %get3A_4 = memref.load %arg0[%get3A_3] : memref<9xi32, #tpu.memory_space<smem>>
    %sub3A = arith.subi %get3A_2, %get3A_4 : i32
    %eq3A = arith.constant 0 : i32
    %eq3A_5 = vector.broadcast %eq3A : i32 to vector<8x2048xi32>
    %eq3A_6 = arith.cmpi eq, %iota3A_0, %eq3A_5 : vector<8x2048xi32>
    %ge3A = vector.broadcast %sub3A : i32 to vector<8x2048xi32>
    %ge3A_7 = arith.cmpi sge, %iota3A, %ge3A : vector<8x2048xi32>
    %and3A = arith.andi %eq3A_6, %ge3A_7 : vector<8x2048xi1>
    %or3A = arith.ori %broadcast_in_dim3A_1, %and3A : vector<8x2048xi1>
    %get3A_8 = arith.constant 2 : index
    %get3A_9 = memref.load %arg0[%get3A_8] : memref<9xi32, #tpu.memory_space<smem>>
    %get3A_10 = arith.constant 1 : index
    %get3A_11 = memref.load %arg0[%get3A_10] : memref<9xi32, #tpu.memory_space<smem>>
    %sub3A_12 = arith.subi %get3A_9, %get3A_11 : i32
    %eq3A_13 = arith.constant 1 : i32
    %eq3A_14 = vector.broadcast %eq3A_13 : i32 to vector<8x2048xi32>
    %eq3A_15 = arith.cmpi eq, %iota3A_0, %eq3A_14 : vector<8x2048xi32>
    %ge3A_16 = vector.broadcast %sub3A_12 : i32 to vector<8x2048xi32>
    %ge3A_17 = arith.cmpi sge, %iota3A, %ge3A_16 : vector<8x2048xi32>
    %and3A_18 = arith.andi %eq3A_15, %ge3A_17 : vector<8x2048xi1>
    %or3A_19 = arith.ori %or3A, %and3A_18 : vector<8x2048xi1>
    %get3A_20 = arith.constant 3 : index
    %get3A_21 = memref.load %arg0[%get3A_20] : memref<9xi32, #tpu.memory_space<smem>>
    %get3A_22 = arith.constant 2 : index
    %get3A_23 = memref.load %arg0[%get3A_22] : memref<9xi32, #tpu.memory_space<smem>>
    %sub3A_24 = arith.subi %get3A_21, %get3A_23 : i32
    %eq3A_25 = arith.constant 2 : i32
    %eq3A_26 = vector.broadcast %eq3A_25 : i32 to vector<8x2048xi32>
    %eq3A_27 = arith.cmpi eq, %iota3A_0, %eq3A_26 : vector<8x2048xi32>
    %ge3A_28 = vector.broadcast %sub3A_24 : i32 to vector<8x2048xi32>
    %ge3A_29 = arith.cmpi sge, %iota3A, %ge3A_28 : vector<8x2048xi32>
    %and3A_30 = arith.andi %eq3A_27, %ge3A_29 : vector<8x2048xi1>
    %or3A_31 = arith.ori %or3A_19, %and3A_30 : vector<8x2048xi1>
    %get3A_32 = arith.constant 4 : index
    %get3A_33 = memref.load %arg0[%get3A_32] : memref<9xi32, #tpu.memory_space<smem>>
    %get3A_34 = arith.constant 3 : index
    %get3A_35 = memref.load %arg0[%get3A_34] : memref<9xi32, #tpu.memory_space<smem>>
    %sub3A_36 = arith.subi %get3A_33, %get3A_35 : i32
    %eq3A_37 = arith.constant 3 : i32
    %eq3A_38 = vector.broadcast %eq3A_37 : i32 to vector<8x2048xi32>
    %eq3A_39 = arith.cmpi eq, %iota3A_0, %eq3A_38 : vector<8x2048xi32>
    %ge3A_40 = vector.broadcast %sub3A_36 : i32 to vector<8x2048xi32>
    %ge3A_41 = arith.cmpi sge, %iota3A, %ge3A_40 : vector<8x2048xi32>
    %and3A_42 = arith.andi %eq3A_39, %ge3A_41 : vector<8x2048xi1>
    %or3A_43 = arith.ori %or3A_31, %and3A_42 : vector<8x2048xi1>
    %get3A_44 = arith.constant 5 : index
    %get3A_45 = memref.load %arg0[%get3A_44] : memref<9xi32, #tpu.memory_space<smem>>
    %get3A_46 = arith.constant 4 : index
    %get3A_47 = memref.load %arg0[%get3A_46] : memref<9xi32, #tpu.memory_space<smem>>
    %sub3A_48 = arith.subi %get3A_45, %get3A_47 : i32
    %eq3A_49 = arith.constant 4 : i32
    %eq3A_50 = vector.broadcast %eq3A_49 : i32 to vector<8x2048xi32>
    %eq3A_51 = arith.cmpi eq, %iota3A_0, %eq3A_50 : vector<8x2048xi32>
    %ge3A_52 = vector.broadcast %sub3A_48 : i32 to vector<8x2048xi32>
    %ge3A_53 = arith.cmpi sge, %iota3A, %ge3A_52 : vector<8x2048xi32>
    %and3A_54 = arith.andi %eq3A_51, %ge3A_53 : vector<8x2048xi1>
    %or3A_55 = arith.ori %or3A_43, %and3A_54 : vector<8x2048xi1>
    %get3A_56 = arith.constant 6 : index
    %get3A_57 = memref.load %arg0[%get3A_56] : memref<9xi32, #tpu.memory_space<smem>>
    %get3A_58 = arith.constant 5 : index
    %get3A_59 = memref.load %arg0[%get3A_58] : memref<9xi32, #tpu.memory_space<smem>>
    %sub3A_60 = arith.subi %get3A_57, %get3A_59 : i32
    %eq3A_61 = arith.constant 5 : i32
    %eq3A_62 = vector.broadcast %eq3A_61 : i32 to vector<8x2048xi32>
    %eq3A_63 = arith.cmpi eq, %iota3A_0, %eq3A_62 : vector<8x2048xi32>
    %ge3A_64 = vector.broadcast %sub3A_60 : i32 to vector<8x2048xi32>
    %ge3A_65 = arith.cmpi sge, %iota3A, %ge3A_64 : vector<8x2048xi32>
    %and3A_66 = arith.andi %eq3A_63, %ge3A_65 : vector<8x2048xi1>
    %or3A_67 = arith.ori %or3A_55, %and3A_66 : vector<8x2048xi1>
    %get3A_68 = arith.constant 7 : index
    %get3A_69 = memref.load %arg0[%get3A_68] : memref<9xi32, #tpu.memory_space<smem>>
    %get3A_70 = arith.constant 6 : index
    %get3A_71 = memref.load %arg0[%get3A_70] : memref<9xi32, #tpu.memory_space<smem>>
    %sub3A_72 = arith.subi %get3A_69, %get3A_71 : i32
    %eq3A_73 = arith.constant 6 : i32
    %eq3A_74 = vector.broadcast %eq3A_73 : i32 to vector<8x2048xi32>
    %eq3A_75 = arith.cmpi eq, %iota3A_0, %eq3A_74 : vector<8x2048xi32>
    %ge3A_76 = vector.broadcast %sub3A_72 : i32 to vector<8x2048xi32>
    %ge3A_77 = arith.cmpi sge, %iota3A, %ge3A_76 : vector<8x2048xi32>
    %and3A_78 = arith.andi %eq3A_75, %ge3A_77 : vector<8x2048xi1>
    %or3A_79 = arith.ori %or3A_67, %and3A_78 : vector<8x2048xi1>
    %get3A_80 = arith.constant 8 : index
    %get3A_81 = memref.load %arg0[%get3A_80] : memref<9xi32, #tpu.memory_space<smem>>
    %get3A_82 = arith.constant 7 : index
    %get3A_83 = memref.load %arg0[%get3A_82] : memref<9xi32, #tpu.memory_space<smem>>
    %sub3A_84 = arith.subi %get3A_81, %get3A_83 : i32
    %eq3A_85 = arith.constant 7 : i32
    %eq3A_86 = vector.broadcast %eq3A_85 : i32 to vector<8x2048xi32>
    %eq3A_87 = arith.cmpi eq, %iota3A_0, %eq3A_86 : vector<8x2048xi32>
    %ge3A_88 = vector.broadcast %sub3A_84 : i32 to vector<8x2048xi32>
    %ge3A_89 = arith.cmpi sge, %iota3A, %ge3A_88 : vector<8x2048xi32>
    %and3A_90 = arith.andi %eq3A_87, %ge3A_89 : vector<8x2048xi1>
    %or3A_91 = arith.ori %or3A_79, %and3A_90 : vector<8x2048xi1>
    %swap3A = arith.constant 0 : index
    %swap3A_92 = arith.constant 0 : index
    %swap3A_93 = vector.load %arg1[%swap3A, %swap3A_92] : memref<8x2048xi32, #tpu.memory_space<vmem>>, vector<8x2048xi32>
    %swap3A_94 = arith.extui %or3A_91 : vector<8x2048xi1> to vector<8x2048xi32>
    %swap3A_95 = arith.constant dense<0> : vector<8x2048xi32>
    %swap3A_96 = arith.cmpi ne, %swap3A_93, %swap3A_95 : vector<8x2048xi32>
    tpu.vector_store %arg1[%swap3A, %swap3A_92], %swap3A_94 {strides = array<i32>} : memref<8x2048xi32, #tpu.memory_space<vmem>>, vector<8x2048xi32>,
    return
  }
}

</mosaic_0001>

<sc_bundles>
// kernel: kernel.5.cloned.1.call-start
scs
__scs_entry_jumppad:
0x0: {  	(pc) =	sbr.rel $0x88, $3  }
0x1: {  	(tag) =	ssettag $0x0;
	lr =	simm.s32 $0x1  }
0x2: {  	[smem:$0x3F9F] =	sst lr;
	_ =	strace $0xD0000000  }
0x3: {  	_ = 	snop  }
0x4: {  	_ = 	snop  }
0x5: {  	_ = 	snop  }
0x6: {  	_ = 	snop  }
0x7: {  	_ = 	snop  }
__scs_overlays_trampoline_lowered:
0x8: {  	[smem:$0x3FAE] =	sst s0  }
0x9: {  	[smem:$0x3FAF] =	sst s1  }
0xa: {  	[smem:$0x3FB0] =	sst s2  }
0xb: {  	[smem:$0x3FB1] =	sst s3  }
0xc: {  	[smem:$0x3FB2] =	sst s4  }
0xd: {  	[smem:$0x3FB3] =	sst s5  }
0xe: {  	[smem:$0x3FB4] =	sst s6  }
0xf: {  	[smem:$0x3FB5] =	sst s7  }
0x10: {  	[smem:$0x3FB6] =	sst s8  }
0x11: {  	[smem:$0x3FB7] =	sst s9;
	s0 =	simm.s32 @!p0 $0x0  }
0x12: {  	s1 =	sld [smem:$0x3F9D];
	s0 =	simm.s32 @p0 $0x1  }
0x13: {  	[smem:$0x3FB8] =	sst s0;
	s0 =	simm.s32 @!p1 $0x0  }
0x14: {  	s2 =	sld [smem:$0x3F9C];
	s0 =	simm.s32 @p1 $0x1  }
0x15: {  	[smem:$0x3FB9] =	sst s0;
	s0 =	simm.s32 @!p2 $0x0  }
0x16: {  	s3 =	sld [smem:$0x3FDB];
	s0 =	simm.s32 @p2 $0x1  }
0x17: {  	s4 =	simm.s32 $0x1BF5;
	[smem:$0x3FBB] =	sst s0  }
0x18: {  	s0 =	sld [smem:$0x3F9E];
	_ =	swait.ge [sflag:s4], $0x0  }
0x19: {  	s7 =	sld [smem:$0x3F9F]  }
0x1a: {  	s8 =	sadd.s32 $0xFFFFE003, lr  }
0x1b: {  	s9 =	sadd.s32 $0xFFFFFEF7, lr;
	s5 =	simm.s32 $0xFFFFFFFF;
	p2 =	slt.u32 s8, $0xFFFFF086  }
0x1c: {  	p1 =	slt.u32 s9, $0xF7A;
	s5 =	simm.s32 @!p2 $0x0  }
0x1d: {  	s5 =	simm.s32 @p1 $0x1;
	p0 =	seq.s32 s7, s2  }
0x1e: {  	s7 =	smul.u32 @!p0 $0xF7A, s2;
	p2 =	seq.s32 @!p0 s5, $0x0  }
0x1f: {  	s9 =	smul.u32 $0xF7A, s1;
	s8 =	simm.s32 @!p0 $0x1BF5;
	p2 =	por !p2, p0  }
0x20: {  	[sflag:s8] =	ssyncset.s32 @!p0 $0xFFFFF086;
	s6 =	sadd.s32 @!p0 s3, s7;
	s7 =	simm.s32 @!p0 $0x108  }
0x21: {  	s3 =	sadd.s32 s3, s9;
	s6 =	sadd.s32 @!p0 $0x88, s6;
	s7 =	simm.s32 @p2 $0x1082  }
0x22: {  	[simem:s7], [sflag:s8] =	dma.local @!p0 [hbm:s6], $0xF7A  }
0x23: {  	s9 =	sor.u32 $0xD0000000, s2;
	s6 =	simm.s32 $0x108;
	_ =	swait.ge @!p0 [sflag:s8], $0x0  }
0x24: {  	s3 =	sadd.s32 $0x88, s3;
	s6 =	simm.s32 @!p1 $0x1082;
	[sflag:s4] =	ssyncset.s32 $0xFFFFF086  }
0x25: {  	[simem:s6], [sflag:s4] =	dma.local [hbm:s3], $0xF7A  }
0x26: {  	[smem:$0x3F9F] =	sst s1;
	(tag) =	ssettag s2;
	_ =	strace s9  }
0x27: {  	s1 =	sld [smem:$0x3FAF]  }
0x28: {  	s2 =	sld [smem:$0x3FB0]  }
0x29: {  	s4 =	sld [smem:$0x3FB2]  }
0x2a: {  	p0 =	seq.s32 s5, $0x0;
	s5 =	sld [smem:$0x3FB3]  }
0x2b: {  	s6 =	sld [smem:$0x3FB4]  }
0x2c: {  	s7 =	sld [smem:$0x3FB5]  }
0x2d: {  	s3 =	simm.s32 $0x108;
	s8 =	sld [smem:$0x3FB6]  }
0x2e: {  	s3 =	simm.s32 @!p0 $0x1082;
	s9 =	sld [smem:$0x3FB7]  }
0x2f: {  	lr =	sadd.s32 s0, s3;
	s0 =	sld [smem:$0x3FAE]  }
0x30: {  	s3 =	sld [smem:$0x3FB1]  }
0x31: {  	[smem:$0x3FBA] =	sst s10  }
0x32: {  	s10 =	sld [smem:$0x3FB8];
	_ =	sdelay $0x3  }
0x33: {  	p0 =	seq.s32 s10, $0x1;
	s10 =	sld [smem:$0x3FBA];
	_ =	sdelay $0x3  }
0x34: {  	[smem:$0x3FBA] =	sst s10  }
0x35: {  	s10 =	sld [smem:$0x3FB9];
	_ =	sdelay $0x3  }
0x36: {  	p1 =	seq.s32 s10, $0x1;
	s10 =	sld [smem:$0x3FBA];
	_ =	sdelay $0x3  }
0x37: {  	[smem:$0x3FBA] =	sst s10  }
0x38: {  	s10 =	sld [smem:$0x3FBB]  }
0x39: {  	_ = 	snop;
	(pc) =	sbr.ind lr, $3  }
0x3a: {  	_ = 	snop  }
0x3b: {  	_ = 	snop  }
0x3c: {  	p2 =	seq.s32 s10, $0x1;
	s10 =	sld [smem:$0x3FBA]  }
0x3d: {  	_ =	shalt  }
0x3e: {  	_ =	shalt  }
0x3f: {  	_ =	shalt  }
0x40: {  	_ =	shalt  }
0x41: {  	_ =	shalt  }
0x42: {  	_ =	shalt  }
0x43: {  	_ =	shalt  }
0x44: {  	_ =	shalt  }
0x45: {  	_ =	shalt  }
0x46: {  	_ =	shalt  }
0x47: {  	_ =	shalt  }
0x48: {  	_ =	shalt  }
0x49: {  	_ =	shalt  }
0x4a: {  	_ =	shalt  }
0x4b: {  	_ =	shalt  }
0x4c: {  	_ =	shalt  }
0x4d: {  	_ =	shalt  }
0x4e: {  	_ =	shalt  }
0x4f: {  	_ =	shalt  }
0x50: {  	_ =	shalt  }
0x51: {  	_ =	shalt  }
0x52: {  	_ =	shalt  }
0x53: {  	_ =	shalt  }
0x54: {  	_ =	shalt  }
0x55: {  	_ =	shalt  }
0x56: {  	_ =	shalt  }
0x57: {  	_ =	shalt  }
0x58: {  	_ =	shalt  }
0x59: {  	_ =	shalt  }
0x5a: {  	_ =	shalt  }
0x5b: {  	_ =	shalt  }
0x5c: {  	_ =	shalt  }
0x5d: {  	_ =	shalt  }
0x5e: {  	_ =	shalt  }
0x5f: {  	_ =	shalt  }
0x60: {  	_ =	shalt  }
0x61: {  	_ =	shalt  }
0x62: {  	_ =	shalt  }
0x63: {  	_ =	shalt  }
0x64: {  	_ =	shalt  }
0x65: {  	_ =	shalt  }
0x66: {  	_ =	shalt  }
0x67: {  	_ =	shalt  }
0x68: {  	_ =	shalt  }
0x69: {  	_ =	shalt  }
0x6a: {  	_ =	shalt  }
0x6b: {  	_ =	shalt  }
0x6c: {  	_ =	shalt  }
0x6d: {  	_ =	shalt  }
0x6e: {  	_ =	shalt  }
0x6f: {  	_ =	shalt  }
0x70: {  	_ =	shalt  }
0x71: {  	_ =	shalt  }
0x72: {  	_ =	shalt  }
0x73: {  	_ =	shalt  }
0x74: {  	_ =	shalt  }
0x75: {  	_ =	shalt  }
0x76: {  	_ =	shalt  }
0x77: {  	_ =	shalt  }
0x78: {  	_ =	shalt  }
0x79: {  	_ =	shalt  }
0x7a: {  	_ =	shalt  }
0x7b: {  	_ =	shalt  }
0x7c: {  	_ =	shalt  }
0x7d: {  	_ =	shalt  }
0x7e: {  	_ =	shalt  }
0x7f: {  	_ =	shalt  }
0x80: {  	_ =	shalt  }
0x81: {  	_ =	shalt  }
0x82: {  	_ =	shalt  }
0x83: {  	_ =	shalt  }
0x84: {  	_ =	shalt  }
0x85: {  	_ =	shalt  }
0x86: {  	_ =	shalt  }
0x87: {  	_ =	shalt  }
.Lfunc_end0:
.L_simem_size_0:
called_computation_lowered:
.L_overlay_start_0:
0x88: {  	s2 =	sld [smem:$0x3FD9]  }
0x89: {  	s3 =	sld [smem:$0x3FFE];
	_ =	sdelay $0x1  }
0x8a: {  	s1 =	srdreg.scid  }
0x8b: {  	s0 =	sand.u32 $0x1, s1  }
0x8c: {  	s15 =	sshll.u32 s0, $0xA;
	s2 =	sadd.s32 s3, s2  }
0x8d: {  	s2 =	sadd.s32 s2, s15  }
0x8e: {  	[smem:$0x3FC6] =	sst s2  }
0x8f: {  	_ = 	snop  }
0x90: {  	s2 =	sld [smem:$0x3FD0];
	_ =	sdelay $0x1  }
0x91: {  	s16 =	sld [smem:$0x3FC9]  }
0x92: {  	s5 =	simm.s32 $0xA;
	s6 =	simm.s32 $0x10;
	s4 =	sld [smem:$0x3FC8]  }
0x93: {  	[smem:s6], [sflag:s5] =	dma.local [hbm:s2], $0x1  }
0x94: {  	_ =	swait.eq [sflag:s5], $0x1  }
0x95: {  	[sflag:s5] =	ssyncset.done $0x0  }
0x96: {  	[sflag:s5] =	ssyncadd.s32 $0xFFFFFFFF  }
0x97: {  	s17 =	sld [smem:$0x10];
	(tm) =	ssettm $0x1  }
0x98: {  	s18 =	sld [smem:$0x3FFB];
	_ =	sdelay $0x3  }
0x99: {  	_ =	strace s18  }
0x9a: {  	s5 =	sld [smem:$0x3FFC];
	_ =	sdelay $0x3  }
0x9b: {  	_ =	strace s5  }
0x9c: {  	s5 =	sld [smem:$0x3FFD];
	_ =	sdelay $0x3  }
0x9d: {  	_ =	strace s5  }
0x9e: {  	_ =	strace $0x8FFFFFFF  }
0x9f: {  	s19 =	sld [smem:$0x3FDB];
	_ =	sdelay $0x1  }
0xa0: {  	s20 =	simm.s32 $_scs_section_size  }
0xa1: {  	s7 =	simm.s32 $_size__tile_overlayer_lowered;
	s8 =	simm.s32 $_tile_overlayer_lowered  }
0xa2: {  	s23 =	simm.s32 $0x1BFF;
	s22 =	sshll.u32 s8, $0x1;
	s5 =	sadd.s32 s20, s19  }
0xa3: {  	s9 =	simm.s32 $0x0;
	s21 =	sshll.u32 s7, $0x1;
	s7 =	sadd.s32 s22, s5  }
0xa4: {  	[timem:s9], [sflag:s23] =	dma.local [hbm:s7], s21  }
0xa5: {  	_ =	swait.ge [sflag:s23], s21  }
0xa6: {  	s6 =	ssub.s32 $0x0, s21;
	[sflag:s23] =	ssyncset.done $0x0  }
0xa7: {  	[sflag:s23] =	ssyncadd.s32 s6;
	_ =	sdelay $0x1  }
0xa8: {  	s24 =	simm.s32 $0x1B8B  }
0xa9: {  	_ =	swait.ge [sflag:s24], $0x1  }
0xaa: {  	[sflag:s24] =	ssyncset.done $0x0  }
0xab: {  	s25 =	simm.s32 $0x1B8E;
	[sflag:s24] =	ssyncadd.s32 $0xFFFFFFFF  }
0xac: {  	s26 =	simm.s32 $execute0_lowered;
	[smem:$0x3FD2] =	sst s25  }
0xad: {  	s6 =	sshll.u32 s26, $0x1;
	_ =	strace $0x80000046;
	[dreg:$0x1] =	wrdreg $0xFFFFFFFF  }
0xae: {  	s28 =	simm.s32 $_size_execute0_lowered;
	s5 =	sadd.s32 s5, s6;
	[dreg:$0x0] =	wrdreg $0x0  }
0xaf: {  	s6 =	sshll.u32 s28, $0x1;
	[dreg:$0x2] =	wrdreg s5  }
0xb0: {  	[dreg:$0x3] =	wrdreg s6  }
0xb1: {  	[dreg:$0x4] =	wrdreg $0xC0  }
0xb2: {  	_ =	task [dreg:s9], $0x5FFFF  }
0xb3: {  	[dreg:$0x1] =	wrdreg $0xFFFFFFFF  }
0xb4: {  	[dreg:$0x0] =	wrdreg $0x60  }
0xb5: {  	[dreg:$0x2] =	wrdreg s16  }
0xb6: {  	[dreg:$0x3] =	wrdreg s4  }
0xb7: {  	[dreg:$0x4] =	wrdreg s17  }
0xb8: {  	[dreg:$0x5] =	wrdreg $0x9  }
0xb9: {  	_ =	task.clear_ibuf [dreg:s9], $0x6FFFF;
	_ =	strace $0x90000046  }
0xba: {  	s29 =	simm.s32 $0x9;
	_ =	strace $0x80000048  }
0xbb: {  	_ =	swait.ge [sflag:s29], $0x1  }
0xbc: {  	[sflag:s29] =	ssyncadd.s32 $0xFFFFFFFF  }
0xbd: {  	_ =	strace $0x90000048  }
0xbe: {  	_ =	sfence  }
0xbf: {  	s30 =	sld [smem:$0x0];
	_ =	sdelay $0x2  }
0xc0: {  	s31 =	sshll.u32 s1, $0xD;
	s1 =	sshrl.u32 s1, $0x2  }
0xc1: {  	s3 =	sand.u32 $0x4000, s31;
	s1 =	sadd.s32 s1, s30  }
0xc2: {  	s0 =	sor.u32 s3, s0;
	s1 =	sshll.u32 s1, $0x11  }
0xc3: {  	s0 =	sor.u32 s1, s0  }
0xc4: {  	s0 =	sadd.s32 $0x8F2B, s0  }
0xc5: {  	[sflag:s0] =	ssyncadd.remote.s32 $0x1  }
0xc6: {  	_ =	sfence.sel $0xFFFF  }
0xc7: {  	[dreg:$0x0] =	wrdreg $0xFFFFFFFF;
	(pc) =	sbr.abs _section_cstart, $3  }
0xc8: {  	[dreg:$0x1] =	wrdreg $0xFFFFFFFF  }
0xc9: {  	_ =	task.clear_ibuf [dreg:s9], $0x2FFFF;
	_ =	strace $0x9FFFFFFF  }
0xca: {  	(tm) =	ssettm $0x7FFFFFFF  }
0xcb: {  	_ =	shalt  }
tec
execute0_lowered:
.L_overlay_start_1:
0x0: {  	(tag) =	ssettag $0x1  }
0x1: {  	s10 =	rddreg [dreg:$0x0]  }
0x2: {  	s2 =	rddreg [dreg:$0x1];
	s0 =	srdreg.scid  }
0x3: {  	s3 =	rddreg [dreg:$0x2];
	s1 =	stileid.u32;
	s4 =	simm.s32 $0x0  }
0x4: {  	s15 =	simm.s32 $0x480;
	s16 =	simm.s32 $0x8480;
	s17 =	simm.s32 $0x10480  }
0x5: {  	s18 =	simm.s32 $0x1;
	s19 =	simm.s32 $0x2;
	s20 =	simm.s32 $0x0  }
0x6: {  	s11 =	sand.u32 $0x1, s0;
	s0 =	rddreg [dreg:$0x3];
	s5 =	sshll.u32 s1, $0x9  }
0x7: {  	[smem:$0x7FF] =	sst s4;
	s13 =	sshll.u32 s1, $0x10;
	s9 =	sadd.s32 $0x100, s3  }
0x8: {  	s6 =	sshll.u32 s11, $0x8;
	s7 =	ssub.s32 $0x2, s11;
	_ =	strace $0x80000047  }
0x9: {  	s13 =	sadd.s32 s13, s10;
	s14 =	sshll.u32 s11, $0xF;
	s11 =	sadd.s32 $0x300, s3  }
0xa: {  	s5 =	sor.u32 s6, s5;
	s31 =	sshrl.u32 s7, $0x1;
	s13 =	sadd.s32 s14, s13  }
0xb: {  	v0 =	vlaneseq.u32;
	s14 =	simm.s32 $0x3;
	s8 =	sshll.u32 s5, $0x7;
	s12 =	ssub.s32 s7, s31  }
0xc: {  	v1 =	vimm.s32 $0x800;
	vm0 =	vmmov $0xffff;
	v3 =	vshrl.u32 v0, $0x3;
	s13 =	sadd.s32 $0x3000, s13;
	s6 =	sadd.s32 s10, s8;
	s10 =	sadd.s32 $0x200, s3  }
0xd: {  	v2 =	vand.u32 $0x7, v0;
	v4 =	vor.u32 $0x8, v0;
	v3 =	vmul.u32 $0x8, v3;
	s12 =	smax.u32 s12, $0x1;
	s7 =	sadd.s32 $0x1000, s6;
	s8 =	sadd.s32 $0x2000, s6  }
.LBB2_1:
0xe: {  	[tilespmem:s4], [sflag:$0x3] =	stream.linear.gather [hbm4b:s2+s4], $0x9, $0x38;
	[tilespmem:$0x18480] =	vst v63  }
0xf: {  	_ =	swait.ge [sflag:s14], $0x9  }
0x10: {  	[sflag:s14] =	ssyncset.done $0x0  }
0x11: {  	[sflag:s14] =	ssyncadd.s32 $0xFFFFFFF7  }
0x12: {  	v15 =	vld [tilespmem:$0x0];
	_ =	sdelay $0x4  }
0x13: {  	(v2sf) =	vpush v15, $0x0  }
0x14: {  	(v2sf) =	vpush v15, $0x1  }
0x15: {  	(v2sf) =	vpush v15, $0x2  }
0x16: {  	(v2sf) =	vpush v15, $0x3  }
0x17: {  	(v2sf) =	vpush v15, $0x4  }
0x18: {  	(v2sf) =	vpush v15, $0x5;
	_ =	sdelay $0x4  }
0x19: {  	(v2sf) =	vpush v15, $0x6;
	_ =	sdelay $0x1  }
0x1a: {  	(v2sf) =	vpush v15, $0x7;
	_ =	sdelay $0x2  }
0x1b: {  	s21 =	spop (v2sf)  }
0x1c: {  	s22 =	spop (v2sf)  }
0x1d: {  	v6 =	vbroadcast v15, $0x1;
	s23 =	spop (v2sf)  }
0x1e: {  	v10 =	vbroadcast v15, $0x2;
	v17 =	vbroadcast v15, $0x3;
	s24 =	spop (v2sf)  }
0x1f: {  	v18 =	vbroadcast v15, $0x4;
	v13 =	vbroadcast v15, $0x5;
	s21 =	ssub.s32 s21, s22;
	s25 =	spop (v2sf);
	s29 =	ssub.s32 s23, s24  }
0x20: {  	v12 =	vbroadcast v15, $0x6;
	v15 =	vbroadcast v15, $0x7;
	s26 =	ssub.s32 s22, s23;
	s28 =	spop (v2sf);
	v8 =	vmov s29;
	s29 =	sadd.s32 $0x0, s5  }
0x21: {  	v5 =	vmov s21;
	v7 =	vmov s26;
	s30 =	ssub.s32 s24, s25;
	s25 =	ssub.s32 s25, s28;
	v19 =	vor.u32 s29, v0  }
0x22: {  	v9 =	vmov s30;
	v11 =	vmov s25;
	vm1 =	vlt.s32 v19, v18  }
0x23: {  	vm3 =	vlt.s32 v19, v10;
	vm2 =	vlt.s32 v19, v17;
	vm6 =	vlt.s32 v19, v6  }
0x24: {  	vm4 =	vlt.s32 v19, v13;
	vm5 =	vlt.s32 v19, v15;
	v20 =	vsel vm3, $0x0, v7  }
0x25: {  	s31 =	spop (v2sf);
	vm7 =	vmmov vm2;
	v21 =	vsel vm6, $0x0, v5;
	v20 =	vadd.s32 v19, v20  }
0x26: {  	s28 =	ssub.s32 s28, s31;
	vm1 =	vmmov vm1;
	v22 =	vsel vm7, $0x0, v8;
	v20 =	vadd.s32 v21, v20  }
0x27: {  	s26 =	spop (v2sf);
	v14 =	vmov s28;
	v21 =	vsel vm1, $0x0, v9;
	v20 =	vadd.s32 v22, v20  }
0x28: {  	s30 =	ssub.s32 s31, s26;
	vm2 =	vlt.s32 v19, v12;
	v22 =	vsel vm4, $0x0, v11;
	v20 =	vadd.s32 v21, v20  }
0x29: {  	s31 =	sadd.s32 $0x10, s5;
	v16 =	vmov s30;
	v21 =	vsel vm2, $0x0, v14;
	v20 =	vadd.s32 v22, v20  }
0x2a: {  	v19 =	vor.u32 s31, v0;
	v22 =	vsel vm5, $0x0, v16;
	v20 =	vadd.s32 v21, v20  }
0x2b: {  	vm8 =	vlt.s32 v19, v18;
	v21 =	vsel vm3, $0x0, v1;
	v20 =	vadd.s32 v22, v20  }
0x2c: {  	s22 =	simm.s32 $0x100;
	s21 =	simm.s32 $0x10;
	vm9 =	vlt.s32 v19, v17;
	v22 =	vsel vm6, $0x0, v1;
	v21 =	vadd.s32 v21, v20  }
0x2d: {  	s23 =	simm.s32 $0x0;
	s24 =	simm.s32 $0x0;
	s25 =	simm.s32 $0x200;
	vm3 =	vlt.s32 v19, v6;
	v20 =	vsel vm7, $0x0, v1;
	v21 =	vadd.s32 v22, v21  }
.LBB2_2:
0x2e: {  	vm7 =	vlt.s32 v19, v10;
	v22 =	vsel vm1, $0x0, v1  }
0x2f: {  	p0 =	sne.s32 s25, $0xF00;
	v20 =	vadd.s32 v20, v21;
	vm1 =	vmmov vm8;
	vm6 =	vmmov vm9  }
0x30: {  	v21 =	vsel vm4, $0x0, v1;
	v23 =	vsel vm5, $0x0, v1;
	v20 =	vadd.s32 v22, v20  }
0x31: {  	v24 =	vsel vm2, $0x0, v1;
	s26 =	sand.u32 $0xE00, s24;
	s24 =	smov.u32 s22;
	s22 =	smov.u32 s25;
	v22 =	vsel vm7, $0x0, v7;
	v20 =	vadd.s32 v21, v20  }
0x32: {  	s28 =	sand.u32 $0x10, s23;
	s23 =	smov.u32 s21;
	s26 =	sshrl.u32 s26, $0x2;
	v21 =	vsel vm3, $0x0, v5;
	v22 =	vadd.s32 v19, v22;
	v20 =	vadd.s32 v24, v20  }
0x33: {  	s26 =	sor.u32 s28, s26;
	v24 =	vsel vm6, $0x0, v8;
	v21 =	vadd.s32 v21, v22;
	v20 =	vadd.s32 v23, v20  }
0x34: {  	vm4 =	vlt.s32 v19, v13;
	v22 =	vsel vm1, $0x0, v9;
	v21 =	vadd.s32 v24, v21;
	[tilespmem:s26+$0x80] =	vst v20  }
0x35: {  	vm2 =	vlt.s32 v19, v12;
	s21 =	sadd.s32 $0x10, s21;
	v20 =	vsel vm4, $0x0, v11;
	v21 =	vadd.s32 v22, v21  }
.Ltmp0:
0x36: {  	vm5 =	vlt.s32 v19, v15;
	s26 =	sadd.s32 s21, s5;
	v22 =	vsel vm2, $0x0, v14;
	v20 =	vadd.s32 v20, v21;
	(pc) =	sbr.rel @p0 .LBB2_2-.Ltmp0, $4  }
0x37: {  	v19 =	vor.u32 s26, v0;
	v21 =	vsel vm5, $0x0, v16;
	v20 =	vadd.s32 v22, v20  }
0x38: {  	vm8 =	vlt.s32 v19, v18;
	v22 =	vsel vm7, $0x0, v1;
	v20 =	vadd.s32 v21, v20  }
0x39: {  	vm9 =	vlt.s32 v19, v17;
	v21 =	vsel vm3, $0x0, v1;
	v22 =	vadd.s32 v22, v20  }
0x3a: {  	s25 =	sadd.s32 $0x100, s25;
	vm3 =	vlt.s32 v19, v6;
	v20 =	vsel vm6, $0x0, v1;
	v21 =	vadd.s32 v21, v22  }
0x3b: {  	vm6 =	vlt.s32 v19, v10  }
0x3c: {  	v6 =	vsel vm1, $0x0, v1;
	v7 =	vsel vm6, $0x0, v7  }
0x3d: {  	vm1 =	vmmov vm9;
	v5 =	vsel vm3, $0x0, v5;
	v7 =	vadd.s32 v19, v7  }
0x3e: {  	vm7 =	vmmov vm8;
	v8 =	vsel vm1, $0x0, v8;
	v5 =	vadd.s32 v5, v7  }
0x3f: {  	vm14 =	vlt.s32 v19, v13;
	v7 =	vsel vm7, $0x0, v9;
	v5 =	vadd.s32 v8, v5  }
0x40: {  	vm15 =	vlt.s32 v19, v12;
	v55 =	vsel vm14, $0x0, v11;
	v5 =	vadd.s32 v7, v5  }
0x41: {  	vm10 =	vlt.s32 v19, v15;
	v7 =	vsel vm15, $0x0, v14;
	v5 =	vadd.s32 v55, v5  }
0x42: {  	v56 =	vsel vm4, $0x0, v1;
	v57 =	vsel vm10, $0x0, v16;
	v5 =	vadd.s32 v7, v5  }
0x43: {  	v58 =	vadd.s32 v20, v21;
	v7 =	vsel vm6, $0x0, v1;
	v5 =	vadd.s32 v57, v5  }
0x44: {  	v59 =	vsel vm5, $0x0, v1;
	v60 =	vsel vm3, $0x0, v1;
	v5 =	vadd.s32 v7, v5  }
0x45: {  	v61 =	vsel vm2, $0x0, v1;
	v7 =	vsel vm1, $0x0, v1;
	v5 =	vadd.s32 v60, v5  }
0x46: {  	v6 =	vadd.s32 v6, v58;
	v62 =	vsel vm7, $0x0, v1;
	v5 =	vadd.s32 v7, v5  }
0x47: {  	s24 =	sand.u32 $0xE00, s24;
	v6 =	vadd.s32 v56, v6;
	v7 =	vsel vm14, $0x0, v1;
	v5 =	vadd.s32 v62, v5  }
0x48: {  	s23 =	sand.u32 $0x10, s23;
	s22 =	sand.u32 $0xE00, s22;
	s24 =	sshrl.u32 s24, $0x2;
	v63 =	vsel vm15, $0x0, v1;
	v6 =	vadd.s32 v61, v6;
	v5 =	vadd.s32 v7, v5  }
0x49: {  	s21 =	sand.u32 $0x10, s21;
	s22 =	sshrl.u32 s22, $0x2;
	s23 =	sor.u32 s23, s24;
	v6 =	vadd.s32 v59, v6;
	v7 =	vsel vm10, $0x0, v1;
	v5 =	vadd.s32 v63, v5  }
0x4a: {  	s21 =	sor.u32 s21, s22;
	[tilespmem:s23+$0x80] =	vst v6;
	v5 =	vadd.s32 v7, v5  }
0x4b: {  	[tilespmem:s21+$0x80] =	vst v5;
	s21 =	simm.s32 $0x0  }
0x4c: {  	[tilespmem:s15], [sflag:$0x1] =	stream.linear.gather [hbm4b:s6+s21], $0x8000, $0x38;
	[tilespmem:$0x18480] =	vst v63  }
0x4d: {  	_ = 	snop  }
0x4e: {  	[tilespmem:s16], [sflag:$0x1] =	stream.linear.gather [hbm4b:s7+s21], $0x8000, $0x38;
	[tilespmem:$0x18480] =	vst v63  }
0x4f: {  	s22 =	simm.s32 $0x90;
	s24 =	simm.s32 $0x0;
	s23 =	smov.u32 s13  }
0x50: {  	[tilespmem:s17], [sflag:$0x1] =	stream.linear.gather [hbm4b:s8+s21], $0x8000, $0x38;
	[tilespmem:$0x18480] =	vst v63  }
.LBB2_4:
0x51: {  	_ =	swait.ge [sflag:s18], $0x8000  }
0x52: {  	[sflag:s18] =	ssyncset.done $0x0  }
0x53: {  	[sflag:s18] =	ssyncadd.s32 $0xFFFF8000  }
0x54: {  	v5 =	vld [tilespmem:s22+$0xFFFFFFF0];
	_ =	sdelay $0x4  }
0x55: {  	v6 =	vshll.u32 v5, $0x3  }
0x56: {  	v5 =	vand.u32 $0x7, v5;
	v6 =	vand.u32 $0xFFFFFFC0, v6  }
0x57: {  	v5 =	vor.u32 v5, v6  }
0x58: {  	v6 =	vperm.xlane v5, v2;
	_ =	sdelay $0x1  }
0x59: {  	v6 =	vadd.s32 v3, v6;
	_ =	sdelay $0x1  }
0x5a: {  	s25 =	sshll.u32 s21, $0x11  }
0x5b: {  	s25 =	sshra.s32 s25, $0x2  }
0x5c: {  	s26 =	sor.u32 $0x480, s25  }
0x5d: {  	[hbm4b:s3+s4] =	stream.indirect_vreg.scatter [tilespmem:s26], [sflag:$0x2], $0x80, v6, vm0, $0xb8;
	[tilespmem:$0x18480] =	vst v63  }
0x5e: {  	s28 =	sor.u32 $0xC80, s25;
	v5 =	vperm.xlane v5, v4  }
0x5f: {  	[hbm4b:s9+s4] =	stream.indirect_vreg.scatter [tilespmem:s28], [sflag:$0x2], $0x80, v6, vm0, $0xb8;
	[tilespmem:$0x18480] =	vst v63  }
0x60: {  	s31 =	sor.u32 $0x1480, s25;
	v5 =	vadd.s32 v3, v5  }
0x61: {  	[hbm4b:s10+s4] =	stream.indirect_vreg.scatter [tilespmem:s31], [sflag:$0x2], $0x80, v6, vm0, $0xb8;
	[tilespmem:$0x18480] =	vst v63  }
0x62: {  	s29 =	sor.u32 $0x1C80, s25  }
0x63: {  	[hbm4b:s11+s4] =	stream.indirect_vreg.scatter [tilespmem:s29], [sflag:$0x2], $0x80, v6, vm0, $0xb8;
	[tilespmem:$0x18480] =	vst v63  }
0x64: {  	s30 =	sor.u32 $0x2480, s25  }
0x65: {  	[hbm4b:s3+s4] =	stream.indirect_vreg.scatter [tilespmem:s30], [sflag:$0x2], $0x80, v5, vm0, $0xb8;
	[tilespmem:$0x18480] =	vst v63  }
0x66: {  	s31 =	sor.u32 $0x2C80, s25  }
0x67: {  	[hbm4b:s9+s4] =	stream.indirect_vreg.scatter [tilespmem:s31], [sflag:$0x2], $0x80, v5, vm0, $0xb8;
	[tilespmem:$0x18480] =	vst v63  }
0x68: {  	s29 =	sor.u32 $0x3480, s25  }
0x69: {  	[hbm4b:s10+s4] =	stream.indirect_vreg.scatter [tilespmem:s29], [sflag:$0x2], $0x80, v5, vm0, $0xb8;
	[tilespmem:$0x18480] =	vst v63  }
0x6a: {  	s30 =	sor.u32 $0x3C80, s25  }
0x6b: {  	[hbm4b:s11+s4] =	stream.indirect_vreg.scatter [tilespmem:s30], [sflag:$0x2], $0x80, v5, vm0, $0xb8;
	[tilespmem:$0x18480] =	vst v63  }
0x6c: {  	v5 =	vld [tilespmem:s22+$0x0];
	_ =	sdelay $0x4  }
0x6d: {  	v6 =	vshll.u32 v5, $0x3  }
0x6e: {  	v5 =	vand.u32 $0x7, v5;
	v6 =	vand.u32 $0xFFFFFFC0, v6  }
0x6f: {  	v5 =	vor.u32 v5, v6  }
0x70: {  	v6 =	vperm.xlane v5, v2;
	_ =	sdelay $0x1  }
0x71: {  	v6 =	vadd.s32 v3, v6;
	_ =	sdelay $0x3  }
0x72: {  	s31 =	sor.u32 $0x4480, s25  }
0x73: {  	[hbm4b:s3+s4] =	stream.indirect_vreg.scatter [tilespmem:s31], [sflag:$0x2], $0x80, v6, vm0, $0xb8;
	[tilespmem:$0x18480] =	vst v63  }
0x74: {  	s29 =	sor.u32 $0x4C80, s25;
	v5 =	vperm.xlane v5, v4  }
0x75: {  	[hbm4b:s9+s4] =	stream.indirect_vreg.scatter [tilespmem:s29], [sflag:$0x2], $0x80, v6, vm0, $0xb8;
	[tilespmem:$0x18480] =	vst v63  }
0x76: {  	s30 =	sor.u32 $0x5480, s25;
	v5 =	vadd.s32 v3, v5  }
0x77: {  	[hbm4b:s10+s4] =	stream.indirect_vreg.scatter [tilespmem:s30], [sflag:$0x2], $0x80, v6, vm0, $0xb8;
	[tilespmem:$0x18480] =	vst v63  }
0x78: {  	s31 =	sor.u32 $0x5C80, s25  }
0x79: {  	[hbm4b:s11+s4] =	stream.indirect_vreg.scatter [tilespmem:s31], [sflag:$0x2], $0x80, v6, vm0, $0xb8;
	[tilespmem:$0x18480] =	vst v63  }
0x7a: {  	s29 =	sor.u32 $0x6480, s25  }
0x7b: {  	[hbm4b:s3+s4] =	stream.indirect_vreg.scatter [tilespmem:s29], [sflag:$0x2], $0x80, v5, vm0, $0xb8;
	[tilespmem:$0x18480] =	vst v63  }
0x7c: {  	s30 =	sor.u32 $0x6C80, s25  }
0x7d: {  	[hbm4b:s9+s4] =	stream.indirect_vreg.scatter [tilespmem:s30], [sflag:$0x2], $0x80, v5, vm0, $0xb8;
	[tilespmem:$0x18480] =	vst v63  }
0x7e: {  	s31 =	sor.u32 $0x7480, s25  }
0x7f: {  	[hbm4b:s10+s4] =	stream.indirect_vreg.scatter [tilespmem:s31], [sflag:$0x2], $0x80, v5, vm0, $0xb8;
	[tilespmem:$0x18480] =	vst v63  }
0x80: {  	p0 =	sgt.u32 s24, $0x4;
	s25 =	sor.u32 $0x7C80, s25  }
0x81: {  	[hbm4b:s11+s4] =	stream.indirect_vreg.scatter [tilespmem:s25], [sflag:$0x2], $0x80, v5, vm0, $0xb8;
	[tilespmem:$0x18480] =	vst v63  }
0x82: {  	s24 =	sadd.s32 $0x1, s24;
	s25 =	simm.s32 @!p0 $0x2  }
0x83: {  	p1 =	sne.s32 s24, $0x8;
	_ =	swait.ge @!p0 [sflag:s25], $0x8000  }
.Ltmp1:
0x84: {  	[sflag:s25] =	ssyncset.done @!p0 $0x0;
	(pc) =	sbr.rel @p1 .LBB2_4-.Ltmp1, $4  }
0x85: {  	[sflag:s25] =	ssyncadd.s32 @!p0 $0xFFFF8000;
	s25 =	simm.s32 @!p0 $0x0  }
0x86: {  	[tilespmem:s26], [sflag:$0x1] =	stream.linear.gather @!p0 [hbm4b:s23+s25], $0x8000, $0x38;
	[tilespmem:$0x18480] =	vst v63  }
0x87: {  	p0 =	seq.s32 s21, $0x2;
	s21 =	sadd.s32 $0x1, s21  }
0x88: {  	s22 =	sadd.s32 $0x80, s22;
	s23 =	sadd.s32 $0x1000, s23;
	s21 =	simm.s32 @p0 $0x0  }
0x89: {  	_ =	swait.ge [sflag:s19], $0x8000  }
0x8a: {  	[sflag:s19] =	ssyncset.done $0x0  }
0x8b: {  	s20 =	sadd.s32 $0x1, s20;
	[sflag:s19] =	ssyncadd.s32 $0xFFFF8000  }
0x8c: {  	p0 =	sne.s32 s20, s12;
	_ =	swait.ge [sflag:s19], $0x8000  }
.Ltmp2:
0x8d: {  	[sflag:s19] =	ssyncset.done $0x0;
	(pc) =	sbr.rel @p0 .LBB2_1-.Ltmp2, $4  }
0x8e: {  	[sflag:s19] =	ssyncadd.s32 $0xFFFF8000  }
0x8f: {  	_ =	swait.ge [sflag:s19], $0x8000  }
0x90: {  	[sflag:s19] =	ssyncset.done $0x0  }
0x91: {  	[sflag:s19] =	ssyncadd.s32 $0xFFFF8000  }
0x92: {  	_ =	sfence.sel $0x180000  }
0x93: {  	[bflag:$0x0] =	sbarrier.arrive $0xFFFF  }
0x94: {  	p0 =	sne.s32 s1, $0x0;
	_ =	strace $0x90000047  }
0x95: {  	s0 =	sadd.s32 @!p0 $0x100000, s0;
	[bflag:$0x2] =	sbarrier.arrive $0xFFFF  }
0x96: {  	[sflag:s0] =	ssyncadd.tile.s32 @!p0 $0x1;
	_ =	shalt  }
.Lfunc_end2:
_tile_overlayer_lowered:
.L_overlay_start_2:
0x97: {  	(tag) =	ssettag $0x2  }
0x98: {  	s0 =	rddreg [dreg:$0x0];
	s2 =	stileid.u32  }
0x99: {  	s1 =	rddreg [dreg:$0x1];
	p0 =	sne.s32 s2, $0x0  }
0x9a: {  	s3 =	rddreg [dreg:$0x2];
	[bflag:$0x3] =	sbarrier.arrive $0xFFFF;
	s2 =	simm.s32 @!p0 $0x1C03  }
0x9b: {  	[timem:s3], [sflag:s2] =	dma.local @!p0 [hbm:s0], s1  }
0x9c: {  	s0 =	simm.s32 @!p0 $0x3  }
0x9d: {  	_ =	swait.ge @!p0 [sflag:s0], s1  }
0x9e: {  	s1 =	ssub.s32 @!p0 $0x0, s1;
	[sflag:s0] =	ssyncset.done @!p0 $0x0  }
0x9f: {  	[sflag:s0] =	ssyncadd.s32 @!p0 s1  }
0xa0: {  	[bflag:$0x3] =	sbarrier.arrive $0xFFFF  }
0xa1: {  	_ =	shalt  }

</sc_bundles>
